<compile_context>
chip_gen: v7x
topology: tpu7x:2x2x1
jax: 0.10.2.dev20260603
libtpu: 0.0.44.dev20260713+nightly
codegen_flags: <defaults>
</compile_context>

<pallas_src>
import jax
import jax.numpy as jnp
from jax import lax
from jax.experimental import pallas as pl
from jax.experimental.pallas import tpu as pltpu
from jax.experimental.pallas import tpu_sc as plsc

SCALE_FACTOR = 0.9
ZERO_POINT = 1e-08

BATCH = 128
DIM = 64
NOUT = 8192
MULT = NOUT // BATCH
PROW = DIM * MULT
NW = 32
ROWS_PER_W = BATCH // NW
L = 16


def _reduce_lanes(vec, op):
    s = vec[0]
    for i in range(1, L):
        s = op(s, vec[i])
    return s


def _sc_fused_body(zm_hbm, zv_hbm, x_hbm, eps_hbm, out_hbm,
                   zm_v, zv_v, eps_v, p_v, cnt_v, x_v, o_v,
                   in_sem, out_sem):
    wid = lax.axis_index("s") * 2 + lax.axis_index("c")
    r0 = wid * ROWS_PER_W
    ones = jnp.ones((L,), jnp.float32)

    pltpu.sync_copy(zm_hbm.at[pl.ds(r0, ROWS_PER_W)], zm_v)
    pltpu.sync_copy(zv_hbm.at[pl.ds(r0, ROWS_PER_W)], zv_v)

    def in_copies(rl):
        b = lax.rem(rl, 2)
        h1 = pltpu.make_async_copy(
            eps_hbm.at[pl.ds((r0 + rl) * MULT, MULT)], eps_v.at[b], in_sem)
        h2 = pltpu.make_async_copy(
            x_hbm.at[pl.ds(r0 + rl, 1)], x_v.at[pl.ds(b, 1)], in_sem)
        return h1, h2

    def out_copy(rl):
        b = lax.rem(rl, 2)
        return pltpu.make_async_copy(
            o_v.at[pl.ds(b, 1)], out_hbm.at[pl.ds(r0 + rl, 1)], out_sem)

    for h in in_copies(jnp.int32(0)):
        h.start()

    def row_body(rl, _):
        b = lax.rem(rl, 2)

        @pl.when(rl < ROWS_PER_W - 1)
        def _():
            for h in in_copies(rl + 1):
                h.start()

        ZU = 16
        zero = jnp.zeros((L,), jnp.float32)

        @plsc.parallel_loop(0, NOUT, step=ZU * L)
        def _(j):
            for k in range(ZU):
                cnt_v[pl.ds(j + k * L, L)] = zero

        @pl.when(rl >= 2)
        def _():
            out_copy(rl - 2).wait()

        for h in in_copies(rl):
            h.wait()

        scs = [jnp.exp(0.5 * zv_v[rl, pl.ds(k * L, L)]) for k in range(DIM // L)]
        zms = [zm_v[rl, pl.ds(k * L, L)] for k in range(DIM // L)]

        big = jnp.full((L,), jnp.inf, jnp.float32)
        KU = DIM // L

        @plsc.parallel_loop(0, MULT, step=1, unroll=4,
                            carry=((big,) * KU, (-big,) * KU))
        def samp_out(e, carry):
            mins, maxs = carry
            nmins, nmaxs = [], []
            for k in range(KU):
                v = zms[k] + scs[k] * eps_v[b, e, pl.ds(k * L, L)]
                p_v[pl.ds(e * DIM + k * L, L)] = v
                nmins.append(jnp.minimum(mins[k], v))
                nmaxs.append(jnp.maximum(maxs[k], v))
            return tuple(nmins), tuple(nmaxs)

        mins, maxs = samp_out
        vmin_v = jnp.minimum(jnp.minimum(mins[0], mins[1]), jnp.minimum(mins[2], mins[3]))
        vmax_v = jnp.maximum(jnp.maximum(maxs[0], maxs[1]), jnp.maximum(maxs[2], maxs[3]))
        vmin = _reduce_lanes(vmin_v, jnp.minimum)
        vmax = _reduce_lanes(vmax_v, jnp.maximum)
        width = (vmax - vmin) * jnp.float32(1.0 / NOUT)
        width = jnp.where(width <= 0.0, jnp.float32(1.0), width)
        vmin_b = jnp.full((L,), vmin, jnp.float32)
        inv_w_b = jnp.float32(1.0) / jnp.full((L,), width, jnp.float32)

        SU = 16

        @plsc.parallel_loop(0, PROW, step=SU * L)
        def _(j):
            for k in range(SU):
                v = p_v[pl.ds(j + k * L, L)]
                idx = ((v - vmin_b) * inv_w_b).astype(jnp.int32)
                idx = jnp.minimum(idx, NOUT - 1)
                plsc.addupdate_scatter(cnt_v, [idx], ones)

        MU = 8
        nbig = jnp.full((L,), -jnp.inf, jnp.float32)

        @plsc.parallel_loop(0, NOUT, step=MU * L, carry=(nbig,) * MU)
        def max_out(j, ms):
            return tuple(
                jnp.maximum(ms[k], cnt_v[pl.ds(j + k * L, L)])
                for k in range(MU)
            )

        ms = max_out
        maxc_v = ms[0]
        for k in range(1, MU):
            maxc_v = jnp.maximum(maxc_v, ms[k])
        maxc_b = jnp.full((L,), _reduce_lanes(maxc_v, jnp.maximum), jnp.float32)

        zero16 = jnp.zeros((L,), jnp.float32)

        @plsc.parallel_loop(0, NOUT, step=MU * L, carry=(zero16,) * MU)
        def sum_out(j, accs):
            naccs = []
            for k in range(MU):
                e = jnp.exp(cnt_v[pl.ds(j + k * L, L)] - maxc_b)
                cnt_v[pl.ds(j + k * L, L)] = e
                naccs.append(accs[k] + e)
            return tuple(naccs)

        accs = sum_out
        ssum = accs[0]
        for k in range(1, MU):
            ssum = ssum + accs[k]
        z_total = _reduce_lanes(ssum, lambda a, b: a + b)
        rz_b = jnp.float32(1.0) / jnp.full((L,), z_total, jnp.float32)
        thr_b = jnp.full((L,), jnp.float32(ZERO_POINT), jnp.float32)
        inv_s = jnp.float32(1.0 / SCALE_FACTOR)

        FU = 8

        @plsc.parallel_loop(0, NOUT, step=FU * L)
        def _(j):
            for k in range(FU):
                e = cnt_v[pl.ds(j + k * L, L)]
                p = e * rz_b
                o = x_v[b, pl.ds(j + k * L, L)] * p * inv_s
                o_v[b, pl.ds(j + k * L, L)] = jnp.where(p < thr_b, zero16, o)

        out_copy(rl).start()
        return 0

    lax.fori_loop(0, ROWS_PER_W, row_body, 0)

    out_copy(jnp.int32(ROWS_PER_W - 2)).wait()
    out_copy(jnp.int32(ROWS_PER_W - 1)).wait()


def kernel(z_mean, z_var, x, epsilon):
    mesh = plsc.VectorSubcoreMesh(core_axis_name="c", subcore_axis_name="s")
    f = pl.kernel(
        _sc_fused_body,
        mesh=mesh,
        out_type=jax.ShapeDtypeStruct((BATCH, NOUT), jnp.float32),
        scratch_types=[
            pltpu.VMEM((ROWS_PER_W, DIM), jnp.float32),
            pltpu.VMEM((ROWS_PER_W, DIM), jnp.float32),
            pltpu.VMEM((2, MULT, DIM), jnp.float32),
            pltpu.VMEM((PROW,), jnp.float32),
            pltpu.VMEM((NOUT,), jnp.float32),
            pltpu.VMEM((2, NOUT), jnp.float32),
            pltpu.VMEM((2, NOUT), jnp.float32),
            pltpu.SemaphoreType.DMA,
            pltpu.SemaphoreType.DMA,
        ],
        compiler_params=pltpu.CompilerParams(needs_layout_passes=False),
    )
    return f(z_mean, z_var, x, epsilon)

# --- scband reference (transcript-rebuilt; emitter-appended) ---
"""Pipeline reference for scband-probability-dropout-37761352466766 (READ-ONLY COPY).

The authoritative reference and input builder live on the scoring server;
editing this copy changes nothing except your own understanding.
"""

import jax, jax.numpy as jnp
import numpy as np

SCALE_FACTOR = 0.9
ZERO_POINT = 1e-08

def setup_inputs(seed: int = 0) -> dict:
    key = jax.random.key(seed)
    k1, k2, k3, k4 = jax.random.split(key, 4)
    batch, dim = 128, 64
    num_outputs = 8192
    z_mean = jax.random.normal(k1, (batch, dim), dtype=jnp.float32)
    z_var = jax.random.normal(k2, (batch, dim), dtype=jnp.float32)
    x = jax.random.normal(k3, (batch, num_outputs), dtype=jnp.float32)
    # epsilon materialized here so reference is deterministic
    multiplier = num_outputs // batch
    epsilon = jax.random.normal(k4, (batch * multiplier, dim), dtype=jnp.float32)
    return {"z_mean": z_mean, "z_var": z_var, "x": x, "epsilon": epsilon}

def _histogram_fixed_width(values, vmin, vmax, nbins):
    # mimic tf.histogram_fixed_width: clamp to [vmin, vmax], uniform bins
    width = (vmax - vmin) / nbins
    # avoid div by zero when all values equal
    width = jnp.where(width <= 0, 1.0, width)
    idx = jnp.floor((values - vmin) / width).astype(jnp.int32)
    idx = jnp.clip(idx, 0, nbins - 1)
    counts = jnp.zeros((nbins,), dtype=jnp.int32).at[idx].add(1)
    return counts

def reference(z_mean, z_var, x, epsilon):
    batch, dim = z_mean.shape
    num_outputs = x.shape[1]
    multiplier = num_outputs // batch
    z_mean_r = jnp.repeat(z_mean, multiplier, axis=0)
    z_var_r = jnp.repeat(z_var, multiplier, axis=0)
    z = z_mean_r + jnp.exp(0.5 * z_var_r) * epsilon
    z = jnp.reshape(z, (batch, dim * multiplier))

    def dropprob(p):
        vmin = jnp.min(p)
        vmax = jnp.max(p)
        counts = _histogram_fixed_width(p, vmin, vmax, num_outputs)
        return jax.nn.softmax(counts.astype(jnp.float32))

    probs = jax.vmap(dropprob)(z)
    probs = jnp.where(probs < ZERO_POINT, jnp.zeros_like(probs), probs)
    return x * probs / SCALE_FACTOR

if __name__ == "__main__":
    import jax
    _d = setup_inputs()
    print(jax.jit(kernel)(*tuple(_d.values())))

</pallas_src>

<mosaic_0001>
#map = affine_map<(d0, d1) -> (0, 0)>
module attributes {stable_mosaic.version = 14 : i64} {
  func.func @_sc_fused_body(%arg0: i32, %arg1: i32, %arg2: memref<128x64xf32, #tpu.memory_space<hbm>>, %arg3: memref<128x64xf32, #tpu.memory_space<hbm>>, %arg4: memref<128x8192xf32, #tpu.memory_space<hbm>>, %arg5: memref<8192x64xf32, #tpu.memory_space<hbm>>, %arg6: memref<128x8192xf32, #tpu.memory_space<hbm>>, %arg7: memref<4x64xf32, #tpu.memory_space<vmem>>, %arg8: memref<4x64xf32, #tpu.memory_space<vmem>>, %arg9: memref<2x64x64xf32, #tpu.memory_space<vmem>>, %arg10: memref<4096xf32, #tpu.memory_space<vmem>>, %arg11: memref<8192xf32, #tpu.memory_space<vmem>>, %arg12: memref<2x8192xf32, #tpu.memory_space<vmem>>, %arg13: memref<2x8192xf32, #tpu.memory_space<vmem>>, %arg14: memref<!tpu.dma_semaphore, #tpu.memory_space<semaphore_mem>>, %arg15: memref<!tpu.dma_semaphore, #tpu.memory_space<semaphore_mem>>) attributes {dimension_semantics = [#tpu.dimension_semantics<core_parallel>, #tpu.dimension_semantics<subcore_parallel>], iteration_bounds = array<i64: 2, 16>, scalar_prefetch = 0 : i64, scratch_operands = 9 : i64, tpu.core_type = #tpu.core_type<sc_vector_subcore>, window_params = [{transform_indices = #map}, {transform_indices = #map}, {transform_indices = #map}, {transform_indices = #map}, {transform_indices = #map}]} {
    %mul3A = arith.constant 2 : i32
    %mul3A_0 = arith.muli %arg1, %mul3A : i32
    %add3A = arith.addi %mul3A_0, %arg0 : i32
    %mul3A_1 = arith.constant 4 : i32
    %mul3A_2 = arith.muli %add3A, %mul3A_1 : i32
    %broadcast_in_dim3A = arith.constant 1.000000e+00 : f32
    %broadcast_in_dim3A_3 = vector.broadcast %broadcast_in_dim3A : f32 to vector<16xf32>
    "tpu.region"() ({
      %run_scoped3A = tpu.sem_alloc : memref<!tpu.dma_semaphore, #tpu.memory_space<semaphore_mem>>
      %dma_start3A_62 = arith.constant 0 : i32
      %dma_start3A_63 = tpu.memref_slice %arg2[%mul3A_2, %dma_start3A_62] : memref<128x64xf32, #tpu.memory_space<hbm>> -> memref<4x64xf32, #tpu.memory_space<hbm>>
      %dma_start3A_64 = arith.constant 0 : i32
      %dma_start3A_65 = tpu.memref_slice %arg2[%mul3A_2, %dma_start3A_64] : memref<128x64xf32, #tpu.memory_space<hbm>> -> memref<4x64xf32, #tpu.memory_space<hbm>>
      tpu.enqueue_dma source(%dma_start3A_65 : memref<4x64xf32, #tpu.memory_space<hbm>>) target(%arg7 : memref<4x64xf32, #tpu.memory_space<vmem>>) target_semaphore(%run_scoped3A : memref<!tpu.dma_semaphore, #tpu.memory_space<semaphore_mem>>)
      %dma_wait3A_66 = arith.constant 0 : i32
      %dma_wait3A_67 = tpu.memref_slice %arg2[%mul3A_2, %dma_wait3A_66] : memref<128x64xf32, #tpu.memory_space<hbm>> -> memref<4x64xf32, #tpu.memory_space<hbm>>
      %dma_wait3A_68 = arith.constant 0 : i32
      %dma_wait3A_69 = tpu.memref_slice %arg2[%mul3A_2, %dma_wait3A_68] : memref<128x64xf32, #tpu.memory_space<hbm>> -> memref<4x64xf32, #tpu.memory_space<hbm>>
      tpu.wait_dma2 semaphore(%run_scoped3A : memref<!tpu.dma_semaphore, #tpu.memory_space<semaphore_mem>>) src(%dma_wait3A_69 : memref<4x64xf32, #tpu.memory_space<hbm>>) dst(%arg7 : memref<4x64xf32, #tpu.memory_space<vmem>>)
      tpu.yield
    }) : () -> ()
    "tpu.region"() ({
      %run_scoped3A = tpu.sem_alloc : memref<!tpu.dma_semaphore, #tpu.memory_space<semaphore_mem>>
      %dma_start3A_62 = arith.constant 0 : i32
      %dma_start3A_63 = tpu.memref_slice %arg3[%mul3A_2, %dma_start3A_62] : memref<128x64xf32, #tpu.memory_space<hbm>> -> memref<4x64xf32, #tpu.memory_space<hbm>>
      %dma_start3A_64 = arith.constant 0 : i32
      %dma_start3A_65 = tpu.memref_slice %arg3[%mul3A_2, %dma_start3A_64] : memref<128x64xf32, #tpu.memory_space<hbm>> -> memref<4x64xf32, #tpu.memory_space<hbm>>
      tpu.enqueue_dma source(%dma_start3A_65 : memref<4x64xf32, #tpu.memory_space<hbm>>) target(%arg8 : memref<4x64xf32, #tpu.memory_space<vmem>>) target_semaphore(%run_scoped3A : memref<!tpu.dma_semaphore, #tpu.memory_space<semaphore_mem>>)
      %dma_wait3A_66 = arith.constant 0 : i32
      %dma_wait3A_67 = tpu.memref_slice %arg3[%mul3A_2, %dma_wait3A_66] : memref<128x64xf32, #tpu.memory_space<hbm>> -> memref<4x64xf32, #tpu.memory_space<hbm>>
      %dma_wait3A_68 = arith.constant 0 : i32
      %dma_wait3A_69 = tpu.memref_slice %arg3[%mul3A_2, %dma_wait3A_68] : memref<128x64xf32, #tpu.memory_space<hbm>> -> memref<4x64xf32, #tpu.memory_space<hbm>>
      tpu.wait_dma2 semaphore(%run_scoped3A : memref<!tpu.dma_semaphore, #tpu.memory_space<semaphore_mem>>) src(%dma_wait3A_69 : memref<4x64xf32, #tpu.memory_space<hbm>>) dst(%arg8 : memref<4x64xf32, #tpu.memory_space<vmem>>)
      tpu.yield
    }) : () -> ()
    %rem3A = arith.constant 0 : i32
    %rem3A_4 = arith.constant 2 : i32
    %rem3A_5 = arith.remsi %rem3A, %rem3A_4 : i32
    %add3A_6 = arith.constant 0 : i32
    %add3A_7 = arith.addi %mul3A_2, %add3A_6 : i32
    %mul3A_8 = arith.constant 64 : i32
    %mul3A_9 = arith.muli %add3A_7, %mul3A_8 : i32
    %add3A_10 = arith.constant 0 : i32
    %add3A_11 = arith.addi %mul3A_2, %add3A_10 : i32
    %dma_start3A = arith.constant 0 : i32
    %dma_start3A_12 = arith.constant 0 : i32
    %dma_start3A_13 = tpu.memref_slice %arg9[%rem3A_5, %dma_start3A, %dma_start3A_12] : memref<2x64x64xf32, #tpu.memory_space<vmem>> -> memref<1x64x64xf32, #tpu.memory_space<vmem>>
    %dma_start3A_14 = tpu.memref_squeeze %dma_start3A_13 : memref<1x64x64xf32, #tpu.memory_space<vmem>> -> memref<64x64xf32, #tpu.memory_space<vmem>>
    %dma_start3A_15 = arith.constant 0 : i32
    %dma_start3A_16 = tpu.memref_slice %arg5[%mul3A_9, %dma_start3A_15] : memref<8192x64xf32, #tpu.memory_space<hbm>> -> memref<64x64xf32, #tpu.memory_space<hbm>>
    %dma_start3A_17 = arith.constant 0 : i32
    %dma_start3A_18 = arith.constant 0 : i32
    %dma_start3A_19 = tpu.memref_slice %arg9[%rem3A_5, %dma_start3A_17, %dma_start3A_18] : memref<2x64x64xf32, #tpu.memory_space<vmem>> -> memref<1x64x64xf32, #tpu.memory_space<vmem>>
    %dma_start3A_20 = tpu.memref_squeeze %dma_start3A_19 : memref<1x64x64xf32, #tpu.memory_space<vmem>> -> memref<64x64xf32, #tpu.memory_space<vmem>>
    %dma_start3A_21 = arith.constant 0 : i32
    %dma_start3A_22 = tpu.memref_slice %arg5[%mul3A_9, %dma_start3A_21] : memref<8192x64xf32, #tpu.memory_space<hbm>> -> memref<64x64xf32, #tpu.memory_space<hbm>>
    tpu.enqueue_dma source(%dma_start3A_22 : memref<64x64xf32, #tpu.memory_space<hbm>>) target(%dma_start3A_20 : memref<64x64xf32, #tpu.memory_space<vmem>>) target_semaphore(%arg14 : memref<!tpu.dma_semaphore, #tpu.memory_space<semaphore_mem>>)
    %dma_start3A_23 = arith.constant 0 : i32
    %dma_start3A_24 = tpu.memref_slice %arg12[%rem3A_5, %dma_start3A_23] : memref<2x8192xf32, #tpu.memory_space<vmem>> -> memref<1x8192xf32, #tpu.memory_space<vmem>>
    %dma_start3A_25 = arith.constant 0 : i32
    %dma_start3A_26 = tpu.memref_slice %arg4[%add3A_11, %dma_start3A_25] : memref<128x8192xf32, #tpu.memory_space<hbm>> -> memref<1x8192xf32, #tpu.memory_space<hbm>>
    %dma_start3A_27 = arith.constant 0 : i32
    %dma_start3A_28 = tpu.memref_slice %arg12[%rem3A_5, %dma_start3A_27] : memref<2x8192xf32, #tpu.memory_space<vmem>> -> memref<1x8192xf32, #tpu.memory_space<vmem>>
    %dma_start3A_29 = arith.constant 0 : i32
    %dma_start3A_30 = tpu.memref_slice %arg4[%add3A_11, %dma_start3A_29] : memref<128x8192xf32, #tpu.memory_space<hbm>> -> memref<1x8192xf32, #tpu.memory_space<hbm>>
    tpu.enqueue_dma source(%dma_start3A_30 : memref<1x8192xf32, #tpu.memory_space<hbm>>) target(%dma_start3A_28 : memref<1x8192xf32, #tpu.memory_space<vmem>>) target_semaphore(%arg14 : memref<!tpu.dma_semaphore, #tpu.memory_space<semaphore_mem>>)
    %scan3A = arith.constant 0 : i32
    %scan3A_31 = arith.constant 0 : i32
    %scan3A_32 = arith.constant 4 : i32
    %scan3A_33 = arith.addi %scan3A_31, %scan3A_32 : i32
    %scan3A_34 = arith.constant 1 : i32
    %scan3A_35 = scf.for %scan3A_62 = %scan3A_31 to %scan3A_33 step %scan3A_34 iter_args(%scan3A_63 = %scan3A) -> (i32)  : i32 {
      %rem3A_64 = arith.constant 2 : i32
      %rem3A_65 = arith.remsi %scan3A_62, %rem3A_64 : i32
      %lt3A = arith.constant 3 : i32
      %lt3A_66 = arith.cmpi slt, %scan3A_62, %lt3A : i32
      %convert_element_type3A = arith.extui %lt3A_66 : i1 to i32
      %cond3A = arith.constant 0 : i32
      %cond3A_67 = arith.cmpi ne, %convert_element_type3A, %cond3A : i32
      scf.if %cond3A_67 {
        %add3A_397 = arith.constant 1 : i32
        %add3A_398 = arith.addi %scan3A_62, %add3A_397 : i32
        %rem3A_399 = arith.constant 2 : i32
        %rem3A_400 = arith.remsi %add3A_398, %rem3A_399 : i32
        %add3A_401 = arith.addi %mul3A_2, %add3A_398 : i32
        %mul3A_402 = arith.constant 64 : i32
        %mul3A_403 = arith.muli %add3A_401, %mul3A_402 : i32
        %add3A_404 = arith.addi %mul3A_2, %add3A_398 : i32
        %dma_start3A_405 = arith.constant 0 : i32
        %dma_start3A_406 = arith.constant 0 : i32
        %dma_start3A_407 = tpu.memref_slice %arg9[%rem3A_400, %dma_start3A_405, %dma_start3A_406] : memref<2x64x64xf32, #tpu.memory_space<vmem>> -> memref<1x64x64xf32, #tpu.memory_space<vmem>>
        %dma_start3A_408 = tpu.memref_squeeze %dma_start3A_407 : memref<1x64x64xf32, #tpu.memory_space<vmem>> -> memref<64x64xf32, #tpu.memory_space<vmem>>
        %dma_start3A_409 = arith.constant 0 : i32
        %dma_start3A_410 = tpu.memref_slice %arg5[%mul3A_403, %dma_start3A_409] : memref<8192x64xf32, #tpu.memory_space<hbm>> -> memref<64x64xf32, #tpu.memory_space<hbm>>
        %dma_start3A_411 = arith.constant 0 : i32
        %dma_start3A_412 = arith.constant 0 : i32
        %dma_start3A_413 = tpu.memref_slice %arg9[%rem3A_400, %dma_start3A_411, %dma_start3A_412] : memref<2x64x64xf32, #tpu.memory_space<vmem>> -> memref<1x64x64xf32, #tpu.memory_space<vmem>>
        %dma_start3A_414 = tpu.memref_squeeze %dma_start3A_413 : memref<1x64x64xf32, #tpu.memory_space<vmem>> -> memref<64x64xf32, #tpu.memory_space<vmem>>
        %dma_start3A_415 = arith.constant 0 : i32
        %dma_start3A_416 = tpu.memref_slice %arg5[%mul3A_403, %dma_start3A_415] : memref<8192x64xf32, #tpu.memory_space<hbm>> -> memref<64x64xf32, #tpu.memory_space<hbm>>
        tpu.enqueue_dma source(%dma_start3A_416 : memref<64x64xf32, #tpu.memory_space<hbm>>) target(%dma_start3A_414 : memref<64x64xf32, #tpu.memory_space<vmem>>) target_semaphore(%arg14 : memref<!tpu.dma_semaphore, #tpu.memory_space<semaphore_mem>>)
        %dma_start3A_417 = arith.constant 0 : i32
        %dma_start3A_418 = tpu.memref_slice %arg12[%rem3A_400, %dma_start3A_417] : memref<2x8192xf32, #tpu.memory_space<vmem>> -> memref<1x8192xf32, #tpu.memory_space<vmem>>
        %dma_start3A_419 = arith.constant 0 : i32
        %dma_start3A_420 = tpu.memref_slice %arg4[%add3A_404, %dma_start3A_419] : memref<128x8192xf32, #tpu.memory_space<hbm>> -> memref<1x8192xf32, #tpu.memory_space<hbm>>
        %dma_start3A_421 = arith.constant 0 : i32
        %dma_start3A_422 = tpu.memref_slice %arg12[%rem3A_400, %dma_start3A_421] : memref<2x8192xf32, #tpu.memory_space<vmem>> -> memref<1x8192xf32, #tpu.memory_space<vmem>>
        %dma_start3A_423 = arith.constant 0 : i32
        %dma_start3A_424 = tpu.memref_slice %arg4[%add3A_404, %dma_start3A_423] : memref<128x8192xf32, #tpu.memory_space<hbm>> -> memref<1x8192xf32, #tpu.memory_space<hbm>>
        tpu.enqueue_dma source(%dma_start3A_424 : memref<1x8192xf32, #tpu.memory_space<hbm>>) target(%dma_start3A_422 : memref<1x8192xf32, #tpu.memory_space<vmem>>) target_semaphore(%arg14 : memref<!tpu.dma_semaphore, #tpu.memory_space<semaphore_mem>>)
      } else {
      }
      %broadcast_in_dim3A_68 = arith.constant 0.000000e+00 : f32
      %broadcast_in_dim3A_69 = vector.broadcast %broadcast_in_dim3A_68 : f32 to vector<16xf32>
      %parallel_loop3A = arith.constant 0 : i32
      %parallel_loop3A_70 = arith.constant 8192 : i32
      %parallel_loop3A_71 = arith.constant 256 : i32
      scf.for %parallel_loop3A_397 = %parallel_loop3A to %parallel_loop3A_70 step %parallel_loop3A_71  : i32 {
        %parallel_loop3A_398 = arith.constant 0 : i32
        %parallel_loop3A_399 = arith.addi %parallel_loop3A_397, %parallel_loop3A_398 : i32
        %parallel_loop3A_400 = arith.index_cast %parallel_loop3A_399 : i32 to index
        %parallel_loop3A_401 = tpu.vector_load %arg11[%parallel_loop3A_400] {strides = array<i32>} : memref<8192xf32, #tpu.memory_space<vmem>>, vector<16xf32>,
        tpu.vector_store %arg11[%parallel_loop3A_400], %broadcast_in_dim3A_69 {strides = array<i32>} : memref<8192xf32, #tpu.memory_space<vmem>>, vector<16xf32>,
        %parallel_loop3A_402 = arith.constant 16 : i32
        %parallel_loop3A_403 = arith.addi %parallel_loop3A_397, %parallel_loop3A_402 : i32
        %parallel_loop3A_404 = arith.index_cast %parallel_loop3A_403 : i32 to index
        %parallel_loop3A_405 = tpu.vector_load %arg11[%parallel_loop3A_404] {strides = array<i32>} : memref<8192xf32, #tpu.memory_space<vmem>>, vector<16xf32>,
        tpu.vector_store %arg11[%parallel_loop3A_404], %broadcast_in_dim3A_69 {strides = array<i32>} : memref<8192xf32, #tpu.memory_space<vmem>>, vector<16xf32>,
        %parallel_loop3A_406 = arith.constant 32 : i32
        %parallel_loop3A_407 = arith.addi %parallel_loop3A_397, %parallel_loop3A_406 : i32
        %parallel_loop3A_408 = arith.index_cast %parallel_loop3A_407 : i32 to index
        %parallel_loop3A_409 = tpu.vector_load %arg11[%parallel_loop3A_408] {strides = array<i32>} : memref<8192xf32, #tpu.memory_space<vmem>>, vector<16xf32>,
        tpu.vector_store %arg11[%parallel_loop3A_408], %broadcast_in_dim3A_69 {strides = array<i32>} : memref<8192xf32, #tpu.memory_space<vmem>>, vector<16xf32>,
        %parallel_loop3A_410 = arith.constant 48 : i32
        %parallel_loop3A_411 = arith.addi %parallel_loop3A_397, %parallel_loop3A_410 : i32
        %parallel_loop3A_412 = arith.index_cast %parallel_loop3A_411 : i32 to index
        %parallel_loop3A_413 = tpu.vector_load %arg11[%parallel_loop3A_412] {strides = array<i32>} : memref<8192xf32, #tpu.memory_space<vmem>>, vector<16xf32>,
        tpu.vector_store %arg11[%parallel_loop3A_412], %broadcast_in_dim3A_69 {strides = array<i32>} : memref<8192xf32, #tpu.memory_space<vmem>>, vector<16xf32>,
        %parallel_loop3A_414 = arith.constant 64 : i32
        %parallel_loop3A_415 = arith.addi %parallel_loop3A_397, %parallel_loop3A_414 : i32
        %parallel_loop3A_416 = arith.index_cast %parallel_loop3A_415 : i32 to index
        %parallel_loop3A_417 = tpu.vector_load %arg11[%parallel_loop3A_416] {strides = array<i32>} : memref<8192xf32, #tpu.memory_space<vmem>>, vector<16xf32>,
        tpu.vector_store %arg11[%parallel_loop3A_416], %broadcast_in_dim3A_69 {strides = array<i32>} : memref<8192xf32, #tpu.memory_space<vmem>>, vector<16xf32>,
        %parallel_loop3A_418 = arith.constant 80 : i32
        %parallel_loop3A_419 = arith.addi %parallel_loop3A_397, %parallel_loop3A_418 : i32
        %parallel_loop3A_420 = arith.index_cast %parallel_loop3A_419 : i32 to index
        %parallel_loop3A_421 = tpu.vector_load %arg11[%parallel_loop3A_420] {strides = array<i32>} : memref<8192xf32, #tpu.memory_space<vmem>>, vector<16xf32>,
        tpu.vector_store %arg11[%parallel_loop3A_420], %broadcast_in_dim3A_69 {strides = array<i32>} : memref<8192xf32, #tpu.memory_space<vmem>>, vector<16xf32>,
        %parallel_loop3A_422 = arith.constant 96 : i32
        %parallel_loop3A_423 = arith.addi %parallel_loop3A_397, %parallel_loop3A_422 : i32
        %parallel_loop3A_424 = arith.index_cast %parallel_loop3A_423 : i32 to index
        %parallel_loop3A_425 = tpu.vector_load %arg11[%parallel_loop3A_424] {strides = array<i32>} : memref<8192xf32, #tpu.memory_space<vmem>>, vector<16xf32>,
        tpu.vector_store %arg11[%parallel_loop3A_424], %broadcast_in_dim3A_69 {strides = array<i32>} : memref<8192xf32, #tpu.memory_space<vmem>>, vector<16xf32>,
        %parallel_loop3A_426 = arith.constant 112 : i32
        %parallel_loop3A_427 = arith.addi %parallel_loop3A_397, %parallel_loop3A_426 : i32
        %parallel_loop3A_428 = arith.index_cast %parallel_loop3A_427 : i32 to index
        %parallel_loop3A_429 = tpu.vector_load %arg11[%parallel_loop3A_428] {strides = array<i32>} : memref<8192xf32, #tpu.memory_space<vmem>>, vector<16xf32>,
        tpu.vector_store %arg11[%parallel_loop3A_428], %broadcast_in_dim3A_69 {strides = array<i32>} : memref<8192xf32, #tpu.memory_space<vmem>>, vector<16xf32>,
        %parallel_loop3A_430 = arith.constant 128 : i32
        %parallel_loop3A_431 = arith.addi %parallel_loop3A_397, %parallel_loop3A_430 : i32
        %parallel_loop3A_432 = arith.index_cast %parallel_loop3A_431 : i32 to index
        %parallel_loop3A_433 = tpu.vector_load %arg11[%parallel_loop3A_432] {strides = array<i32>} : memref<8192xf32, #tpu.memory_space<vmem>>, vector<16xf32>,
        tpu.vector_store %arg11[%parallel_loop3A_432], %broadcast_in_dim3A_69 {strides = array<i32>} : memref<8192xf32, #tpu.memory_space<vmem>>, vector<16xf32>,
        %parallel_loop3A_434 = arith.constant 144 : i32
        %parallel_loop3A_435 = arith.addi %parallel_loop3A_397, %parallel_loop3A_434 : i32
        %parallel_loop3A_436 = arith.index_cast %parallel_loop3A_435 : i32 to index
        %parallel_loop3A_437 = tpu.vector_load %arg11[%parallel_loop3A_436] {strides = array<i32>} : memref<8192xf32, #tpu.memory_space<vmem>>, vector<16xf32>,
        tpu.vector_store %arg11[%parallel_loop3A_436], %broadcast_in_dim3A_69 {strides = array<i32>} : memref<8192xf32, #tpu.memory_space<vmem>>, vector<16xf32>,
        %parallel_loop3A_438 = arith.constant 160 : i32
        %parallel_loop3A_439 = arith.addi %parallel_loop3A_397, %parallel_loop3A_438 : i32
        %parallel_loop3A_440 = arith.index_cast %parallel_loop3A_439 : i32 to index
        %parallel_loop3A_441 = tpu.vector_load %arg11[%parallel_loop3A_440] {strides = array<i32>} : memref<8192xf32, #tpu.memory_space<vmem>>, vector<16xf32>,
        tpu.vector_store %arg11[%parallel_loop3A_440], %broadcast_in_dim3A_69 {strides = array<i32>} : memref<8192xf32, #tpu.memory_space<vmem>>, vector<16xf32>,
        %parallel_loop3A_442 = arith.constant 176 : i32
        %parallel_loop3A_443 = arith.addi %parallel_loop3A_397, %parallel_loop3A_442 : i32
        %parallel_loop3A_444 = arith.index_cast %parallel_loop3A_443 : i32 to index
        %parallel_loop3A_445 = tpu.vector_load %arg11[%parallel_loop3A_444] {strides = array<i32>} : memref<8192xf32, #tpu.memory_space<vmem>>, vector<16xf32>,
        tpu.vector_store %arg11[%parallel_loop3A_444], %broadcast_in_dim3A_69 {strides = array<i32>} : memref<8192xf32, #tpu.memory_space<vmem>>, vector<16xf32>,
        %parallel_loop3A_446 = arith.constant 192 : i32
        %parallel_loop3A_447 = arith.addi %parallel_loop3A_397, %parallel_loop3A_446 : i32
        %parallel_loop3A_448 = arith.index_cast %parallel_loop3A_447 : i32 to index
        %parallel_loop3A_449 = tpu.vector_load %arg11[%parallel_loop3A_448] {strides = array<i32>} : memref<8192xf32, #tpu.memory_space<vmem>>, vector<16xf32>,
        tpu.vector_store %arg11[%parallel_loop3A_448], %broadcast_in_dim3A_69 {strides = array<i32>} : memref<8192xf32, #tpu.memory_space<vmem>>, vector<16xf32>,
        %parallel_loop3A_450 = arith.constant 208 : i32
        %parallel_loop3A_451 = arith.addi %parallel_loop3A_397, %parallel_loop3A_450 : i32
        %parallel_loop3A_452 = arith.index_cast %parallel_loop3A_451 : i32 to index
        %parallel_loop3A_453 = tpu.vector_load %arg11[%parallel_loop3A_452] {strides = array<i32>} : memref<8192xf32, #tpu.memory_space<vmem>>, vector<16xf32>,
        tpu.vector_store %arg11[%parallel_loop3A_452], %broadcast_in_dim3A_69 {strides = array<i32>} : memref<8192xf32, #tpu.memory_space<vmem>>, vector<16xf32>,
        %parallel_loop3A_454 = arith.constant 224 : i32
        %parallel_loop3A_455 = arith.addi %parallel_loop3A_397, %parallel_loop3A_454 : i32
        %parallel_loop3A_456 = arith.index_cast %parallel_loop3A_455 : i32 to index
        %parallel_loop3A_457 = tpu.vector_load %arg11[%parallel_loop3A_456] {strides = array<i32>} : memref<8192xf32, #tpu.memory_space<vmem>>, vector<16xf32>,
        tpu.vector_store %arg11[%parallel_loop3A_456], %broadcast_in_dim3A_69 {strides = array<i32>} : memref<8192xf32, #tpu.memory_space<vmem>>, vector<16xf32>,
        %parallel_loop3A_458 = arith.constant 240 : i32
        %parallel_loop3A_459 = arith.addi %parallel_loop3A_397, %parallel_loop3A_458 : i32
        %parallel_loop3A_460 = arith.index_cast %parallel_loop3A_459 : i32 to index
        %parallel_loop3A_461 = tpu.vector_load %arg11[%parallel_loop3A_460] {strides = array<i32>} : memref<8192xf32, #tpu.memory_space<vmem>>, vector<16xf32>,
        tpu.vector_store %arg11[%parallel_loop3A_460], %broadcast_in_dim3A_69 {strides = array<i32>} : memref<8192xf32, #tpu.memory_space<vmem>>, vector<16xf32>,
      } {sc.loop_unroll_factor = 1 : i64, sc.parallel_access}
      %ge3A = arith.constant 2 : i32
      %ge3A_72 = arith.cmpi sge, %scan3A_62, %ge3A : i32
      %convert_element_type3A_73 = arith.extui %ge3A_72 : i1 to i32
      %cond3A_74 = arith.constant 0 : i32
      %cond3A_75 = arith.cmpi ne, %convert_element_type3A_73, %cond3A_74 : i32
      scf.if %cond3A_75 {
        %sub3A_397 = arith.constant 2 : i32
        %sub3A_398 = arith.subi %scan3A_62, %sub3A_397 : i32
        %rem3A_399 = arith.constant 2 : i32
        %rem3A_400 = arith.remsi %sub3A_398, %rem3A_399 : i32
        %add3A_401 = arith.addi %mul3A_2, %sub3A_398 : i32
        %dma_wait3A_402 = arith.constant 0 : i32
        %dma_wait3A_403 = tpu.memref_slice %arg13[%rem3A_400, %dma_wait3A_402] : memref<2x8192xf32, #tpu.memory_space<vmem>> -> memref<1x8192xf32, #tpu.memory_space<vmem>>
        %dma_wait3A_404 = arith.constant 0 : i32
        %dma_wait3A_405 = tpu.memref_slice %arg6[%add3A_401, %dma_wait3A_404] : memref<128x8192xf32, #tpu.memory_space<hbm>> -> memref<1x8192xf32, #tpu.memory_space<hbm>>
        %dma_wait3A_406 = arith.constant 0 : i32
        %dma_wait3A_407 = tpu.memref_slice %arg6[%add3A_401, %dma_wait3A_406] : memref<128x8192xf32, #tpu.memory_space<hbm>> -> memref<1x8192xf32, #tpu.memory_space<hbm>>
        %dma_wait3A_408 = arith.constant 0 : i32
        %dma_wait3A_409 = tpu.memref_slice %arg13[%rem3A_400, %dma_wait3A_408] : memref<2x8192xf32, #tpu.memory_space<vmem>> -> memref<1x8192xf32, #tpu.memory_space<vmem>>
        tpu.wait_dma2 semaphore(%arg15 : memref<!tpu.dma_semaphore, #tpu.memory_space<semaphore_mem>>) src(%dma_wait3A_409 : memref<1x8192xf32, #tpu.memory_space<vmem>>) dst(%dma_wait3A_407 : memref<1x8192xf32, #tpu.memory_space<hbm>>)
      } else {
      }
      %rem3A_76 = arith.constant 2 : i32
      %rem3A_77 = arith.remsi %scan3A_62, %rem3A_76 : i32
      %add3A_78 = arith.addi %mul3A_2, %scan3A_62 : i32
      %mul3A_79 = arith.constant 64 : i32
      %mul3A_80 = arith.muli %add3A_78, %mul3A_79 : i32
      %add3A_81 = arith.addi %mul3A_2, %scan3A_62 : i32
      %dma_wait3A_82 = arith.constant 0 : i32
      %dma_wait3A_83 = arith.constant 0 : i32
      %dma_wait3A_84 = tpu.memref_slice %arg9[%rem3A_77, %dma_wait3A_82, %dma_wait3A_83] : memref<2x64x64xf32, #tpu.memory_space<vmem>> -> memref<1x64x64xf32, #tpu.memory_space<vmem>>
      %dma_wait3A_85 = tpu.memref_squeeze %dma_wait3A_84 : memref<1x64x64xf32, #tpu.memory_space<vmem>> -> memref<64x64xf32, #tpu.memory_space<vmem>>
      %dma_wait3A_86 = arith.constant 0 : i32
      %dma_wait3A_87 = tpu.memref_slice %arg5[%mul3A_80, %dma_wait3A_86] : memref<8192x64xf32, #tpu.memory_space<hbm>> -> memref<64x64xf32, #tpu.memory_space<hbm>>
      %dma_wait3A_88 = arith.constant 0 : i32
      %dma_wait3A_89 = arith.constant 0 : i32
      %dma_wait3A_90 = tpu.memref_slice %arg9[%rem3A_77, %dma_wait3A_88, %dma_wait3A_89] : memref<2x64x64xf32, #tpu.memory_space<vmem>> -> memref<1x64x64xf32, #tpu.memory_space<vmem>>
      %dma_wait3A_91 = tpu.memref_squeeze %dma_wait3A_90 : memref<1x64x64xf32, #tpu.memory_space<vmem>> -> memref<64x64xf32, #tpu.memory_space<vmem>>
      %dma_wait3A_92 = arith.constant 0 : i32
      %dma_wait3A_93 = tpu.memref_slice %arg5[%mul3A_80, %dma_wait3A_92] : memref<8192x64xf32, #tpu.memory_space<hbm>> -> memref<64x64xf32, #tpu.memory_space<hbm>>
      tpu.wait_dma2 semaphore(%arg14 : memref<!tpu.dma_semaphore, #tpu.memory_space<semaphore_mem>>) src(%dma_wait3A_93 : memref<64x64xf32, #tpu.memory_space<hbm>>) dst(%dma_wait3A_91 : memref<64x64xf32, #tpu.memory_space<vmem>>)
      %dma_wait3A_94 = arith.constant 0 : i32
      %dma_wait3A_95 = tpu.memref_slice %arg12[%rem3A_77, %dma_wait3A_94] : memref<2x8192xf32, #tpu.memory_space<vmem>> -> memref<1x8192xf32, #tpu.memory_space<vmem>>
      %dma_wait3A_96 = arith.constant 0 : i32
      %dma_wait3A_97 = tpu.memref_slice %arg4[%add3A_81, %dma_wait3A_96] : memref<128x8192xf32, #tpu.memory_space<hbm>> -> memref<1x8192xf32, #tpu.memory_space<hbm>>
      %dma_wait3A_98 = arith.constant 0 : i32
      %dma_wait3A_99 = tpu.memref_slice %arg12[%rem3A_77, %dma_wait3A_98] : memref<2x8192xf32, #tpu.memory_space<vmem>> -> memref<1x8192xf32, #tpu.memory_space<vmem>>
      %dma_wait3A_100 = arith.constant 0 : i32
      %dma_wait3A_101 = tpu.memref_slice %arg4[%add3A_81, %dma_wait3A_100] : memref<128x8192xf32, #tpu.memory_space<hbm>> -> memref<1x8192xf32, #tpu.memory_space<hbm>>
      tpu.wait_dma2 semaphore(%arg14 : memref<!tpu.dma_semaphore, #tpu.memory_space<semaphore_mem>>) src(%dma_wait3A_101 : memref<1x8192xf32, #tpu.memory_space<hbm>>) dst(%dma_wait3A_99 : memref<1x8192xf32, #tpu.memory_space<vmem>>)
      %get3A = arith.index_cast %scan3A_62 : i32 to index
      %get3A_102 = arith.constant 0 : index
      %get3A_103 = tpu.vector_load %arg8[%get3A, %get3A_102] {strides = array<i32>} : memref<4x64xf32, #tpu.memory_space<vmem>>, vector<16xf32>,
      %mul3A_104 = arith.constant 5.000000e-01 : f32
      %mul3A_105 = vector.broadcast %mul3A_104 : f32 to vector<16xf32>
      %mul3A_106 = arith.mulf %mul3A_105, %get3A_103 : vector<16xf32>
      %exp3A = math.exp %mul3A_106 : vector<16xf32>
      %get3A_107 = arith.index_cast %scan3A_62 : i32 to index
      %get3A_108 = arith.constant 16 : index
      %get3A_109 = tpu.vector_load %arg8[%get3A_107, %get3A_108] {strides = array<i32>} : memref<4x64xf32, #tpu.memory_space<vmem>>, vector<16xf32>,
      %mul3A_110 = arith.constant 5.000000e-01 : f32
      %mul3A_111 = vector.broadcast %mul3A_110 : f32 to vector<16xf32>
      %mul3A_112 = arith.mulf %mul3A_111, %get3A_109 : vector<16xf32>
      %exp3A_113 = math.exp %mul3A_112 : vector<16xf32>
      %get3A_114 = arith.index_cast %scan3A_62 : i32 to index
      %get3A_115 = arith.constant 32 : index
      %get3A_116 = tpu.vector_load %arg8[%get3A_114, %get3A_115] {strides = array<i32>} : memref<4x64xf32, #tpu.memory_space<vmem>>, vector<16xf32>,
      %mul3A_117 = arith.constant 5.000000e-01 : f32
      %mul3A_118 = vector.broadcast %mul3A_117 : f32 to vector<16xf32>
      %mul3A_119 = arith.mulf %mul3A_118, %get3A_116 : vector<16xf32>
      %exp3A_120 = math.exp %mul3A_119 : vector<16xf32>
      %get3A_121 = arith.index_cast %scan3A_62 : i32 to index
      %get3A_122 = arith.constant 48 : index
      %get3A_123 = tpu.vector_load %arg8[%get3A_121, %get3A_122] {strides = array<i32>} : memref<4x64xf32, #tpu.memory_space<vmem>>, vector<16xf32>,
      %mul3A_124 = arith.constant 5.000000e-01 : f32
      %mul3A_125 = vector.broadcast %mul3A_124 : f32 to vector<16xf32>
      %mul3A_126 = arith.mulf %mul3A_125, %get3A_123 : vector<16xf32>
      %exp3A_127 = math.exp %mul3A_126 : vector<16xf32>
      %get3A_128 = arith.index_cast %scan3A_62 : i32 to index
      %get3A_129 = arith.constant 0 : index
      %get3A_130 = tpu.vector_load %arg7[%get3A_128, %get3A_129] {strides = array<i32>} : memref<4x64xf32, #tpu.memory_space<vmem>>, vector<16xf32>,
      %get3A_131 = arith.index_cast %scan3A_62 : i32 to index
      %get3A_132 = arith.constant 16 : index
      %get3A_133 = tpu.vector_load %arg7[%get3A_131, %get3A_132] {strides = array<i32>} : memref<4x64xf32, #tpu.memory_space<vmem>>, vector<16xf32>,
      %get3A_134 = arith.index_cast %scan3A_62 : i32 to index
      %get3A_135 = arith.constant 32 : index
      %get3A_136 = tpu.vector_load %arg7[%get3A_134, %get3A_135] {strides = array<i32>} : memref<4x64xf32, #tpu.memory_space<vmem>>, vector<16xf32>,
      %get3A_137 = arith.index_cast %scan3A_62 : i32 to index
      %get3A_138 = arith.constant 48 : index
      %get3A_139 = tpu.vector_load %arg7[%get3A_137, %get3A_138] {strides = array<i32>} : memref<4x64xf32, #tpu.memory_space<vmem>>, vector<16xf32>,
      %broadcast_in_dim3A_140 = arith.constant 0x7F800000 : f32
      %broadcast_in_dim3A_141 = vector.broadcast %broadcast_in_dim3A_140 : f32 to vector<16xf32>
      %neg3A = arith.constant 0.000000e+00 : f32
      %neg3A_142 = vector.broadcast %neg3A : f32 to vector<16xf32>
      %neg3A_143 = arith.subf %neg3A_142, %broadcast_in_dim3A_141 : vector<16xf32>
      %parallel_loop3A_144 = arith.constant 0 : i32
      %parallel_loop3A_145 = arith.constant 64 : i32
      %parallel_loop3A_146 = arith.constant 1 : i32
      %parallel_loop3A_147:8 = scf.for %parallel_loop3A_397 = %parallel_loop3A_144 to %parallel_loop3A_145 step %parallel_loop3A_146 iter_args(%parallel_loop3A_398 = %broadcast_in_dim3A_141, %parallel_loop3A_399 = %broadcast_in_dim3A_141, %parallel_loop3A_400 = %broadcast_in_dim3A_141, %parallel_loop3A_401 = %broadcast_in_dim3A_141, %parallel_loop3A_402 = %neg3A_143, %parallel_loop3A_403 = %neg3A_143, %parallel_loop3A_404 = %neg3A_143, %parallel_loop3A_405 = %neg3A_143) -> (vector<16xf32>, vector<16xf32>, vector<16xf32>, vector<16xf32>, vector<16xf32>, vector<16xf32>, vector<16xf32>, vector<16xf32>)  : i32 {
        %parallel_loop3A_406 = arith.index_cast %rem3A_65 : i32 to index
        %parallel_loop3A_407 = arith.index_cast %parallel_loop3A_397 : i32 to index
        %parallel_loop3A_408 = arith.constant 0 : index
        %parallel_loop3A_409 = tpu.vector_load %arg9[%parallel_loop3A_406, %parallel_loop3A_407, %parallel_loop3A_408] {strides = array<i32>} : memref<2x64x64xf32, #tpu.memory_space<vmem>>, vector<16xf32>,
        %parallel_loop3A_410 = arith.mulf %exp3A, %parallel_loop3A_409 : vector<16xf32>
        %parallel_loop3A_411 = arith.addf %get3A_130, %parallel_loop3A_410 : vector<16xf32>
        %parallel_loop3A_412 = arith.constant 64 : i32
        %parallel_loop3A_413 = arith.muli %parallel_loop3A_397, %parallel_loop3A_412 : i32
        %parallel_loop3A_414 = arith.constant 0 : i32
        %parallel_loop3A_415 = arith.addi %parallel_loop3A_413, %parallel_loop3A_414 : i32
        %parallel_loop3A_416 = arith.index_cast %parallel_loop3A_415 : i32 to index
        %parallel_loop3A_417 = tpu.vector_load %arg10[%parallel_loop3A_416] {strides = array<i32>} : memref<4096xf32, #tpu.memory_space<vmem>>, vector<16xf32>,
        tpu.vector_store %arg10[%parallel_loop3A_416], %parallel_loop3A_411 {strides = array<i32>} : memref<4096xf32, #tpu.memory_space<vmem>>, vector<16xf32>,
        %parallel_loop3A_418 = arith.minimumf %parallel_loop3A_398, %parallel_loop3A_411 : vector<16xf32>
        %parallel_loop3A_419 = arith.maximumf %parallel_loop3A_402, %parallel_loop3A_411 : vector<16xf32>
        %parallel_loop3A_420 = arith.index_cast %rem3A_65 : i32 to index
        %parallel_loop3A_421 = arith.index_cast %parallel_loop3A_397 : i32 to index
        %parallel_loop3A_422 = arith.constant 16 : index
        %parallel_loop3A_423 = tpu.vector_load %arg9[%parallel_loop3A_420, %parallel_loop3A_421, %parallel_loop3A_422] {strides = array<i32>} : memref<2x64x64xf32, #tpu.memory_space<vmem>>, vector<16xf32>,
        %parallel_loop3A_424 = arith.mulf %exp3A_113, %parallel_loop3A_423 : vector<16xf32>
        %parallel_loop3A_425 = arith.addf %get3A_133, %parallel_loop3A_424 : vector<16xf32>
        %parallel_loop3A_426 = arith.constant 64 : i32
        %parallel_loop3A_427 = arith.muli %parallel_loop3A_397, %parallel_loop3A_426 : i32
        %parallel_loop3A_428 = arith.constant 16 : i32
        %parallel_loop3A_429 = arith.addi %parallel_loop3A_427, %parallel_loop3A_428 : i32
        %parallel_loop3A_430 = arith.index_cast %parallel_loop3A_429 : i32 to index
        %parallel_loop3A_431 = tpu.vector_load %arg10[%parallel_loop3A_430] {strides = array<i32>} : memref<4096xf32, #tpu.memory_space<vmem>>, vector<16xf32>,
        tpu.vector_store %arg10[%parallel_loop3A_430], %parallel_loop3A_425 {strides = array<i32>} : memref<4096xf32, #tpu.memory_space<vmem>>, vector<16xf32>,
        %parallel_loop3A_432 = arith.minimumf %parallel_loop3A_399, %parallel_loop3A_425 : vector<16xf32>
        %parallel_loop3A_433 = arith.maximumf %parallel_loop3A_403, %parallel_loop3A_425 : vector<16xf32>
        %parallel_loop3A_434 = arith.index_cast %rem3A_65 : i32 to index
        %parallel_loop3A_435 = arith.index_cast %parallel_loop3A_397 : i32 to index
        %parallel_loop3A_436 = arith.constant 32 : index
        %parallel_loop3A_437 = tpu.vector_load %arg9[%parallel_loop3A_434, %parallel_loop3A_435, %parallel_loop3A_436] {strides = array<i32>} : memref<2x64x64xf32, #tpu.memory_space<vmem>>, vector<16xf32>,
        %parallel_loop3A_438 = arith.mulf %exp3A_120, %parallel_loop3A_437 : vector<16xf32>
        %parallel_loop3A_439 = arith.addf %get3A_136, %parallel_loop3A_438 : vector<16xf32>
        %parallel_loop3A_440 = arith.constant 64 : i32
        %parallel_loop3A_441 = arith.muli %parallel_loop3A_397, %parallel_loop3A_440 : i32
        %parallel_loop3A_442 = arith.constant 32 : i32
        %parallel_loop3A_443 = arith.addi %parallel_loop3A_441, %parallel_loop3A_442 : i32
        %parallel_loop3A_444 = arith.index_cast %parallel_loop3A_443 : i32 to index
        %parallel_loop3A_445 = tpu.vector_load %arg10[%parallel_loop3A_444] {strides = array<i32>} : memref<4096xf32, #tpu.memory_space<vmem>>, vector<16xf32>,
        tpu.vector_store %arg10[%parallel_loop3A_444], %parallel_loop3A_439 {strides = array<i32>} : memref<4096xf32, #tpu.memory_space<vmem>>, vector<16xf32>,
        %parallel_loop3A_446 = arith.minimumf %parallel_loop3A_400, %parallel_loop3A_439 : vector<16xf32>
        %parallel_loop3A_447 = arith.maximumf %parallel_loop3A_404, %parallel_loop3A_439 : vector<16xf32>
        %parallel_loop3A_448 = arith.index_cast %rem3A_65 : i32 to index
        %parallel_loop3A_449 = arith.index_cast %parallel_loop3A_397 : i32 to index
        %parallel_loop3A_450 = arith.constant 48 : index
        %parallel_loop3A_451 = tpu.vector_load %arg9[%parallel_loop3A_448, %parallel_loop3A_449, %parallel_loop3A_450] {strides = array<i32>} : memref<2x64x64xf32, #tpu.memory_space<vmem>>, vector<16xf32>,
        %parallel_loop3A_452 = arith.mulf %exp3A_127, %parallel_loop3A_451 : vector<16xf32>
        %parallel_loop3A_453 = arith.addf %get3A_139, %parallel_loop3A_452 : vector<16xf32>
        %parallel_loop3A_454 = arith.constant 64 : i32
        %parallel_loop3A_455 = arith.muli %parallel_loop3A_397, %parallel_loop3A_454 : i32
        %parallel_loop3A_456 = arith.constant 48 : i32
        %parallel_loop3A_457 = arith.addi %parallel_loop3A_455, %parallel_loop3A_456 : i32
        %parallel_loop3A_458 = arith.index_cast %parallel_loop3A_457 : i32 to index
        %parallel_loop3A_459 = tpu.vector_load %arg10[%parallel_loop3A_458] {strides = array<i32>} : memref<4096xf32, #tpu.memory_space<vmem>>, vector<16xf32>,
        tpu.vector_store %arg10[%parallel_loop3A_458], %parallel_loop3A_453 {strides = array<i32>} : memref<4096xf32, #tpu.memory_space<vmem>>, vector<16xf32>,
        %parallel_loop3A_460 = arith.minimumf %parallel_loop3A_401, %parallel_loop3A_453 : vector<16xf32>
        %parallel_loop3A_461 = arith.maximumf %parallel_loop3A_405, %parallel_loop3A_453 : vector<16xf32>
        scf.yield %parallel_loop3A_418, %parallel_loop3A_432, %parallel_loop3A_446, %parallel_loop3A_460, %parallel_loop3A_419, %parallel_loop3A_433, %parallel_loop3A_447, %parallel_loop3A_461 : vector<16xf32>, vector<16xf32>, vector<16xf32>, vector<16xf32>, vector<16xf32>, vector<16xf32>, vector<16xf32>, vector<16xf32>
      } {sc.loop_unroll_factor = 4 : i64, sc.parallel_access}
      %min3A = arith.minimumf %parallel_loop3A_147#0, %parallel_loop3A_147#1 : vector<16xf32>
      %min3A_148 = arith.minimumf %parallel_loop3A_147#2, %parallel_loop3A_147#3 : vector<16xf32>
      %min3A_149 = arith.minimumf %min3A, %min3A_148 : vector<16xf32>
      %max3A = arith.maximumf %parallel_loop3A_147#4, %parallel_loop3A_147#5 : vector<16xf32>
      %max3A_150 = arith.maximumf %parallel_loop3A_147#6, %parallel_loop3A_147#7 : vector<16xf32>
      %max3A_151 = arith.maximumf %max3A, %max3A_150 : vector<16xf32>
      %slice3A = vector.extract_strided_slice %min3A_149 {offsets = [0], sizes = [1], strides = [1]} : vector<16xf32> to vector<1xf32>
      %squeeze3A = vector.extract %slice3A[0] : f32 from vector<1xf32>
      %slice3A_152 = vector.extract_strided_slice %min3A_149 {offsets = [1], sizes = [1], strides = [1]} : vector<16xf32> to vector<1xf32>
      %squeeze3A_153 = vector.extract %slice3A_152[0] : f32 from vector<1xf32>
      %min3A_154 = arith.minimumf %squeeze3A, %squeeze3A_153 : f32
      %slice3A_155 = vector.extract_strided_slice %min3A_149 {offsets = [2], sizes = [1], strides = [1]} : vector<16xf32> to vector<1xf32>
      %squeeze3A_156 = vector.extract %slice3A_155[0] : f32 from vector<1xf32>
      %min3A_157 = arith.minimumf %min3A_154, %squeeze3A_156 : f32
      %slice3A_158 = vector.extract_strided_slice %min3A_149 {offsets = [3], sizes = [1], strides = [1]} : vector<16xf32> to vector<1xf32>
      %squeeze3A_159 = vector.extract %slice3A_158[0] : f32 from vector<1xf32>
      %min3A_160 = arith.minimumf %min3A_157, %squeeze3A_159 : f32
      %slice3A_161 = vector.extract_strided_slice %min3A_149 {offsets = [4], sizes = [1], strides = [1]} : vector<16xf32> to vector<1xf32>
      %squeeze3A_162 = vector.extract %slice3A_161[0] : f32 from vector<1xf32>
      %min3A_163 = arith.minimumf %min3A_160, %squeeze3A_162 : f32
      %slice3A_164 = vector.extract_strided_slice %min3A_149 {offsets = [5], sizes = [1], strides = [1]} : vector<16xf32> to vector<1xf32>
      %squeeze3A_165 = vector.extract %slice3A_164[0] : f32 from vector<1xf32>
      %min3A_166 = arith.minimumf %min3A_163, %squeeze3A_165 : f32
      %slice3A_167 = vector.extract_strided_slice %min3A_149 {offsets = [6], sizes = [1], strides = [1]} : vector<16xf32> to vector<1xf32>
      %squeeze3A_168 = vector.extract %slice3A_167[0] : f32 from vector<1xf32>
      %min3A_169 = arith.minimumf %min3A_166, %squeeze3A_168 : f32
      %slice3A_170 = vector.extract_strided_slice %min3A_149 {offsets = [7], sizes = [1], strides = [1]} : vector<16xf32> to vector<1xf32>
      %squeeze3A_171 = vector.extract %slice3A_170[0] : f32 from vector<1xf32>
      %min3A_172 = arith.minimumf %min3A_169, %squeeze3A_171 : f32
      %slice3A_173 = vector.extract_strided_slice %min3A_149 {offsets = [8], sizes = [1], strides = [1]} : vector<16xf32> to vector<1xf32>
      %squeeze3A_174 = vector.extract %slice3A_173[0] : f32 from vector<1xf32>
      %min3A_175 = arith.minimumf %min3A_172, %squeeze3A_174 : f32
      %slice3A_176 = vector.extract_strided_slice %min3A_149 {offsets = [9], sizes = [1], strides = [1]} : vector<16xf32> to vector<1xf32>
      %squeeze3A_177 = vector.extract %slice3A_176[0] : f32 from vector<1xf32>
      %min3A_178 = arith.minimumf %min3A_175, %squeeze3A_177 : f32
      %slice3A_179 = vector.extract_strided_slice %min3A_149 {offsets = [10], sizes = [1], strides = [1]} : vector<16xf32> to vector<1xf32>
      %squeeze3A_180 = vector.extract %slice3A_179[0] : f32 from vector<1xf32>
      %min3A_181 = arith.minimumf %min3A_178, %squeeze3A_180 : f32
      %slice3A_182 = vector.extract_strided_slice %min3A_149 {offsets = [11], sizes = [1], strides = [1]} : vector<16xf32> to vector<1xf32>
      %squeeze3A_183 = vector.extract %slice3A_182[0] : f32 from vector<1xf32>
      %min3A_184 = arith.minimumf %min3A_181, %squeeze3A_183 : f32
      %slice3A_185 = vector.extract_strided_slice %min3A_149 {offsets = [12], sizes = [1], strides = [1]} : vector<16xf32> to vector<1xf32>
      %squeeze3A_186 = vector.extract %slice3A_185[0] : f32 from vector<1xf32>
      %min3A_187 = arith.minimumf %min3A_184, %squeeze3A_186 : f32
      %slice3A_188 = vector.extract_strided_slice %min3A_149 {offsets = [13], sizes = [1], strides = [1]} : vector<16xf32> to vector<1xf32>
      %squeeze3A_189 = vector.extract %slice3A_188[0] : f32 from vector<1xf32>
      %min3A_190 = arith.minimumf %min3A_187, %squeeze3A_189 : f32
      %slice3A_191 = vector.extract_strided_slice %min3A_149 {offsets = [14], sizes = [1], strides = [1]} : vector<16xf32> to vector<1xf32>
      %squeeze3A_192 = vector.extract %slice3A_191[0] : f32 from vector<1xf32>
      %min3A_193 = arith.minimumf %min3A_190, %squeeze3A_192 : f32
      %slice3A_194 = vector.extract_strided_slice %min3A_149 {offsets = [15], sizes = [1], strides = [1]} : vector<16xf32> to vector<1xf32>
      %squeeze3A_195 = vector.extract %slice3A_194[0] : f32 from vector<1xf32>
      %min3A_196 = arith.minimumf %min3A_193, %squeeze3A_195 : f32
      %slice3A_197 = vector.extract_strided_slice %max3A_151 {offsets = [0], sizes = [1], strides = [1]} : vector<16xf32> to vector<1xf32>
      %squeeze3A_198 = vector.extract %slice3A_197[0] : f32 from vector<1xf32>
      %slice3A_199 = vector.extract_strided_slice %max3A_151 {offsets = [1], sizes = [1], strides = [1]} : vector<16xf32> to vector<1xf32>
      %squeeze3A_200 = vector.extract %slice3A_199[0] : f32 from vector<1xf32>
      %max3A_201 = arith.maximumf %squeeze3A_198, %squeeze3A_200 : f32
      %slice3A_202 = vector.extract_strided_slice %max3A_151 {offsets = [2], sizes = [1], strides = [1]} : vector<16xf32> to vector<1xf32>
      %squeeze3A_203 = vector.extract %slice3A_202[0] : f32 from vector<1xf32>
      %max3A_204 = arith.maximumf %max3A_201, %squeeze3A_203 : f32
      %slice3A_205 = vector.extract_strided_slice %max3A_151 {offsets = [3], sizes = [1], strides = [1]} : vector<16xf32> to vector<1xf32>
      %squeeze3A_206 = vector.extract %slice3A_205[0] : f32 from vector<1xf32>
      %max3A_207 = arith.maximumf %max3A_204, %squeeze3A_206 : f32
      %slice3A_208 = vector.extract_strided_slice %max3A_151 {offsets = [4], sizes = [1], strides = [1]} : vector<16xf32> to vector<1xf32>
      %squeeze3A_209 = vector.extract %slice3A_208[0] : f32 from vector<1xf32>
      %max3A_210 = arith.maximumf %max3A_207, %squeeze3A_209 : f32
      %slice3A_211 = vector.extract_strided_slice %max3A_151 {offsets = [5], sizes = [1], strides = [1]} : vector<16xf32> to vector<1xf32>
      %squeeze3A_212 = vector.extract %slice3A_211[0] : f32 from vector<1xf32>
      %max3A_213 = arith.maximumf %max3A_210, %squeeze3A_212 : f32
      %slice3A_214 = vector.extract_strided_slice %max3A_151 {offsets = [6], sizes = [1], strides = [1]} : vector<16xf32> to vector<1xf32>
      %squeeze3A_215 = vector.extract %slice3A_214[0] : f32 from vector<1xf32>
      %max3A_216 = arith.maximumf %max3A_213, %squeeze3A_215 : f32
      %slice3A_217 = vector.extract_strided_slice %max3A_151 {offsets = [7], sizes = [1], strides = [1]} : vector<16xf32> to vector<1xf32>
      %squeeze3A_218 = vector.extract %slice3A_217[0] : f32 from vector<1xf32>
      %max3A_219 = arith.maximumf %max3A_216, %squeeze3A_218 : f32
      %slice3A_220 = vector.extract_strided_slice %max3A_151 {offsets = [8], sizes = [1], strides = [1]} : vector<16xf32> to vector<1xf32>
      %squeeze3A_221 = vector.extract %slice3A_220[0] : f32 from vector<1xf32>
      %max3A_222 = arith.maximumf %max3A_219, %squeeze3A_221 : f32
      %slice3A_223 = vector.extract_strided_slice %max3A_151 {offsets = [9], sizes = [1], strides = [1]} : vector<16xf32> to vector<1xf32>
      %squeeze3A_224 = vector.extract %slice3A_223[0] : f32 from vector<1xf32>
      %max3A_225 = arith.maximumf %max3A_222, %squeeze3A_224 : f32
      %slice3A_226 = vector.extract_strided_slice %max3A_151 {offsets = [10], sizes = [1], strides = [1]} : vector<16xf32> to vector<1xf32>
      %squeeze3A_227 = vector.extract %slice3A_226[0] : f32 from vector<1xf32>
      %max3A_228 = arith.maximumf %max3A_225, %squeeze3A_227 : f32
      %slice3A_229 = vector.extract_strided_slice %max3A_151 {offsets = [11], sizes = [1], strides = [1]} : vector<16xf32> to vector<1xf32>
      %squeeze3A_230 = vector.extract %slice3A_229[0] : f32 from vector<1xf32>
      %max3A_231 = arith.maximumf %max3A_228, %squeeze3A_230 : f32
      %slice3A_232 = vector.extract_strided_slice %max3A_151 {offsets = [12], sizes = [1], strides = [1]} : vector<16xf32> to vector<1xf32>
      %squeeze3A_233 = vector.extract %slice3A_232[0] : f32 from vector<1xf32>
      %max3A_234 = arith.maximumf %max3A_231, %squeeze3A_233 : f32
      %slice3A_235 = vector.extract_strided_slice %max3A_151 {offsets = [13], sizes = [1], strides = [1]} : vector<16xf32> to vector<1xf32>
      %squeeze3A_236 = vector.extract %slice3A_235[0] : f32 from vector<1xf32>
      %max3A_237 = arith.maximumf %max3A_234, %squeeze3A_236 : f32
      %slice3A_238 = vector.extract_strided_slice %max3A_151 {offsets = [14], sizes = [1], strides = [1]} : vector<16xf32> to vector<1xf32>
      %squeeze3A_239 = vector.extract %slice3A_238[0] : f32 from vector<1xf32>
      %max3A_240 = arith.maximumf %max3A_237, %squeeze3A_239 : f32
      %slice3A_241 = vector.extract_strided_slice %max3A_151 {offsets = [15], sizes = [1], strides = [1]} : vector<16xf32> to vector<1xf32>
      %squeeze3A_242 = vector.extract %slice3A_241[0] : f32 from vector<1xf32>
      %max3A_243 = arith.maximumf %max3A_240, %squeeze3A_242 : f32
      %sub3A = arith.subf %max3A_243, %min3A_196 : f32
      %mul3A_244 = arith.constant 1.22070313E-4 : f32
      %mul3A_245 = arith.mulf %sub3A, %mul3A_244 : f32
      %le3A = arith.constant 0.000000e+00 : f32
      %le3A_246 = arith.cmpf ole, %mul3A_245, %le3A : f32
      %jit3A = arith.constant 1.000000e+00 : f32
      %select_n3A = arith.select %le3A_246, %jit3A, %mul3A_245 : f32
      %broadcast_in_dim3A_247 = vector.broadcast %min3A_196 : f32 to vector<16xf32>
      %broadcast_in_dim3A_248 = vector.broadcast %select_n3A : f32 to vector<16xf32>
      %div3A = arith.constant 1.000000e+00 : f32
      %div3A_249 = vector.broadcast %div3A : f32 to vector<16xf32>
      %div3A_250 = arith.divf %div3A_249, %broadcast_in_dim3A_248 : vector<16xf32>
      %parallel_loop3A_251 = arith.constant 0 : i32
      %parallel_loop3A_252 = arith.constant 4096 : i32
      %parallel_loop3A_253 = arith.constant 256 : i32
      scf.for %parallel_loop3A_397 = %parallel_loop3A_251 to %parallel_loop3A_252 step %parallel_loop3A_253  : i32 {
        %parallel_loop3A_398 = arith.constant 0 : i32
        %parallel_loop3A_399 = arith.addi %parallel_loop3A_397, %parallel_loop3A_398 : i32
        %parallel_loop3A_400 = arith.index_cast %parallel_loop3A_399 : i32 to index
        %parallel_loop3A_401 = tpu.vector_load %arg10[%parallel_loop3A_400] {strides = array<i32>} : memref<4096xf32, #tpu.memory_space<vmem>>, vector<16xf32>,
        %parallel_loop3A_402 = arith.subf %parallel_loop3A_401, %broadcast_in_dim3A_247 : vector<16xf32>
        %parallel_loop3A_403 = arith.mulf %parallel_loop3A_402, %div3A_250 : vector<16xf32>
        %parallel_loop3A_404 = arith.fptosi %parallel_loop3A_403 : vector<16xf32> to vector<16xi32>
        %parallel_loop3A_405 = arith.constant 8191 : i32
        %parallel_loop3A_406 = vector.broadcast %parallel_loop3A_405 : i32 to vector<16xi32>
        %parallel_loop3A_407 = arith.minsi %parallel_loop3A_404, %parallel_loop3A_406 : vector<16xi32>
        tpu.vector_store_idx %arg11[%parallel_loop3A_407], %broadcast_in_dim3A_3 {add = true} : memref<8192xf32, #tpu.memory_space<vmem>>[vector<16xi32>], vector<16xf32>,
        %parallel_loop3A_408 = arith.constant 16 : i32
        %parallel_loop3A_409 = arith.addi %parallel_loop3A_397, %parallel_loop3A_408 : i32
        %parallel_loop3A_410 = arith.index_cast %parallel_loop3A_409 : i32 to index
        %parallel_loop3A_411 = tpu.vector_load %arg10[%parallel_loop3A_410] {strides = array<i32>} : memref<4096xf32, #tpu.memory_space<vmem>>, vector<16xf32>,
        %parallel_loop3A_412 = arith.subf %parallel_loop3A_411, %broadcast_in_dim3A_247 : vector<16xf32>
        %parallel_loop3A_413 = arith.mulf %parallel_loop3A_412, %div3A_250 : vector<16xf32>
        %parallel_loop3A_414 = arith.fptosi %parallel_loop3A_413 : vector<16xf32> to vector<16xi32>
        %parallel_loop3A_415 = arith.constant 8191 : i32
        %parallel_loop3A_416 = vector.broadcast %parallel_loop3A_415 : i32 to vector<16xi32>
        %parallel_loop3A_417 = arith.minsi %parallel_loop3A_414, %parallel_loop3A_416 : vector<16xi32>
        tpu.vector_store_idx %arg11[%parallel_loop3A_417], %broadcast_in_dim3A_3 {add = true} : memref<8192xf32, #tpu.memory_space<vmem>>[vector<16xi32>], vector<16xf32>,
        %parallel_loop3A_418 = arith.constant 32 : i32
        %parallel_loop3A_419 = arith.addi %parallel_loop3A_397, %parallel_loop3A_418 : i32
        %parallel_loop3A_420 = arith.index_cast %parallel_loop3A_419 : i32 to index
        %parallel_loop3A_421 = tpu.vector_load %arg10[%parallel_loop3A_420] {strides = array<i32>} : memref<4096xf32, #tpu.memory_space<vmem>>, vector<16xf32>,
        %parallel_loop3A_422 = arith.subf %parallel_loop3A_421, %broadcast_in_dim3A_247 : vector<16xf32>
        %parallel_loop3A_423 = arith.mulf %parallel_loop3A_422, %div3A_250 : vector<16xf32>
        %parallel_loop3A_424 = arith.fptosi %parallel_loop3A_423 : vector<16xf32> to vector<16xi32>
        %parallel_loop3A_425 = arith.constant 8191 : i32
        %parallel_loop3A_426 = vector.broadcast %parallel_loop3A_425 : i32 to vector<16xi32>
        %parallel_loop3A_427 = arith.minsi %parallel_loop3A_424, %parallel_loop3A_426 : vector<16xi32>
        tpu.vector_store_idx %arg11[%parallel_loop3A_427], %broadcast_in_dim3A_3 {add = true} : memref<8192xf32, #tpu.memory_space<vmem>>[vector<16xi32>], vector<16xf32>,
        %parallel_loop3A_428 = arith.constant 48 : i32
        %parallel_loop3A_429 = arith.addi %parallel_loop3A_397, %parallel_loop3A_428 : i32
        %parallel_loop3A_430 = arith.index_cast %parallel_loop3A_429 : i32 to index
        %parallel_loop3A_431 = tpu.vector_load %arg10[%parallel_loop3A_430] {strides = array<i32>} : memref<4096xf32, #tpu.memory_space<vmem>>, vector<16xf32>,
        %parallel_loop3A_432 = arith.subf %parallel_loop3A_431, %broadcast_in_dim3A_247 : vector<16xf32>
        %parallel_loop3A_433 = arith.mulf %parallel_loop3A_432, %div3A_250 : vector<16xf32>
        %parallel_loop3A_434 = arith.fptosi %parallel_loop3A_433 : vector<16xf32> to vector<16xi32>
        %parallel_loop3A_435 = arith.constant 8191 : i32
        %parallel_loop3A_436 = vector.broadcast %parallel_loop3A_435 : i32 to vector<16xi32>
        %parallel_loop3A_437 = arith.minsi %parallel_loop3A_434, %parallel_loop3A_436 : vector<16xi32>
        tpu.vector_store_idx %arg11[%parallel_loop3A_437], %broadcast_in_dim3A_3 {add = true} : memref<8192xf32, #tpu.memory_space<vmem>>[vector<16xi32>], vector<16xf32>,
        %parallel_loop3A_438 = arith.constant 64 : i32
        %parallel_loop3A_439 = arith.addi %parallel_loop3A_397, %parallel_loop3A_438 : i32
        %parallel_loop3A_440 = arith.index_cast %parallel_loop3A_439 : i32 to index
        %parallel_loop3A_441 = tpu.vector_load %arg10[%parallel_loop3A_440] {strides = array<i32>} : memref<4096xf32, #tpu.memory_space<vmem>>, vector<16xf32>,
        %parallel_loop3A_442 = arith.subf %parallel_loop3A_441, %broadcast_in_dim3A_247 : vector<16xf32>
        %parallel_loop3A_443 = arith.mulf %parallel_loop3A_442, %div3A_250 : vector<16xf32>
        %parallel_loop3A_444 = arith.fptosi %parallel_loop3A_443 : vector<16xf32> to vector<16xi32>
        %parallel_loop3A_445 = arith.constant 8191 : i32
        %parallel_loop3A_446 = vector.broadcast %parallel_loop3A_445 : i32 to vector<16xi32>
        %parallel_loop3A_447 = arith.minsi %parallel_loop3A_444, %parallel_loop3A_446 : vector<16xi32>
        tpu.vector_store_idx %arg11[%parallel_loop3A_447], %broadcast_in_dim3A_3 {add = true} : memref<8192xf32, #tpu.memory_space<vmem>>[vector<16xi32>], vector<16xf32>,
        %parallel_loop3A_448 = arith.constant 80 : i32
        %parallel_loop3A_449 = arith.addi %parallel_loop3A_397, %parallel_loop3A_448 : i32
        %parallel_loop3A_450 = arith.index_cast %parallel_loop3A_449 : i32 to index
        %parallel_loop3A_451 = tpu.vector_load %arg10[%parallel_loop3A_450] {strides = array<i32>} : memref<4096xf32, #tpu.memory_space<vmem>>, vector<16xf32>,
        %parallel_loop3A_452 = arith.subf %parallel_loop3A_451, %broadcast_in_dim3A_247 : vector<16xf32>
        %parallel_loop3A_453 = arith.mulf %parallel_loop3A_452, %div3A_250 : vector<16xf32>
        %parallel_loop3A_454 = arith.fptosi %parallel_loop3A_453 : vector<16xf32> to vector<16xi32>
        %parallel_loop3A_455 = arith.constant 8191 : i32
        %parallel_loop3A_456 = vector.broadcast %parallel_loop3A_455 : i32 to vector<16xi32>
        %parallel_loop3A_457 = arith.minsi %parallel_loop3A_454, %parallel_loop3A_456 : vector<16xi32>
        tpu.vector_store_idx %arg11[%parallel_loop3A_457], %broadcast_in_dim3A_3 {add = true} : memref<8192xf32, #tpu.memory_space<vmem>>[vector<16xi32>], vector<16xf32>,
        %parallel_loop3A_458 = arith.constant 96 : i32
        %parallel_loop3A_459 = arith.addi %parallel_loop3A_397, %parallel_loop3A_458 : i32
        %parallel_loop3A_460 = arith.index_cast %parallel_loop3A_459 : i32 to index
        %parallel_loop3A_461 = tpu.vector_load %arg10[%parallel_loop3A_460] {strides = array<i32>} : memref<4096xf32, #tpu.memory_space<vmem>>, vector<16xf32>,
        %parallel_loop3A_462 = arith.subf %parallel_loop3A_461, %broadcast_in_dim3A_247 : vector<16xf32>
        %parallel_loop3A_463 = arith.mulf %parallel_loop3A_462, %div3A_250 : vector<16xf32>
        %parallel_loop3A_464 = arith.fptosi %parallel_loop3A_463 : vector<16xf32> to vector<16xi32>
        %parallel_loop3A_465 = arith.constant 8191 : i32
        %parallel_loop3A_466 = vector.broadcast %parallel_loop3A_465 : i32 to vector<16xi32>
        %parallel_loop3A_467 = arith.minsi %parallel_loop3A_464, %parallel_loop3A_466 : vector<16xi32>
        tpu.vector_store_idx %arg11[%parallel_loop3A_467], %broadcast_in_dim3A_3 {add = true} : memref<8192xf32, #tpu.memory_space<vmem>>[vector<16xi32>], vector<16xf32>,
        %parallel_loop3A_468 = arith.constant 112 : i32
        %parallel_loop3A_469 = arith.addi %parallel_loop3A_397, %parallel_loop3A_468 : i32
        %parallel_loop3A_470 = arith.index_cast %parallel_loop3A_469 : i32 to index
        %parallel_loop3A_471 = tpu.vector_load %arg10[%parallel_loop3A_470] {strides = array<i32>} : memref<4096xf32, #tpu.memory_space<vmem>>, vector<16xf32>,
        %parallel_loop3A_472 = arith.subf %parallel_loop3A_471, %broadcast_in_dim3A_247 : vector<16xf32>
        %parallel_loop3A_473 = arith.mulf %parallel_loop3A_472, %div3A_250 : vector<16xf32>
        %parallel_loop3A_474 = arith.fptosi %parallel_loop3A_473 : vector<16xf32> to vector<16xi32>
        %parallel_loop3A_475 = arith.constant 8191 : i32
        %parallel_loop3A_476 = vector.broadcast %parallel_loop3A_475 : i32 to vector<16xi32>
        %parallel_loop3A_477 = arith.minsi %parallel_loop3A_474, %parallel_loop3A_476 : vector<16xi32>
        tpu.vector_store_idx %arg11[%parallel_loop3A_477], %broadcast_in_dim3A_3 {add = true} : memref<8192xf32, #tpu.memory_space<vmem>>[vector<16xi32>], vector<16xf32>,
        %parallel_loop3A_478 = arith.constant 128 : i32
        %parallel_loop3A_479 = arith.addi %parallel_loop3A_397, %parallel_loop3A_478 : i32
        %parallel_loop3A_480 = arith.index_cast %parallel_loop3A_479 : i32 to index
        %parallel_loop3A_481 = tpu.vector_load %arg10[%parallel_loop3A_480] {strides = array<i32>} : memref<4096xf32, #tpu.memory_space<vmem>>, vector<16xf32>,
        %parallel_loop3A_482 = arith.subf %parallel_loop3A_481, %broadcast_in_dim3A_247 : vector<16xf32>
        %parallel_loop3A_483 = arith.mulf %parallel_loop3A_482, %div3A_250 : vector<16xf32>
        %parallel_loop3A_484 = arith.fptosi %parallel_loop3A_483 : vector<16xf32> to vector<16xi32>
        %parallel_loop3A_485 = arith.constant 8191 : i32
        %parallel_loop3A_486 = vector.broadcast %parallel_loop3A_485 : i32 to vector<16xi32>
        %parallel_loop3A_487 = arith.minsi %parallel_loop3A_484, %parallel_loop3A_486 : vector<16xi32>
        tpu.vector_store_idx %arg11[%parallel_loop3A_487], %broadcast_in_dim3A_3 {add = true} : memref<8192xf32, #tpu.memory_space<vmem>>[vector<16xi32>], vector<16xf32>,
        %parallel_loop3A_488 = arith.constant 144 : i32
        %parallel_loop3A_489 = arith.addi %parallel_loop3A_397, %parallel_loop3A_488 : i32
        %parallel_loop3A_490 = arith.index_cast %parallel_loop3A_489 : i32 to index
        %parallel_loop3A_491 = tpu.vector_load %arg10[%parallel_loop3A_490] {strides = array<i32>} : memref<4096xf32, #tpu.memory_space<vmem>>, vector<16xf32>,
        %parallel_loop3A_492 = arith.subf %parallel_loop3A_491, %broadcast_in_dim3A_247 : vector<16xf32>
        %parallel_loop3A_493 = arith.mulf %parallel_loop3A_492, %div3A_250 : vector<16xf32>
        %parallel_loop3A_494 = arith.fptosi %parallel_loop3A_493 : vector<16xf32> to vector<16xi32>
        %parallel_loop3A_495 = arith.constant 8191 : i32
        %parallel_loop3A_496 = vector.broadcast %parallel_loop3A_495 : i32 to vector<16xi32>
        %parallel_loop3A_497 = arith.minsi %parallel_loop3A_494, %parallel_loop3A_496 : vector<16xi32>
        tpu.vector_store_idx %arg11[%parallel_loop3A_497], %broadcast_in_dim3A_3 {add = true} : memref<8192xf32, #tpu.memory_space<vmem>>[vector<16xi32>], vector<16xf32>,
        %parallel_loop3A_498 = arith.constant 160 : i32
        %parallel_loop3A_499 = arith.addi %parallel_loop3A_397, %parallel_loop3A_498 : i32
        %parallel_loop3A_500 = arith.index_cast %parallel_loop3A_499 : i32 to index
        %parallel_loop3A_501 = tpu.vector_load %arg10[%parallel_loop3A_500] {strides = array<i32>} : memref<4096xf32, #tpu.memory_space<vmem>>, vector<16xf32>,
        %parallel_loop3A_502 = arith.subf %parallel_loop3A_501, %broadcast_in_dim3A_247 : vector<16xf32>
        %parallel_loop3A_503 = arith.mulf %parallel_loop3A_502, %div3A_250 : vector<16xf32>
        %parallel_loop3A_504 = arith.fptosi %parallel_loop3A_503 : vector<16xf32> to vector<16xi32>
        %parallel_loop3A_505 = arith.constant 8191 : i32
        %parallel_loop3A_506 = vector.broadcast %parallel_loop3A_505 : i32 to vector<16xi32>
        %parallel_loop3A_507 = arith.minsi %parallel_loop3A_504, %parallel_loop3A_506 : vector<16xi32>
        tpu.vector_store_idx %arg11[%parallel_loop3A_507], %broadcast_in_dim3A_3 {add = true} : memref<8192xf32, #tpu.memory_space<vmem>>[vector<16xi32>], vector<16xf32>,
        %parallel_loop3A_508 = arith.constant 176 : i32
        %parallel_loop3A_509 = arith.addi %parallel_loop3A_397, %parallel_loop3A_508 : i32
        %parallel_loop3A_510 = arith.index_cast %parallel_loop3A_509 : i32 to index
        %parallel_loop3A_511 = tpu.vector_load %arg10[%parallel_loop3A_510] {strides = array<i32>} : memref<4096xf32, #tpu.memory_space<vmem>>, vector<16xf32>,
        %parallel_loop3A_512 = arith.subf %parallel_loop3A_511, %broadcast_in_dim3A_247 : vector<16xf32>
        %parallel_loop3A_513 = arith.mulf %parallel_loop3A_512, %div3A_250 : vector<16xf32>
        %parallel_loop3A_514 = arith.fptosi %parallel_loop3A_513 : vector<16xf32> to vector<16xi32>
        %parallel_loop3A_515 = arith.constant 8191 : i32
        %parallel_loop3A_516 = vector.broadcast %parallel_loop3A_515 : i32 to vector<16xi32>
        %parallel_loop3A_517 = arith.minsi %parallel_loop3A_514, %parallel_loop3A_516 : vector<16xi32>
        tpu.vector_store_idx %arg11[%parallel_loop3A_517], %broadcast_in_dim3A_3 {add = true} : memref<8192xf32, #tpu.memory_space<vmem>>[vector<16xi32>], vector<16xf32>,
        %parallel_loop3A_518 = arith.constant 192 : i32
        %parallel_loop3A_519 = arith.addi %parallel_loop3A_397, %parallel_loop3A_518 : i32
        %parallel_loop3A_520 = arith.index_cast %parallel_loop3A_519 : i32 to index
        %parallel_loop3A_521 = tpu.vector_load %arg10[%parallel_loop3A_520] {strides = array<i32>} : memref<4096xf32, #tpu.memory_space<vmem>>, vector<16xf32>,
        %parallel_loop3A_522 = arith.subf %parallel_loop3A_521, %broadcast_in_dim3A_247 : vector<16xf32>
        %parallel_loop3A_523 = arith.mulf %parallel_loop3A_522, %div3A_250 : vector<16xf32>
        %parallel_loop3A_524 = arith.fptosi %parallel_loop3A_523 : vector<16xf32> to vector<16xi32>
        %parallel_loop3A_525 = arith.constant 8191 : i32
        %parallel_loop3A_526 = vector.broadcast %parallel_loop3A_525 : i32 to vector<16xi32>
        %parallel_loop3A_527 = arith.minsi %parallel_loop3A_524, %parallel_loop3A_526 : vector<16xi32>
        tpu.vector_store_idx %arg11[%parallel_loop3A_527], %broadcast_in_dim3A_3 {add = true} : memref<8192xf32, #tpu.memory_space<vmem>>[vector<16xi32>], vector<16xf32>,
        %parallel_loop3A_528 = arith.constant 208 : i32
        %parallel_loop3A_529 = arith.addi %parallel_loop3A_397, %parallel_loop3A_528 : i32
        %parallel_loop3A_530 = arith.index_cast %parallel_loop3A_529 : i32 to index
        %parallel_loop3A_531 = tpu.vector_load %arg10[%parallel_loop3A_530] {strides = array<i32>} : memref<4096xf32, #tpu.memory_space<vmem>>, vector<16xf32>,
        %parallel_loop3A_532 = arith.subf %parallel_loop3A_531, %broadcast_in_dim3A_247 : vector<16xf32>
        %parallel_loop3A_533 = arith.mulf %parallel_loop3A_532, %div3A_250 : vector<16xf32>
        %parallel_loop3A_534 = arith.fptosi %parallel_loop3A_533 : vector<16xf32> to vector<16xi32>
        %parallel_loop3A_535 = arith.constant 8191 : i32
        %parallel_loop3A_536 = vector.broadcast %parallel_loop3A_535 : i32 to vector<16xi32>
        %parallel_loop3A_537 = arith.minsi %parallel_loop3A_534, %parallel_loop3A_536 : vector<16xi32>
        tpu.vector_store_idx %arg11[%parallel_loop3A_537], %broadcast_in_dim3A_3 {add = true} : memref<8192xf32, #tpu.memory_space<vmem>>[vector<16xi32>], vector<16xf32>,
        %parallel_loop3A_538 = arith.constant 224 : i32
        %parallel_loop3A_539 = arith.addi %parallel_loop3A_397, %parallel_loop3A_538 : i32
        %parallel_loop3A_540 = arith.index_cast %parallel_loop3A_539 : i32 to index
        %parallel_loop3A_541 = tpu.vector_load %arg10[%parallel_loop3A_540] {strides = array<i32>} : memref<4096xf32, #tpu.memory_space<vmem>>, vector<16xf32>,
        %parallel_loop3A_542 = arith.subf %parallel_loop3A_541, %broadcast_in_dim3A_247 : vector<16xf32>
        %parallel_loop3A_543 = arith.mulf %parallel_loop3A_542, %div3A_250 : vector<16xf32>
        %parallel_loop3A_544 = arith.fptosi %parallel_loop3A_543 : vector<16xf32> to vector<16xi32>
        %parallel_loop3A_545 = arith.constant 8191 : i32
        %parallel_loop3A_546 = vector.broadcast %parallel_loop3A_545 : i32 to vector<16xi32>
        %parallel_loop3A_547 = arith.minsi %parallel_loop3A_544, %parallel_loop3A_546 : vector<16xi32>
        tpu.vector_store_idx %arg11[%parallel_loop3A_547], %broadcast_in_dim3A_3 {add = true} : memref<8192xf32, #tpu.memory_space<vmem>>[vector<16xi32>], vector<16xf32>,
        %parallel_loop3A_548 = arith.constant 240 : i32
        %parallel_loop3A_549 = arith.addi %parallel_loop3A_397, %parallel_loop3A_548 : i32
        %parallel_loop3A_550 = arith.index_cast %parallel_loop3A_549 : i32 to index
        %parallel_loop3A_551 = tpu.vector_load %arg10[%parallel_loop3A_550] {strides = array<i32>} : memref<4096xf32, #tpu.memory_space<vmem>>, vector<16xf32>,
        %parallel_loop3A_552 = arith.subf %parallel_loop3A_551, %broadcast_in_dim3A_247 : vector<16xf32>
        %parallel_loop3A_553 = arith.mulf %parallel_loop3A_552, %div3A_250 : vector<16xf32>
        %parallel_loop3A_554 = arith.fptosi %parallel_loop3A_553 : vector<16xf32> to vector<16xi32>
        %parallel_loop3A_555 = arith.constant 8191 : i32
        %parallel_loop3A_556 = vector.broadcast %parallel_loop3A_555 : i32 to vector<16xi32>
        %parallel_loop3A_557 = arith.minsi %parallel_loop3A_554, %parallel_loop3A_556 : vector<16xi32>
        tpu.vector_store_idx %arg11[%parallel_loop3A_557], %broadcast_in_dim3A_3 {add = true} : memref<8192xf32, #tpu.memory_space<vmem>>[vector<16xi32>], vector<16xf32>,
      } {sc.loop_unroll_factor = 1 : i64, sc.parallel_access}
      %broadcast_in_dim3A_254 = arith.constant 0xFF800000 : f32
      %broadcast_in_dim3A_255 = vector.broadcast %broadcast_in_dim3A_254 : f32 to vector<16xf32>
      %parallel_loop3A_256 = arith.constant 0 : i32
      %parallel_loop3A_257 = arith.constant 8192 : i32
      %parallel_loop3A_258 = arith.constant 128 : i32
      %parallel_loop3A_259:8 = scf.for %parallel_loop3A_397 = %parallel_loop3A_256 to %parallel_loop3A_257 step %parallel_loop3A_258 iter_args(%parallel_loop3A_398 = %broadcast_in_dim3A_255, %parallel_loop3A_399 = %broadcast_in_dim3A_255, %parallel_loop3A_400 = %broadcast_in_dim3A_255, %parallel_loop3A_401 = %broadcast_in_dim3A_255, %parallel_loop3A_402 = %broadcast_in_dim3A_255, %parallel_loop3A_403 = %broadcast_in_dim3A_255, %parallel_loop3A_404 = %broadcast_in_dim3A_255, %parallel_loop3A_405 = %broadcast_in_dim3A_255) -> (vector<16xf32>, vector<16xf32>, vector<16xf32>, vector<16xf32>, vector<16xf32>, vector<16xf32>, vector<16xf32>, vector<16xf32>)  : i32 {
        %parallel_loop3A_406 = arith.constant 0 : i32
        %parallel_loop3A_407 = arith.addi %parallel_loop3A_397, %parallel_loop3A_406 : i32
        %parallel_loop3A_408 = arith.index_cast %parallel_loop3A_407 : i32 to index
        %parallel_loop3A_409 = tpu.vector_load %arg11[%parallel_loop3A_408] {strides = array<i32>} : memref<8192xf32, #tpu.memory_space<vmem>>, vector<16xf32>,
        %parallel_loop3A_410 = arith.maximumf %parallel_loop3A_398, %parallel_loop3A_409 : vector<16xf32>
        %parallel_loop3A_411 = arith.constant 16 : i32
        %parallel_loop3A_412 = arith.addi %parallel_loop3A_397, %parallel_loop3A_411 : i32
        %parallel_loop3A_413 = arith.index_cast %parallel_loop3A_412 : i32 to index
        %parallel_loop3A_414 = tpu.vector_load %arg11[%parallel_loop3A_413] {strides = array<i32>} : memref<8192xf32, #tpu.memory_space<vmem>>, vector<16xf32>,
        %parallel_loop3A_415 = arith.maximumf %parallel_loop3A_399, %parallel_loop3A_414 : vector<16xf32>
        %parallel_loop3A_416 = arith.constant 32 : i32
        %parallel_loop3A_417 = arith.addi %parallel_loop3A_397, %parallel_loop3A_416 : i32
        %parallel_loop3A_418 = arith.index_cast %parallel_loop3A_417 : i32 to index
        %parallel_loop3A_419 = tpu.vector_load %arg11[%parallel_loop3A_418] {strides = array<i32>} : memref<8192xf32, #tpu.memory_space<vmem>>, vector<16xf32>,
        %parallel_loop3A_420 = arith.maximumf %parallel_loop3A_400, %parallel_loop3A_419 : vector<16xf32>
        %parallel_loop3A_421 = arith.constant 48 : i32
        %parallel_loop3A_422 = arith.addi %parallel_loop3A_397, %parallel_loop3A_421 : i32
        %parallel_loop3A_423 = arith.index_cast %parallel_loop3A_422 : i32 to index
        %parallel_loop3A_424 = tpu.vector_load %arg11[%parallel_loop3A_423] {strides = array<i32>} : memref<8192xf32, #tpu.memory_space<vmem>>, vector<16xf32>,
        %parallel_loop3A_425 = arith.maximumf %parallel_loop3A_401, %parallel_loop3A_424 : vector<16xf32>
        %parallel_loop3A_426 = arith.constant 64 : i32
        %parallel_loop3A_427 = arith.addi %parallel_loop3A_397, %parallel_loop3A_426 : i32
        %parallel_loop3A_428 = arith.index_cast %parallel_loop3A_427 : i32 to index
        %parallel_loop3A_429 = tpu.vector_load %arg11[%parallel_loop3A_428] {strides = array<i32>} : memref<8192xf32, #tpu.memory_space<vmem>>, vector<16xf32>,
        %parallel_loop3A_430 = arith.maximumf %parallel_loop3A_402, %parallel_loop3A_429 : vector<16xf32>
        %parallel_loop3A_431 = arith.constant 80 : i32
        %parallel_loop3A_432 = arith.addi %parallel_loop3A_397, %parallel_loop3A_431 : i32
        %parallel_loop3A_433 = arith.index_cast %parallel_loop3A_432 : i32 to index
        %parallel_loop3A_434 = tpu.vector_load %arg11[%parallel_loop3A_433] {strides = array<i32>} : memref<8192xf32, #tpu.memory_space<vmem>>, vector<16xf32>,
        %parallel_loop3A_435 = arith.maximumf %parallel_loop3A_403, %parallel_loop3A_434 : vector<16xf32>
        %parallel_loop3A_436 = arith.constant 96 : i32
        %parallel_loop3A_437 = arith.addi %parallel_loop3A_397, %parallel_loop3A_436 : i32
        %parallel_loop3A_438 = arith.index_cast %parallel_loop3A_437 : i32 to index
        %parallel_loop3A_439 = tpu.vector_load %arg11[%parallel_loop3A_438] {strides = array<i32>} : memref<8192xf32, #tpu.memory_space<vmem>>, vector<16xf32>,
        %parallel_loop3A_440 = arith.maximumf %parallel_loop3A_404, %parallel_loop3A_439 : vector<16xf32>
        %parallel_loop3A_441 = arith.constant 112 : i32
        %parallel_loop3A_442 = arith.addi %parallel_loop3A_397, %parallel_loop3A_441 : i32
        %parallel_loop3A_443 = arith.index_cast %parallel_loop3A_442 : i32 to index
        %parallel_loop3A_444 = tpu.vector_load %arg11[%parallel_loop3A_443] {strides = array<i32>} : memref<8192xf32, #tpu.memory_space<vmem>>, vector<16xf32>,
        %parallel_loop3A_445 = arith.maximumf %parallel_loop3A_405, %parallel_loop3A_444 : vector<16xf32>
        scf.yield %parallel_loop3A_410, %parallel_loop3A_415, %parallel_loop3A_420, %parallel_loop3A_425, %parallel_loop3A_430, %parallel_loop3A_435, %parallel_loop3A_440, %parallel_loop3A_445 : vector<16xf32>, vector<16xf32>, vector<16xf32>, vector<16xf32>, vector<16xf32>, vector<16xf32>, vector<16xf32>, vector<16xf32>
      } {sc.loop_unroll_factor = 1 : i64, sc.parallel_access}
      %max3A_260 = arith.maximumf %parallel_loop3A_259#0, %parallel_loop3A_259#1 : vector<16xf32>
      %max3A_261 = arith.maximumf %max3A_260, %parallel_loop3A_259#2 : vector<16xf32>
      %max3A_262 = arith.maximumf %max3A_261, %parallel_loop3A_259#3 : vector<16xf32>
      %max3A_263 = arith.maximumf %max3A_262, %parallel_loop3A_259#4 : vector<16xf32>
      %max3A_264 = arith.maximumf %max3A_263, %parallel_loop3A_259#5 : vector<16xf32>
      %max3A_265 = arith.maximumf %max3A_264, %parallel_loop3A_259#6 : vector<16xf32>
      %max3A_266 = arith.maximumf %max3A_265, %parallel_loop3A_259#7 : vector<16xf32>
      %slice3A_267 = vector.extract_strided_slice %max3A_266 {offsets = [0], sizes = [1], strides = [1]} : vector<16xf32> to vector<1xf32>
      %squeeze3A_268 = vector.extract %slice3A_267[0] : f32 from vector<1xf32>
      %slice3A_269 = vector.extract_strided_slice %max3A_266 {offsets = [1], sizes = [1], strides = [1]} : vector<16xf32> to vector<1xf32>
      %squeeze3A_270 = vector.extract %slice3A_269[0] : f32 from vector<1xf32>
      %max3A_271 = arith.maximumf %squeeze3A_268, %squeeze3A_270 : f32
      %slice3A_272 = vector.extract_strided_slice %max3A_266 {offsets = [2], sizes = [1], strides = [1]} : vector<16xf32> to vector<1xf32>
      %squeeze3A_273 = vector.extract %slice3A_272[0] : f32 from vector<1xf32>
      %max3A_274 = arith.maximumf %max3A_271, %squeeze3A_273 : f32
      %slice3A_275 = vector.extract_strided_slice %max3A_266 {offsets = [3], sizes = [1], strides = [1]} : vector<16xf32> to vector<1xf32>
      %squeeze3A_276 = vector.extract %slice3A_275[0] : f32 from vector<1xf32>
      %max3A_277 = arith.maximumf %max3A_274, %squeeze3A_276 : f32
      %slice3A_278 = vector.extract_strided_slice %max3A_266 {offsets = [4], sizes = [1], strides = [1]} : vector<16xf32> to vector<1xf32>
      %squeeze3A_279 = vector.extract %slice3A_278[0] : f32 from vector<1xf32>
      %max3A_280 = arith.maximumf %max3A_277, %squeeze3A_279 : f32
      %slice3A_281 = vector.extract_strided_slice %max3A_266 {offsets = [5], sizes = [1], strides = [1]} : vector<16xf32> to vector<1xf32>
      %squeeze3A_282 = vector.extract %slice3A_281[0] : f32 from vector<1xf32>
      %max3A_283 = arith.maximumf %max3A_280, %squeeze3A_282 : f32
      %slice3A_284 = vector.extract_strided_slice %max3A_266 {offsets = [6], sizes = [1], strides = [1]} : vector<16xf32> to vector<1xf32>
      %squeeze3A_285 = vector.extract %slice3A_284[0] : f32 from vector<1xf32>
      %max3A_286 = arith.maximumf %max3A_283, %squeeze3A_285 : f32
      %slice3A_287 = vector.extract_strided_slice %max3A_266 {offsets = [7], sizes = [1], strides = [1]} : vector<16xf32> to vector<1xf32>
      %squeeze3A_288 = vector.extract %slice3A_287[0] : f32 from vector<1xf32>
      %max3A_289 = arith.maximumf %max3A_286, %squeeze3A_288 : f32
      %slice3A_290 = vector.extract_strided_slice %max3A_266 {offsets = [8], sizes = [1], strides = [1]} : vector<16xf32> to vector<1xf32>
      %squeeze3A_291 = vector.extract %slice3A_290[0] : f32 from vector<1xf32>
      %max3A_292 = arith.maximumf %max3A_289, %squeeze3A_291 : f32
      %slice3A_293 = vector.extract_strided_slice %max3A_266 {offsets = [9], sizes = [1], strides = [1]} : vector<16xf32> to vector<1xf32>
      %squeeze3A_294 = vector.extract %slice3A_293[0] : f32 from vector<1xf32>
      %max3A_295 = arith.maximumf %max3A_292, %squeeze3A_294 : f32
      %slice3A_296 = vector.extract_strided_slice %max3A_266 {offsets = [10], sizes = [1], strides = [1]} : vector<16xf32> to vector<1xf32>
      %squeeze3A_297 = vector.extract %slice3A_296[0] : f32 from vector<1xf32>
      %max3A_298 = arith.maximumf %max3A_295, %squeeze3A_297 : f32
      %slice3A_299 = vector.extract_strided_slice %max3A_266 {offsets = [11], sizes = [1], strides = [1]} : vector<16xf32> to vector<1xf32>
      %squeeze3A_300 = vector.extract %slice3A_299[0] : f32 from vector<1xf32>
      %max3A_301 = arith.maximumf %max3A_298, %squeeze3A_300 : f32
      %slice3A_302 = vector.extract_strided_slice %max3A_266 {offsets = [12], sizes = [1], strides = [1]} : vector<16xf32> to vector<1xf32>
      %squeeze3A_303 = vector.extract %slice3A_302[0] : f32 from vector<1xf32>
      %max3A_304 = arith.maximumf %max3A_301, %squeeze3A_303 : f32
      %slice3A_305 = vector.extract_strided_slice %max3A_266 {offsets = [13], sizes = [1], strides = [1]} : vector<16xf32> to vector<1xf32>
      %squeeze3A_306 = vector.extract %slice3A_305[0] : f32 from vector<1xf32>
      %max3A_307 = arith.maximumf %max3A_304, %squeeze3A_306 : f32
      %slice3A_308 = vector.extract_strided_slice %max3A_266 {offsets = [14], sizes = [1], strides = [1]} : vector<16xf32> to vector<1xf32>
      %squeeze3A_309 = vector.extract %slice3A_308[0] : f32 from vector<1xf32>
      %max3A_310 = arith.maximumf %max3A_307, %squeeze3A_309 : f32
      %slice3A_311 = vector.extract_strided_slice %max3A_266 {offsets = [15], sizes = [1], strides = [1]} : vector<16xf32> to vector<1xf32>
      %squeeze3A_312 = vector.extract %slice3A_311[0] : f32 from vector<1xf32>
      %max3A_313 = arith.maximumf %max3A_310, %squeeze3A_312 : f32
      %broadcast_in_dim3A_314 = vector.broadcast %max3A_313 : f32 to vector<16xf32>
      %broadcast_in_dim3A_315 = arith.constant 0.000000e+00 : f32
      %broadcast_in_dim3A_316 = vector.broadcast %broadcast_in_dim3A_315 : f32 to vector<16xf32>
      %parallel_loop3A_317 = arith.constant 0 : i32
      %parallel_loop3A_318 = arith.constant 8192 : i32
      %parallel_loop3A_319 = arith.constant 128 : i32
      %parallel_loop3A_320:8 = scf.for %parallel_loop3A_397 = %parallel_loop3A_317 to %parallel_loop3A_318 step %parallel_loop3A_319 iter_args(%parallel_loop3A_398 = %broadcast_in_dim3A_316, %parallel_loop3A_399 = %broadcast_in_dim3A_316, %parallel_loop3A_400 = %broadcast_in_dim3A_316, %parallel_loop3A_401 = %broadcast_in_dim3A_316, %parallel_loop3A_402 = %broadcast_in_dim3A_316, %parallel_loop3A_403 = %broadcast_in_dim3A_316, %parallel_loop3A_404 = %broadcast_in_dim3A_316, %parallel_loop3A_405 = %broadcast_in_dim3A_316) -> (vector<16xf32>, vector<16xf32>, vector<16xf32>, vector<16xf32>, vector<16xf32>, vector<16xf32>, vector<16xf32>, vector<16xf32>)  : i32 {
        %parallel_loop3A_406 = arith.constant 0 : i32
        %parallel_loop3A_407 = arith.addi %parallel_loop3A_397, %parallel_loop3A_406 : i32
        %parallel_loop3A_408 = arith.index_cast %parallel_loop3A_407 : i32 to index
        %parallel_loop3A_409 = tpu.vector_load %arg11[%parallel_loop3A_408] {strides = array<i32>} : memref<8192xf32, #tpu.memory_space<vmem>>, vector<16xf32>,
        %parallel_loop3A_410 = arith.subf %parallel_loop3A_409, %broadcast_in_dim3A_314 : vector<16xf32>
        %parallel_loop3A_411 = math.exp %parallel_loop3A_410 : vector<16xf32>
        %parallel_loop3A_412 = arith.constant 0 : i32
        %parallel_loop3A_413 = arith.addi %parallel_loop3A_397, %parallel_loop3A_412 : i32
        %parallel_loop3A_414 = arith.index_cast %parallel_loop3A_413 : i32 to index
        %parallel_loop3A_415 = tpu.vector_load %arg11[%parallel_loop3A_414] {strides = array<i32>} : memref<8192xf32, #tpu.memory_space<vmem>>, vector<16xf32>,
        tpu.vector_store %arg11[%parallel_loop3A_414], %parallel_loop3A_411 {strides = array<i32>} : memref<8192xf32, #tpu.memory_space<vmem>>, vector<16xf32>,
        %parallel_loop3A_416 = arith.addf %parallel_loop3A_398, %parallel_loop3A_411 : vector<16xf32>
        %parallel_loop3A_417 = arith.constant 16 : i32
        %parallel_loop3A_418 = arith.addi %parallel_loop3A_397, %parallel_loop3A_417 : i32
        %parallel_loop3A_419 = arith.index_cast %parallel_loop3A_418 : i32 to index
        %parallel_loop3A_420 = tpu.vector_load %arg11[%parallel_loop3A_419] {strides = array<i32>} : memref<8192xf32, #tpu.memory_space<vmem>>, vector<16xf32>,
        %parallel_loop3A_421 = arith.subf %parallel_loop3A_420, %broadcast_in_dim3A_314 : vector<16xf32>
        %parallel_loop3A_422 = math.exp %parallel_loop3A_421 : vector<16xf32>
        %parallel_loop3A_423 = arith.constant 16 : i32
        %parallel_loop3A_424 = arith.addi %parallel_loop3A_397, %parallel_loop3A_423 : i32
        %parallel_loop3A_425 = arith.index_cast %parallel_loop3A_424 : i32 to index
        %parallel_loop3A_426 = tpu.vector_load %arg11[%parallel_loop3A_425] {strides = array<i32>} : memref<8192xf32, #tpu.memory_space<vmem>>, vector<16xf32>,
        tpu.vector_store %arg11[%parallel_loop3A_425], %parallel_loop3A_422 {strides = array<i32>} : memref<8192xf32, #tpu.memory_space<vmem>>, vector<16xf32>,
        %parallel_loop3A_427 = arith.addf %parallel_loop3A_399, %parallel_loop3A_422 : vector<16xf32>
        %parallel_loop3A_428 = arith.constant 32 : i32
        %parallel_loop3A_429 = arith.addi %parallel_loop3A_397, %parallel_loop3A_428 : i32
        %parallel_loop3A_430 = arith.index_cast %parallel_loop3A_429 : i32 to index
        %parallel_loop3A_431 = tpu.vector_load %arg11[%parallel_loop3A_430] {strides = array<i32>} : memref<8192xf32, #tpu.memory_space<vmem>>, vector<16xf32>,
        %parallel_loop3A_432 = arith.subf %parallel_loop3A_431, %broadcast_in_dim3A_314 : vector<16xf32>
        %parallel_loop3A_433 = math.exp %parallel_loop3A_432 : vector<16xf32>
        %parallel_loop3A_434 = arith.constant 32 : i32
        %parallel_loop3A_435 = arith.addi %parallel_loop3A_397, %parallel_loop3A_434 : i32
        %parallel_loop3A_436 = arith.index_cast %parallel_loop3A_435 : i32 to index
        %parallel_loop3A_437 = tpu.vector_load %arg11[%parallel_loop3A_436] {strides = array<i32>} : memref<8192xf32, #tpu.memory_space<vmem>>, vector<16xf32>,
        tpu.vector_store %arg11[%parallel_loop3A_436], %parallel_loop3A_433 {strides = array<i32>} : memref<8192xf32, #tpu.memory_space<vmem>>, vector<16xf32>,
        %parallel_loop3A_438 = arith.addf %parallel_loop3A_400, %parallel_loop3A_433 : vector<16xf32>
        %parallel_loop3A_439 = arith.constant 48 : i32
        %parallel_loop3A_440 = arith.addi %parallel_loop3A_397, %parallel_loop3A_439 : i32
        %parallel_loop3A_441 = arith.index_cast %parallel_loop3A_440 : i32 to index
        %parallel_loop3A_442 = tpu.vector_load %arg11[%parallel_loop3A_441] {strides = array<i32>} : memref<8192xf32, #tpu.memory_space<vmem>>, vector<16xf32>,
        %parallel_loop3A_443 = arith.subf %parallel_loop3A_442, %broadcast_in_dim3A_314 : vector<16xf32>
        %parallel_loop3A_444 = math.exp %parallel_loop3A_443 : vector<16xf32>
        %parallel_loop3A_445 = arith.constant 48 : i32
        %parallel_loop3A_446 = arith.addi %parallel_loop3A_397, %parallel_loop3A_445 : i32
        %parallel_loop3A_447 = arith.index_cast %parallel_loop3A_446 : i32 to index
        %parallel_loop3A_448 = tpu.vector_load %arg11[%parallel_loop3A_447] {strides = array<i32>} : memref<8192xf32, #tpu.memory_space<vmem>>, vector<16xf32>,
        tpu.vector_store %arg11[%parallel_loop3A_447], %parallel_loop3A_444 {strides = array<i32>} : memref<8192xf32, #tpu.memory_space<vmem>>, vector<16xf32>,
        %parallel_loop3A_449 = arith.addf %parallel_loop3A_401, %parallel_loop3A_444 : vector<16xf32>
        %parallel_loop3A_450 = arith.constant 64 : i32
        %parallel_loop3A_451 = arith.addi %parallel_loop3A_397, %parallel_loop3A_450 : i32
        %parallel_loop3A_452 = arith.index_cast %parallel_loop3A_451 : i32 to index
        %parallel_loop3A_453 = tpu.vector_load %arg11[%parallel_loop3A_452] {strides = array<i32>} : memref<8192xf32, #tpu.memory_space<vmem>>, vector<16xf32>,
        %parallel_loop3A_454 = arith.subf %parallel_loop3A_453, %broadcast_in_dim3A_314 : vector<16xf32>
        %parallel_loop3A_455 = math.exp %parallel_loop3A_454 : vector<16xf32>
        %parallel_loop3A_456 = arith.constant 64 : i32
        %parallel_loop3A_457 = arith.addi %parallel_loop3A_397, %parallel_loop3A_456 : i32
        %parallel_loop3A_458 = arith.index_cast %parallel_loop3A_457 : i32 to index
        %parallel_loop3A_459 = tpu.vector_load %arg11[%parallel_loop3A_458] {strides = array<i32>} : memref<8192xf32, #tpu.memory_space<vmem>>, vector<16xf32>,
        tpu.vector_store %arg11[%parallel_loop3A_458], %parallel_loop3A_455 {strides = array<i32>} : memref<8192xf32, #tpu.memory_space<vmem>>, vector<16xf32>,
        %parallel_loop3A_460 = arith.addf %parallel_loop3A_402, %parallel_loop3A_455 : vector<16xf32>
        %parallel_loop3A_461 = arith.constant 80 : i32
        %parallel_loop3A_462 = arith.addi %parallel_loop3A_397, %parallel_loop3A_461 : i32
        %parallel_loop3A_463 = arith.index_cast %parallel_loop3A_462 : i32 to index
        %parallel_loop3A_464 = tpu.vector_load %arg11[%parallel_loop3A_463] {strides = array<i32>} : memref<8192xf32, #tpu.memory_space<vmem>>, vector<16xf32>,
        %parallel_loop3A_465 = arith.subf %parallel_loop3A_464, %broadcast_in_dim3A_314 : vector<16xf32>
        %parallel_loop3A_466 = math.exp %parallel_loop3A_465 : vector<16xf32>
        %parallel_loop3A_467 = arith.constant 80 : i32
        %parallel_loop3A_468 = arith.addi %parallel_loop3A_397, %parallel_loop3A_467 : i32
        %parallel_loop3A_469 = arith.index_cast %parallel_loop3A_468 : i32 to index
        %parallel_loop3A_470 = tpu.vector_load %arg11[%parallel_loop3A_469] {strides = array<i32>} : memref<8192xf32, #tpu.memory_space<vmem>>, vector<16xf32>,
        tpu.vector_store %arg11[%parallel_loop3A_469], %parallel_loop3A_466 {strides = array<i32>} : memref<8192xf32, #tpu.memory_space<vmem>>, vector<16xf32>,
        %parallel_loop3A_471 = arith.addf %parallel_loop3A_403, %parallel_loop3A_466 : vector<16xf32>
        %parallel_loop3A_472 = arith.constant 96 : i32
        %parallel_loop3A_473 = arith.addi %parallel_loop3A_397, %parallel_loop3A_472 : i32
        %parallel_loop3A_474 = arith.index_cast %parallel_loop3A_473 : i32 to index
        %parallel_loop3A_475 = tpu.vector_load %arg11[%parallel_loop3A_474] {strides = array<i32>} : memref<8192xf32, #tpu.memory_space<vmem>>, vector<16xf32>,
        %parallel_loop3A_476 = arith.subf %parallel_loop3A_475, %broadcast_in_dim3A_314 : vector<16xf32>
        %parallel_loop3A_477 = math.exp %parallel_loop3A_476 : vector<16xf32>
        %parallel_loop3A_478 = arith.constant 96 : i32
        %parallel_loop3A_479 = arith.addi %parallel_loop3A_397, %parallel_loop3A_478 : i32
        %parallel_loop3A_480 = arith.index_cast %parallel_loop3A_479 : i32 to index
        %parallel_loop3A_481 = tpu.vector_load %arg11[%parallel_loop3A_480] {strides = array<i32>} : memref<8192xf32, #tpu.memory_space<vmem>>, vector<16xf32>,
        tpu.vector_store %arg11[%parallel_loop3A_480], %parallel_loop3A_477 {strides = array<i32>} : memref<8192xf32, #tpu.memory_space<vmem>>, vector<16xf32>,
        %parallel_loop3A_482 = arith.addf %parallel_loop3A_404, %parallel_loop3A_477 : vector<16xf32>
        %parallel_loop3A_483 = arith.constant 112 : i32
        %parallel_loop3A_484 = arith.addi %parallel_loop3A_397, %parallel_loop3A_483 : i32
        %parallel_loop3A_485 = arith.index_cast %parallel_loop3A_484 : i32 to index
        %parallel_loop3A_486 = tpu.vector_load %arg11[%parallel_loop3A_485] {strides = array<i32>} : memref<8192xf32, #tpu.memory_space<vmem>>, vector<16xf32>,
        %parallel_loop3A_487 = arith.subf %parallel_loop3A_486, %broadcast_in_dim3A_314 : vector<16xf32>
        %parallel_loop3A_488 = math.exp %parallel_loop3A_487 : vector<16xf32>
        %parallel_loop3A_489 = arith.constant 112 : i32
        %parallel_loop3A_490 = arith.addi %parallel_loop3A_397, %parallel_loop3A_489 : i32
        %parallel_loop3A_491 = arith.index_cast %parallel_loop3A_490 : i32 to index
        %parallel_loop3A_492 = tpu.vector_load %arg11[%parallel_loop3A_491] {strides = array<i32>} : memref<8192xf32, #tpu.memory_space<vmem>>, vector<16xf32>,
        tpu.vector_store %arg11[%parallel_loop3A_491], %parallel_loop3A_488 {strides = array<i32>} : memref<8192xf32, #tpu.memory_space<vmem>>, vector<16xf32>,
        %parallel_loop3A_493 = arith.addf %parallel_loop3A_405, %parallel_loop3A_488 : vector<16xf32>
        scf.yield %parallel_loop3A_416, %parallel_loop3A_427, %parallel_loop3A_438, %parallel_loop3A_449, %parallel_loop3A_460, %parallel_loop3A_471, %parallel_loop3A_482, %parallel_loop3A_493 : vector<16xf32>, vector<16xf32>, vector<16xf32>, vector<16xf32>, vector<16xf32>, vector<16xf32>, vector<16xf32>, vector<16xf32>
      } {sc.loop_unroll_factor = 1 : i64, sc.parallel_access}
      %add3A_321 = arith.addf %parallel_loop3A_320#0, %parallel_loop3A_320#1 : vector<16xf32>
      %add3A_322 = arith.addf %add3A_321, %parallel_loop3A_320#2 : vector<16xf32>
      %add3A_323 = arith.addf %add3A_322, %parallel_loop3A_320#3 : vector<16xf32>
      %add3A_324 = arith.addf %add3A_323, %parallel_loop3A_320#4 : vector<16xf32>
      %add3A_325 = arith.addf %add3A_324, %parallel_loop3A_320#5 : vector<16xf32>
      %add3A_326 = arith.addf %add3A_325, %parallel_loop3A_320#6 : vector<16xf32>
      %add3A_327 = arith.addf %add3A_326, %parallel_loop3A_320#7 : vector<16xf32>
      %slice3A_328 = vector.extract_strided_slice %add3A_327 {offsets = [0], sizes = [1], strides = [1]} : vector<16xf32> to vector<1xf32>
      %squeeze3A_329 = vector.extract %slice3A_328[0] : f32 from vector<1xf32>
      %slice3A_330 = vector.extract_strided_slice %add3A_327 {offsets = [1], sizes = [1], strides = [1]} : vector<16xf32> to vector<1xf32>
      %squeeze3A_331 = vector.extract %slice3A_330[0] : f32 from vector<1xf32>
      %add3A_332 = arith.addf %squeeze3A_329, %squeeze3A_331 : f32
      %slice3A_333 = vector.extract_strided_slice %add3A_327 {offsets = [2], sizes = [1], strides = [1]} : vector<16xf32> to vector<1xf32>
      %squeeze3A_334 = vector.extract %slice3A_333[0] : f32 from vector<1xf32>
      %add3A_335 = arith.addf %add3A_332, %squeeze3A_334 : f32
      %slice3A_336 = vector.extract_strided_slice %add3A_327 {offsets = [3], sizes = [1], strides = [1]} : vector<16xf32> to vector<1xf32>
      %squeeze3A_337 = vector.extract %slice3A_336[0] : f32 from vector<1xf32>
      %add3A_338 = arith.addf %add3A_335, %squeeze3A_337 : f32
      %slice3A_339 = vector.extract_strided_slice %add3A_327 {offsets = [4], sizes = [1], strides = [1]} : vector<16xf32> to vector<1xf32>
      %squeeze3A_340 = vector.extract %slice3A_339[0] : f32 from vector<1xf32>
      %add3A_341 = arith.addf %add3A_338, %squeeze3A_340 : f32
      %slice3A_342 = vector.extract_strided_slice %add3A_327 {offsets = [5], sizes = [1], strides = [1]} : vector<16xf32> to vector<1xf32>
      %squeeze3A_343 = vector.extract %slice3A_342[0] : f32 from vector<1xf32>
      %add3A_344 = arith.addf %add3A_341, %squeeze3A_343 : f32
      %slice3A_345 = vector.extract_strided_slice %add3A_327 {offsets = [6], sizes = [1], strides = [1]} : vector<16xf32> to vector<1xf32>
      %squeeze3A_346 = vector.extract %slice3A_345[0] : f32 from vector<1xf32>
      %add3A_347 = arith.addf %add3A_344, %squeeze3A_346 : f32
      %slice3A_348 = vector.extract_strided_slice %add3A_327 {offsets = [7], sizes = [1], strides = [1]} : vector<16xf32> to vector<1xf32>
      %squeeze3A_349 = vector.extract %slice3A_348[0] : f32 from vector<1xf32>
      %add3A_350 = arith.addf %add3A_347, %squeeze3A_349 : f32
      %slice3A_351 = vector.extract_strided_slice %add3A_327 {offsets = [8], sizes = [1], strides = [1]} : vector<16xf32> to vector<1xf32>
      %squeeze3A_352 = vector.extract %slice3A_351[0] : f32 from vector<1xf32>
      %add3A_353 = arith.addf %add3A_350, %squeeze3A_352 : f32
      %slice3A_354 = vector.extract_strided_slice %add3A_327 {offsets = [9], sizes = [1], strides = [1]} : vector<16xf32> to vector<1xf32>
      %squeeze3A_355 = vector.extract %slice3A_354[0] : f32 from vector<1xf32>
      %add3A_356 = arith.addf %add3A_353, %squeeze3A_355 : f32
      %slice3A_357 = vector.extract_strided_slice %add3A_327 {offsets = [10], sizes = [1], strides = [1]} : vector<16xf32> to vector<1xf32>
      %squeeze3A_358 = vector.extract %slice3A_357[0] : f32 from vector<1xf32>
      %add3A_359 = arith.addf %add3A_356, %squeeze3A_358 : f32
      %slice3A_360 = vector.extract_strided_slice %add3A_327 {offsets = [11], sizes = [1], strides = [1]} : vector<16xf32> to vector<1xf32>
      %squeeze3A_361 = vector.extract %slice3A_360[0] : f32 from vector<1xf32>
      %add3A_362 = arith.addf %add3A_359, %squeeze3A_361 : f32
      %slice3A_363 = vector.extract_strided_slice %add3A_327 {offsets = [12], sizes = [1], strides = [1]} : vector<16xf32> to vector<1xf32>
      %squeeze3A_364 = vector.extract %slice3A_363[0] : f32 from vector<1xf32>
      %add3A_365 = arith.addf %add3A_362, %squeeze3A_364 : f32
      %slice3A_366 = vector.extract_strided_slice %add3A_327 {offsets = [13], sizes = [1], strides = [1]} : vector<16xf32> to vector<1xf32>
      %squeeze3A_367 = vector.extract %slice3A_366[0] : f32 from vector<1xf32>
      %add3A_368 = arith.addf %add3A_365, %squeeze3A_367 : f32
      %slice3A_369 = vector.extract_strided_slice %add3A_327 {offsets = [14], sizes = [1], strides = [1]} : vector<16xf32> to vector<1xf32>
      %squeeze3A_370 = vector.extract %slice3A_369[0] : f32 from vector<1xf32>
      %add3A_371 = arith.addf %add3A_368, %squeeze3A_370 : f32
      %slice3A_372 = vector.extract_strided_slice %add3A_327 {offsets = [15], sizes = [1], strides = [1]} : vector<16xf32> to vector<1xf32>
      %squeeze3A_373 = vector.extract %slice3A_372[0] : f32 from vector<1xf32>
      %add3A_374 = arith.addf %add3A_371, %squeeze3A_373 : f32
      %broadcast_in_dim3A_375 = vector.broadcast %add3A_374 : f32 to vector<16xf32>
      %div3A_376 = arith.constant 1.000000e+00 : f32
      %div3A_377 = vector.broadcast %div3A_376 : f32 to vector<16xf32>
      %div3A_378 = arith.divf %div3A_377, %broadcast_in_dim3A_375 : vector<16xf32>
      %broadcast_in_dim3A_379 = arith.constant 9.99999993E-9 : f32
      %broadcast_in_dim3A_380 = vector.broadcast %broadcast_in_dim3A_379 : f32 to vector<16xf32>
      %parallel_loop3A_381 = arith.constant 0 : i32
      %parallel_loop3A_382 = arith.constant 8192 : i32
      %parallel_loop3A_383 = arith.constant 128 : i32
      %parallel_loop3A_384 = arith.constant 1.11111116 : f32
      scf.for %parallel_loop3A_397 = %parallel_loop3A_381 to %parallel_loop3A_382 step %parallel_loop3A_383  : i32 {
        %parallel_loop3A_398 = arith.constant 0 : i32
        %parallel_loop3A_399 = arith.addi %parallel_loop3A_397, %parallel_loop3A_398 : i32
        %parallel_loop3A_400 = arith.index_cast %parallel_loop3A_399 : i32 to index
        %parallel_loop3A_401 = tpu.vector_load %arg11[%parallel_loop3A_400] {strides = array<i32>} : memref<8192xf32, #tpu.memory_space<vmem>>, vector<16xf32>,
        %parallel_loop3A_402 = arith.mulf %parallel_loop3A_401, %div3A_378 : vector<16xf32>
        %parallel_loop3A_403 = arith.constant 0 : i32
        %parallel_loop3A_404 = arith.addi %parallel_loop3A_397, %parallel_loop3A_403 : i32
        %parallel_loop3A_405 = arith.index_cast %rem3A_65 : i32 to index
        %parallel_loop3A_406 = arith.index_cast %parallel_loop3A_404 : i32 to index
        %parallel_loop3A_407 = tpu.vector_load %arg12[%parallel_loop3A_405, %parallel_loop3A_406] {strides = array<i32>} : memref<2x8192xf32, #tpu.memory_space<vmem>>, vector<16xf32>,
        %parallel_loop3A_408 = arith.mulf %parallel_loop3A_407, %parallel_loop3A_402 : vector<16xf32>
        %parallel_loop3A_409 = vector.broadcast %parallel_loop3A_384 : f32 to vector<16xf32>
        %parallel_loop3A_410 = arith.mulf %parallel_loop3A_408, %parallel_loop3A_409 : vector<16xf32>
        %parallel_loop3A_411 = arith.cmpf olt, %parallel_loop3A_402, %broadcast_in_dim3A_380 : vector<16xf32>
        %parallel_loop3A_412 = arith.select %parallel_loop3A_411, %broadcast_in_dim3A_316, %parallel_loop3A_410 : vector<16xi1>, vector<16xf32>
        %parallel_loop3A_413 = arith.constant 0 : i32
        %parallel_loop3A_414 = arith.addi %parallel_loop3A_397, %parallel_loop3A_413 : i32
        %parallel_loop3A_415 = arith.index_cast %rem3A_65 : i32 to index
        %parallel_loop3A_416 = arith.index_cast %parallel_loop3A_414 : i32 to index
        %parallel_loop3A_417 = tpu.vector_load %arg13[%parallel_loop3A_415, %parallel_loop3A_416] {strides = array<i32>} : memref<2x8192xf32, #tpu.memory_space<vmem>>, vector<16xf32>,
        tpu.vector_store %arg13[%parallel_loop3A_415, %parallel_loop3A_416], %parallel_loop3A_412 {strides = array<i32>} : memref<2x8192xf32, #tpu.memory_space<vmem>>, vector<16xf32>,
        %parallel_loop3A_418 = arith.constant 16 : i32
        %parallel_loop3A_419 = arith.addi %parallel_loop3A_397, %parallel_loop3A_418 : i32
        %parallel_loop3A_420 = arith.index_cast %parallel_loop3A_419 : i32 to index
        %parallel_loop3A_421 = tpu.vector_load %arg11[%parallel_loop3A_420] {strides = array<i32>} : memref<8192xf32, #tpu.memory_space<vmem>>, vector<16xf32>,
        %parallel_loop3A_422 = arith.mulf %parallel_loop3A_421, %div3A_378 : vector<16xf32>
        %parallel_loop3A_423 = arith.constant 16 : i32
        %parallel_loop3A_424 = arith.addi %parallel_loop3A_397, %parallel_loop3A_423 : i32
        %parallel_loop3A_425 = arith.index_cast %rem3A_65 : i32 to index
        %parallel_loop3A_426 = arith.index_cast %parallel_loop3A_424 : i32 to index
        %parallel_loop3A_427 = tpu.vector_load %arg12[%parallel_loop3A_425, %parallel_loop3A_426] {strides = array<i32>} : memref<2x8192xf32, #tpu.memory_space<vmem>>, vector<16xf32>,
        %parallel_loop3A_428 = arith.mulf %parallel_loop3A_427, %parallel_loop3A_422 : vector<16xf32>
        %parallel_loop3A_429 = vector.broadcast %parallel_loop3A_384 : f32 to vector<16xf32>
        %parallel_loop3A_430 = arith.mulf %parallel_loop3A_428, %parallel_loop3A_429 : vector<16xf32>
        %parallel_loop3A_431 = arith.cmpf olt, %parallel_loop3A_422, %broadcast_in_dim3A_380 : vector<16xf32>
        %parallel_loop3A_432 = arith.select %parallel_loop3A_431, %broadcast_in_dim3A_316, %parallel_loop3A_430 : vector<16xi1>, vector<16xf32>
        %parallel_loop3A_433 = arith.constant 16 : i32
        %parallel_loop3A_434 = arith.addi %parallel_loop3A_397, %parallel_loop3A_433 : i32
        %parallel_loop3A_435 = arith.index_cast %rem3A_65 : i32 to index
        %parallel_loop3A_436 = arith.index_cast %parallel_loop3A_434 : i32 to index
        %parallel_loop3A_437 = tpu.vector_load %arg13[%parallel_loop3A_435, %parallel_loop3A_436] {strides = array<i32>} : memref<2x8192xf32, #tpu.memory_space<vmem>>, vector<16xf32>,
        tpu.vector_store %arg13[%parallel_loop3A_435, %parallel_loop3A_436], %parallel_loop3A_432 {strides = array<i32>} : memref<2x8192xf32, #tpu.memory_space<vmem>>, vector<16xf32>,
        %parallel_loop3A_438 = arith.constant 32 : i32
        %parallel_loop3A_439 = arith.addi %parallel_loop3A_397, %parallel_loop3A_438 : i32
        %parallel_loop3A_440 = arith.index_cast %parallel_loop3A_439 : i32 to index
        %parallel_loop3A_441 = tpu.vector_load %arg11[%parallel_loop3A_440] {strides = array<i32>} : memref<8192xf32, #tpu.memory_space<vmem>>, vector<16xf32>,
        %parallel_loop3A_442 = arith.mulf %parallel_loop3A_441, %div3A_378 : vector<16xf32>
        %parallel_loop3A_443 = arith.constant 32 : i32
        %parallel_loop3A_444 = arith.addi %parallel_loop3A_397, %parallel_loop3A_443 : i32
        %parallel_loop3A_445 = arith.index_cast %rem3A_65 : i32 to index
        %parallel_loop3A_446 = arith.index_cast %parallel_loop3A_444 : i32 to index
        %parallel_loop3A_447 = tpu.vector_load %arg12[%parallel_loop3A_445, %parallel_loop3A_446] {strides = array<i32>} : memref<2x8192xf32, #tpu.memory_space<vmem>>, vector<16xf32>,
        %parallel_loop3A_448 = arith.mulf %parallel_loop3A_447, %parallel_loop3A_442 : vector<16xf32>
        %parallel_loop3A_449 = vector.broadcast %parallel_loop3A_384 : f32 to vector<16xf32>
        %parallel_loop3A_450 = arith.mulf %parallel_loop3A_448, %parallel_loop3A_449 : vector<16xf32>
        %parallel_loop3A_451 = arith.cmpf olt, %parallel_loop3A_442, %broadcast_in_dim3A_380 : vector<16xf32>
        %parallel_loop3A_452 = arith.select %parallel_loop3A_451, %broadcast_in_dim3A_316, %parallel_loop3A_450 : vector<16xi1>, vector<16xf32>
        %parallel_loop3A_453 = arith.constant 32 : i32
        %parallel_loop3A_454 = arith.addi %parallel_loop3A_397, %parallel_loop3A_453 : i32
        %parallel_loop3A_455 = arith.index_cast %rem3A_65 : i32 to index
        %parallel_loop3A_456 = arith.index_cast %parallel_loop3A_454 : i32 to index
        %parallel_loop3A_457 = tpu.vector_load %arg13[%parallel_loop3A_455, %parallel_loop3A_456] {strides = array<i32>} : memref<2x8192xf32, #tpu.memory_space<vmem>>, vector<16xf32>,
        tpu.vector_store %arg13[%parallel_loop3A_455, %parallel_loop3A_456], %parallel_loop3A_452 {strides = array<i32>} : memref<2x8192xf32, #tpu.memory_space<vmem>>, vector<16xf32>,
        %parallel_loop3A_458 = arith.constant 48 : i32
        %parallel_loop3A_459 = arith.addi %parallel_loop3A_397, %parallel_loop3A_458 : i32
        %parallel_loop3A_460 = arith.index_cast %parallel_loop3A_459 : i32 to index
        %parallel_loop3A_461 = tpu.vector_load %arg11[%parallel_loop3A_460] {strides = array<i32>} : memref<8192xf32, #tpu.memory_space<vmem>>, vector<16xf32>,
        %parallel_loop3A_462 = arith.mulf %parallel_loop3A_461, %div3A_378 : vector<16xf32>
        %parallel_loop3A_463 = arith.constant 48 : i32
        %parallel_loop3A_464 = arith.addi %parallel_loop3A_397, %parallel_loop3A_463 : i32
        %parallel_loop3A_465 = arith.index_cast %rem3A_65 : i32 to index
        %parallel_loop3A_466 = arith.index_cast %parallel_loop3A_464 : i32 to index
        %parallel_loop3A_467 = tpu.vector_load %arg12[%parallel_loop3A_465, %parallel_loop3A_466] {strides = array<i32>} : memref<2x8192xf32, #tpu.memory_space<vmem>>, vector<16xf32>,
        %parallel_loop3A_468 = arith.mulf %parallel_loop3A_467, %parallel_loop3A_462 : vector<16xf32>
        %parallel_loop3A_469 = vector.broadcast %parallel_loop3A_384 : f32 to vector<16xf32>
        %parallel_loop3A_470 = arith.mulf %parallel_loop3A_468, %parallel_loop3A_469 : vector<16xf32>
        %parallel_loop3A_471 = arith.cmpf olt, %parallel_loop3A_462, %broadcast_in_dim3A_380 : vector<16xf32>
        %parallel_loop3A_472 = arith.select %parallel_loop3A_471, %broadcast_in_dim3A_316, %parallel_loop3A_470 : vector<16xi1>, vector<16xf32>
        %parallel_loop3A_473 = arith.constant 48 : i32
        %parallel_loop3A_474 = arith.addi %parallel_loop3A_397, %parallel_loop3A_473 : i32
        %parallel_loop3A_475 = arith.index_cast %rem3A_65 : i32 to index
        %parallel_loop3A_476 = arith.index_cast %parallel_loop3A_474 : i32 to index
        %parallel_loop3A_477 = tpu.vector_load %arg13[%parallel_loop3A_475, %parallel_loop3A_476] {strides = array<i32>} : memref<2x8192xf32, #tpu.memory_space<vmem>>, vector<16xf32>,
        tpu.vector_store %arg13[%parallel_loop3A_475, %parallel_loop3A_476], %parallel_loop3A_472 {strides = array<i32>} : memref<2x8192xf32, #tpu.memory_space<vmem>>, vector<16xf32>,
        %parallel_loop3A_478 = arith.constant 64 : i32
        %parallel_loop3A_479 = arith.addi %parallel_loop3A_397, %parallel_loop3A_478 : i32
        %parallel_loop3A_480 = arith.index_cast %parallel_loop3A_479 : i32 to index
        %parallel_loop3A_481 = tpu.vector_load %arg11[%parallel_loop3A_480] {strides = array<i32>} : memref<8192xf32, #tpu.memory_space<vmem>>, vector<16xf32>,
        %parallel_loop3A_482 = arith.mulf %parallel_loop3A_481, %div3A_378 : vector<16xf32>
        %parallel_loop3A_483 = arith.constant 64 : i32
        %parallel_loop3A_484 = arith.addi %parallel_loop3A_397, %parallel_loop3A_483 : i32
        %parallel_loop3A_485 = arith.index_cast %rem3A_65 : i32 to index
        %parallel_loop3A_486 = arith.index_cast %parallel_loop3A_484 : i32 to index
        %parallel_loop3A_487 = tpu.vector_load %arg12[%parallel_loop3A_485, %parallel_loop3A_486] {strides = array<i32>} : memref<2x8192xf32, #tpu.memory_space<vmem>>, vector<16xf32>,
        %parallel_loop3A_488 = arith.mulf %parallel_loop3A_487, %parallel_loop3A_482 : vector<16xf32>
        %parallel_loop3A_489 = vector.broadcast %parallel_loop3A_384 : f32 to vector<16xf32>
        %parallel_loop3A_490 = arith.mulf %parallel_loop3A_488, %parallel_loop3A_489 : vector<16xf32>
        %parallel_loop3A_491 = arith.cmpf olt, %parallel_loop3A_482, %broadcast_in_dim3A_380 : vector<16xf32>
        %parallel_loop3A_492 = arith.select %parallel_loop3A_491, %broadcast_in_dim3A_316, %parallel_loop3A_490 : vector<16xi1>, vector<16xf32>
        %parallel_loop3A_493 = arith.constant 64 : i32
        %parallel_loop3A_494 = arith.addi %parallel_loop3A_397, %parallel_loop3A_493 : i32
        %parallel_loop3A_495 = arith.index_cast %rem3A_65 : i32 to index
        %parallel_loop3A_496 = arith.index_cast %parallel_loop3A_494 : i32 to index
        %parallel_loop3A_497 = tpu.vector_load %arg13[%parallel_loop3A_495, %parallel_loop3A_496] {strides = array<i32>} : memref<2x8192xf32, #tpu.memory_space<vmem>>, vector<16xf32>,
        tpu.vector_store %arg13[%parallel_loop3A_495, %parallel_loop3A_496], %parallel_loop3A_492 {strides = array<i32>} : memref<2x8192xf32, #tpu.memory_space<vmem>>, vector<16xf32>,
        %parallel_loop3A_498 = arith.constant 80 : i32
        %parallel_loop3A_499 = arith.addi %parallel_loop3A_397, %parallel_loop3A_498 : i32
        %parallel_loop3A_500 = arith.index_cast %parallel_loop3A_499 : i32 to index
        %parallel_loop3A_501 = tpu.vector_load %arg11[%parallel_loop3A_500] {strides = array<i32>} : memref<8192xf32, #tpu.memory_space<vmem>>, vector<16xf32>,
        %parallel_loop3A_502 = arith.mulf %parallel_loop3A_501, %div3A_378 : vector<16xf32>
        %parallel_loop3A_503 = arith.constant 80 : i32
        %parallel_loop3A_504 = arith.addi %parallel_loop3A_397, %parallel_loop3A_503 : i32
        %parallel_loop3A_505 = arith.index_cast %rem3A_65 : i32 to index
        %parallel_loop3A_506 = arith.index_cast %parallel_loop3A_504 : i32 to index
        %parallel_loop3A_507 = tpu.vector_load %arg12[%parallel_loop3A_505, %parallel_loop3A_506] {strides = array<i32>} : memref<2x8192xf32, #tpu.memory_space<vmem>>, vector<16xf32>,
        %parallel_loop3A_508 = arith.mulf %parallel_loop3A_507, %parallel_loop3A_502 : vector<16xf32>
        %parallel_loop3A_509 = vector.broadcast %parallel_loop3A_384 : f32 to vector<16xf32>
        %parallel_loop3A_510 = arith.mulf %parallel_loop3A_508, %parallel_loop3A_509 : vector<16xf32>
        %parallel_loop3A_511 = arith.cmpf olt, %parallel_loop3A_502, %broadcast_in_dim3A_380 : vector<16xf32>
        %parallel_loop3A_512 = arith.select %parallel_loop3A_511, %broadcast_in_dim3A_316, %parallel_loop3A_510 : vector<16xi1>, vector<16xf32>
        %parallel_loop3A_513 = arith.constant 80 : i32
        %parallel_loop3A_514 = arith.addi %parallel_loop3A_397, %parallel_loop3A_513 : i32
        %parallel_loop3A_515 = arith.index_cast %rem3A_65 : i32 to index
        %parallel_loop3A_516 = arith.index_cast %parallel_loop3A_514 : i32 to index
        %parallel_loop3A_517 = tpu.vector_load %arg13[%parallel_loop3A_515, %parallel_loop3A_516] {strides = array<i32>} : memref<2x8192xf32, #tpu.memory_space<vmem>>, vector<16xf32>,
        tpu.vector_store %arg13[%parallel_loop3A_515, %parallel_loop3A_516], %parallel_loop3A_512 {strides = array<i32>} : memref<2x8192xf32, #tpu.memory_space<vmem>>, vector<16xf32>,
        %parallel_loop3A_518 = arith.constant 96 : i32
        %parallel_loop3A_519 = arith.addi %parallel_loop3A_397, %parallel_loop3A_518 : i32
        %parallel_loop3A_520 = arith.index_cast %parallel_loop3A_519 : i32 to index
        %parallel_loop3A_521 = tpu.vector_load %arg11[%parallel_loop3A_520] {strides = array<i32>} : memref<8192xf32, #tpu.memory_space<vmem>>, vector<16xf32>,
        %parallel_loop3A_522 = arith.mulf %parallel_loop3A_521, %div3A_378 : vector<16xf32>
        %parallel_loop3A_523 = arith.constant 96 : i32
        %parallel_loop3A_524 = arith.addi %parallel_loop3A_397, %parallel_loop3A_523 : i32
        %parallel_loop3A_525 = arith.index_cast %rem3A_65 : i32 to index
        %parallel_loop3A_526 = arith.index_cast %parallel_loop3A_524 : i32 to index
        %parallel_loop3A_527 = tpu.vector_load %arg12[%parallel_loop3A_525, %parallel_loop3A_526] {strides = array<i32>} : memref<2x8192xf32, #tpu.memory_space<vmem>>, vector<16xf32>,
        %parallel_loop3A_528 = arith.mulf %parallel_loop3A_527, %parallel_loop3A_522 : vector<16xf32>
        %parallel_loop3A_529 = vector.broadcast %parallel_loop3A_384 : f32 to vector<16xf32>
        %parallel_loop3A_530 = arith.mulf %parallel_loop3A_528, %parallel_loop3A_529 : vector<16xf32>
        %parallel_loop3A_531 = arith.cmpf olt, %parallel_loop3A_522, %broadcast_in_dim3A_380 : vector<16xf32>
        %parallel_loop3A_532 = arith.select %parallel_loop3A_531, %broadcast_in_dim3A_316, %parallel_loop3A_530 : vector<16xi1>, vector<16xf32>
        %parallel_loop3A_533 = arith.constant 96 : i32
        %parallel_loop3A_534 = arith.addi %parallel_loop3A_397, %parallel_loop3A_533 : i32
        %parallel_loop3A_535 = arith.index_cast %rem3A_65 : i32 to index
        %parallel_loop3A_536 = arith.index_cast %parallel_loop3A_534 : i32 to index
        %parallel_loop3A_537 = tpu.vector_load %arg13[%parallel_loop3A_535, %parallel_loop3A_536] {strides = array<i32>} : memref<2x8192xf32, #tpu.memory_space<vmem>>, vector<16xf32>,
        tpu.vector_store %arg13[%parallel_loop3A_535, %parallel_loop3A_536], %parallel_loop3A_532 {strides = array<i32>} : memref<2x8192xf32, #tpu.memory_space<vmem>>, vector<16xf32>,
        %parallel_loop3A_538 = arith.constant 112 : i32
        %parallel_loop3A_539 = arith.addi %parallel_loop3A_397, %parallel_loop3A_538 : i32
        %parallel_loop3A_540 = arith.index_cast %parallel_loop3A_539 : i32 to index
        %parallel_loop3A_541 = tpu.vector_load %arg11[%parallel_loop3A_540] {strides = array<i32>} : memref<8192xf32, #tpu.memory_space<vmem>>, vector<16xf32>,
        %parallel_loop3A_542 = arith.mulf %parallel_loop3A_541, %div3A_378 : vector<16xf32>
        %parallel_loop3A_543 = arith.constant 112 : i32
        %parallel_loop3A_544 = arith.addi %parallel_loop3A_397, %parallel_loop3A_543 : i32
        %parallel_loop3A_545 = arith.index_cast %rem3A_65 : i32 to index
        %parallel_loop3A_546 = arith.index_cast %parallel_loop3A_544 : i32 to index
        %parallel_loop3A_547 = tpu.vector_load %arg12[%parallel_loop3A_545, %parallel_loop3A_546] {strides = array<i32>} : memref<2x8192xf32, #tpu.memory_space<vmem>>, vector<16xf32>,
        %parallel_loop3A_548 = arith.mulf %parallel_loop3A_547, %parallel_loop3A_542 : vector<16xf32>
        %parallel_loop3A_549 = vector.broadcast %parallel_loop3A_384 : f32 to vector<16xf32>
        %parallel_loop3A_550 = arith.mulf %parallel_loop3A_548, %parallel_loop3A_549 : vector<16xf32>
        %parallel_loop3A_551 = arith.cmpf olt, %parallel_loop3A_542, %broadcast_in_dim3A_380 : vector<16xf32>
        %parallel_loop3A_552 = arith.select %parallel_loop3A_551, %broadcast_in_dim3A_316, %parallel_loop3A_550 : vector<16xi1>, vector<16xf32>
        %parallel_loop3A_553 = arith.constant 112 : i32
        %parallel_loop3A_554 = arith.addi %parallel_loop3A_397, %parallel_loop3A_553 : i32
        %parallel_loop3A_555 = arith.index_cast %rem3A_65 : i32 to index
        %parallel_loop3A_556 = arith.index_cast %parallel_loop3A_554 : i32 to index
        %parallel_loop3A_557 = tpu.vector_load %arg13[%parallel_loop3A_555, %parallel_loop3A_556] {strides = array<i32>} : memref<2x8192xf32, #tpu.memory_space<vmem>>, vector<16xf32>,
        tpu.vector_store %arg13[%parallel_loop3A_555, %parallel_loop3A_556], %parallel_loop3A_552 {strides = array<i32>} : memref<2x8192xf32, #tpu.memory_space<vmem>>, vector<16xf32>,
      } {sc.loop_unroll_factor = 1 : i64, sc.parallel_access}
      %rem3A_385 = arith.constant 2 : i32
      %rem3A_386 = arith.remsi %scan3A_62, %rem3A_385 : i32
      %add3A_387 = arith.addi %mul3A_2, %scan3A_62 : i32
      %dma_start3A_388 = arith.constant 0 : i32
      %dma_start3A_389 = tpu.memref_slice %arg13[%rem3A_386, %dma_start3A_388] : memref<2x8192xf32, #tpu.memory_space<vmem>> -> memref<1x8192xf32, #tpu.memory_space<vmem>>
      %dma_start3A_390 = arith.constant 0 : i32
      %dma_start3A_391 = tpu.memref_slice %arg6[%add3A_387, %dma_start3A_390] : memref<128x8192xf32, #tpu.memory_space<hbm>> -> memref<1x8192xf32, #tpu.memory_space<hbm>>
      %dma_start3A_392 = arith.constant 0 : i32
      %dma_start3A_393 = tpu.memref_slice %arg6[%add3A_387, %dma_start3A_392] : memref<128x8192xf32, #tpu.memory_space<hbm>> -> memref<1x8192xf32, #tpu.memory_space<hbm>>
      %dma_start3A_394 = arith.constant 0 : i32
      %dma_start3A_395 = tpu.memref_slice %arg13[%rem3A_386, %dma_start3A_394] : memref<2x8192xf32, #tpu.memory_space<vmem>> -> memref<1x8192xf32, #tpu.memory_space<vmem>>
      tpu.enqueue_dma source(%dma_start3A_395 : memref<1x8192xf32, #tpu.memory_space<vmem>>) target(%dma_start3A_393 : memref<1x8192xf32, #tpu.memory_space<hbm>>) target_semaphore(%arg15 : memref<!tpu.dma_semaphore, #tpu.memory_space<semaphore_mem>>)
      %scan3A_396 = arith.constant 0 : i32
      scf.yield %scan3A_396 : i32
    }
    %scan3A_36 = arith.constant 4 : i32
    %rem3A_37 = arith.constant 2 : i32
    %rem3A_38 = arith.constant 2 : i32
    %rem3A_39 = arith.remsi %rem3A_37, %rem3A_38 : i32
    %add3A_40 = arith.constant 2 : i32
    %add3A_41 = arith.addi %mul3A_2, %add3A_40 : i32
    %dma_wait3A = arith.constant 0 : i32
    %dma_wait3A_42 = tpu.memref_slice %arg13[%rem3A_39, %dma_wait3A] : memref<2x8192xf32, #tpu.memory_space<vmem>> -> memref<1x8192xf32, #tpu.memory_space<vmem>>
    %dma_wait3A_43 = arith.constant 0 : i32
    %dma_wait3A_44 = tpu.memref_slice %arg6[%add3A_41, %dma_wait3A_43] : memref<128x8192xf32, #tpu.memory_space<hbm>> -> memref<1x8192xf32, #tpu.memory_space<hbm>>
    %dma_wait3A_45 = arith.constant 0 : i32
    %dma_wait3A_46 = tpu.memref_slice %arg6[%add3A_41, %dma_wait3A_45] : memref<128x8192xf32, #tpu.memory_space<hbm>> -> memref<1x8192xf32, #tpu.memory_space<hbm>>
    %dma_wait3A_47 = arith.constant 0 : i32
    %dma_wait3A_48 = tpu.memref_slice %arg13[%rem3A_39, %dma_wait3A_47] : memref<2x8192xf32, #tpu.memory_space<vmem>> -> memref<1x8192xf32, #tpu.memory_space<vmem>>
    tpu.wait_dma2 semaphore(%arg15 : memref<!tpu.dma_semaphore, #tpu.memory_space<semaphore_mem>>) src(%dma_wait3A_48 : memref<1x8192xf32, #tpu.memory_space<vmem>>) dst(%dma_wait3A_46 : memref<1x8192xf32, #tpu.memory_space<hbm>>)
    %rem3A_49 = arith.constant 3 : i32
    %rem3A_50 = arith.constant 2 : i32
    %rem3A_51 = arith.remsi %rem3A_49, %rem3A_50 : i32
    %add3A_52 = arith.constant 3 : i32
    %add3A_53 = arith.addi %mul3A_2, %add3A_52 : i32
    %dma_wait3A_54 = arith.constant 0 : i32
    %dma_wait3A_55 = tpu.memref_slice %arg13[%rem3A_51, %dma_wait3A_54] : memref<2x8192xf32, #tpu.memory_space<vmem>> -> memref<1x8192xf32, #tpu.memory_space<vmem>>
    %dma_wait3A_56 = arith.constant 0 : i32
    %dma_wait3A_57 = tpu.memref_slice %arg6[%add3A_53, %dma_wait3A_56] : memref<128x8192xf32, #tpu.memory_space<hbm>> -> memref<1x8192xf32, #tpu.memory_space<hbm>>
    %dma_wait3A_58 = arith.constant 0 : i32
    %dma_wait3A_59 = tpu.memref_slice %arg6[%add3A_53, %dma_wait3A_58] : memref<128x8192xf32, #tpu.memory_space<hbm>> -> memref<1x8192xf32, #tpu.memory_space<hbm>>
    %dma_wait3A_60 = arith.constant 0 : i32
    %dma_wait3A_61 = tpu.memref_slice %arg13[%rem3A_51, %dma_wait3A_60] : memref<2x8192xf32, #tpu.memory_space<vmem>> -> memref<1x8192xf32, #tpu.memory_space<vmem>>
    tpu.wait_dma2 semaphore(%arg15 : memref<!tpu.dma_semaphore, #tpu.memory_space<semaphore_mem>>) src(%dma_wait3A_61 : memref<1x8192xf32, #tpu.memory_space<vmem>>) dst(%dma_wait3A_59 : memref<1x8192xf32, #tpu.memory_space<hbm>>)
    return
  }
}

</mosaic_0001>

<sc_bundles>
// kernel: kernel.3.cloned.1.call-start
scs
__scs_entry_jumppad:
0x0: {  	(pc) =	sbr.rel $0x88, $3  }
0x1: {  	(tag) =	ssettag $0x0;
	lr =	simm.s32 $0x1  }
0x2: {  	[smem:$0x3F9D] =	sst lr;
	_ =	strace $0xD0000000  }
0x3: {  	_ = 	snop  }
0x4: {  	_ = 	snop  }
0x5: {  	_ = 	snop  }
0x6: {  	_ = 	snop  }
0x7: {  	_ = 	snop  }
__scs_overlays_trampoline_lowered:
0x8: {  	[smem:$0x3FAC] =	sst s0  }
0x9: {  	[smem:$0x3FAD] =	sst s1  }
0xa: {  	[smem:$0x3FAE] =	sst s2  }
0xb: {  	[smem:$0x3FAF] =	sst s3  }
0xc: {  	[smem:$0x3FB0] =	sst s4  }
0xd: {  	[smem:$0x3FB1] =	sst s5  }
0xe: {  	[smem:$0x3FB2] =	sst s6  }
0xf: {  	[smem:$0x3FB3] =	sst s7  }
0x10: {  	[smem:$0x3FB4] =	sst s8  }
0x11: {  	[smem:$0x3FB5] =	sst s9;
	s0 =	simm.s32 @!p0 $0x0  }
0x12: {  	s1 =	sld [smem:$0x3F9B];
	s0 =	simm.s32 @p0 $0x1  }
0x13: {  	[smem:$0x3FB6] =	sst s0;
	s0 =	simm.s32 @!p1 $0x0  }
0x14: {  	s2 =	sld [smem:$0x3F9A];
	s0 =	simm.s32 @p1 $0x1  }
0x15: {  	[smem:$0x3FB7] =	sst s0;
	s0 =	simm.s32 @!p2 $0x0  }
0x16: {  	s3 =	sld [smem:$0x3FDB];
	s0 =	simm.s32 @p2 $0x1  }
0x17: {  	s4 =	simm.s32 $0x1BF5;
	[smem:$0x3FB9] =	sst s0  }
0x18: {  	s0 =	sld [smem:$0x3F9C];
	_ =	swait.ge [sflag:s4], $0x0  }
0x19: {  	s7 =	sld [smem:$0x3F9D]  }
0x1a: {  	s8 =	sadd.s32 $0xFFFFE003, lr  }
0x1b: {  	s9 =	sadd.s32 $0xFFFFFEF7, lr;
	s5 =	simm.s32 $0xFFFFFFFF;
	p2 =	slt.u32 s8, $0xFFFFF086  }
0x1c: {  	p1 =	slt.u32 s9, $0xF7A;
	s5 =	simm.s32 @!p2 $0x0  }
0x1d: {  	s5 =	simm.s32 @p1 $0x1;
	p0 =	seq.s32 s7, s2  }
0x1e: {  	s7 =	smul.u32 @!p0 $0xF7A, s2;
	p2 =	seq.s32 @!p0 s5, $0x0  }
0x1f: {  	s9 =	smul.u32 $0xF7A, s1;
	s8 =	simm.s32 @!p0 $0x1BF5;
	p2 =	por !p2, p0  }
0x20: {  	[sflag:s8] =	ssyncset.s32 @!p0 $0xFFFFF086;
	s6 =	sadd.s32 @!p0 s3, s7;
	s7 =	simm.s32 @!p0 $0x108  }
0x21: {  	s3 =	sadd.s32 s3, s9;
	s6 =	sadd.s32 @!p0 $0x88, s6;
	s7 =	simm.s32 @p2 $0x1082  }
0x22: {  	[simem:s7], [sflag:s8] =	dma.local @!p0 [hbm:s6], $0xF7A  }
0x23: {  	s9 =	sor.u32 $0xD0000000, s2;
	s6 =	simm.s32 $0x108;
	_ =	swait.ge @!p0 [sflag:s8], $0x0  }
0x24: {  	s3 =	sadd.s32 $0x88, s3;
	s6 =	simm.s32 @!p1 $0x1082;
	[sflag:s4] =	ssyncset.s32 $0xFFFFF086  }
0x25: {  	[simem:s6], [sflag:s4] =	dma.local [hbm:s3], $0xF7A  }
0x26: {  	[smem:$0x3F9D] =	sst s1;
	(tag) =	ssettag s2;
	_ =	strace s9  }
0x27: {  	s1 =	sld [smem:$0x3FAD]  }
0x28: {  	s2 =	sld [smem:$0x3FAE]  }
0x29: {  	s4 =	sld [smem:$0x3FB0]  }
0x2a: {  	p0 =	seq.s32 s5, $0x0;
	s5 =	sld [smem:$0x3FB1]  }
0x2b: {  	s6 =	sld [smem:$0x3FB2]  }
0x2c: {  	s7 =	sld [smem:$0x3FB3]  }
0x2d: {  	s3 =	simm.s32 $0x108;
	s8 =	sld [smem:$0x3FB4]  }
0x2e: {  	s3 =	simm.s32 @!p0 $0x1082;
	s9 =	sld [smem:$0x3FB5]  }
0x2f: {  	lr =	sadd.s32 s0, s3;
	s0 =	sld [smem:$0x3FAC]  }
0x30: {  	s3 =	sld [smem:$0x3FAF]  }
0x31: {  	[smem:$0x3FB8] =	sst s10  }
0x32: {  	s10 =	sld [smem:$0x3FB6];
	_ =	sdelay $0x3  }
0x33: {  	p0 =	seq.s32 s10, $0x1;
	s10 =	sld [smem:$0x3FB8];
	_ =	sdelay $0x3  }
0x34: {  	[smem:$0x3FB8] =	sst s10  }
0x35: {  	s10 =	sld [smem:$0x3FB7];
	_ =	sdelay $0x3  }
0x36: {  	p1 =	seq.s32 s10, $0x1;
	s10 =	sld [smem:$0x3FB8];
	_ =	sdelay $0x3  }
0x37: {  	[smem:$0x3FB8] =	sst s10  }
0x38: {  	s10 =	sld [smem:$0x3FB9]  }
0x39: {  	_ = 	snop;
	(pc) =	sbr.ind lr, $3  }
0x3a: {  	_ = 	snop  }
0x3b: {  	_ = 	snop  }
0x3c: {  	p2 =	seq.s32 s10, $0x1;
	s10 =	sld [smem:$0x3FB8]  }
0x3d: {  	_ =	shalt  }
0x3e: {  	_ =	shalt  }
0x3f: {  	_ =	shalt  }
0x40: {  	_ =	shalt  }
0x41: {  	_ =	shalt  }
0x42: {  	_ =	shalt  }
0x43: {  	_ =	shalt  }
0x44: {  	_ =	shalt  }
0x45: {  	_ =	shalt  }
0x46: {  	_ =	shalt  }
0x47: {  	_ =	shalt  }
0x48: {  	_ =	shalt  }
0x49: {  	_ =	shalt  }
0x4a: {  	_ =	shalt  }
0x4b: {  	_ =	shalt  }
0x4c: {  	_ =	shalt  }
0x4d: {  	_ =	shalt  }
0x4e: {  	_ =	shalt  }
0x4f: {  	_ =	shalt  }
0x50: {  	_ =	shalt  }
0x51: {  	_ =	shalt  }
0x52: {  	_ =	shalt  }
0x53: {  	_ =	shalt  }
0x54: {  	_ =	shalt  }
0x55: {  	_ =	shalt  }
0x56: {  	_ =	shalt  }
0x57: {  	_ =	shalt  }
0x58: {  	_ =	shalt  }
0x59: {  	_ =	shalt  }
0x5a: {  	_ =	shalt  }
0x5b: {  	_ =	shalt  }
0x5c: {  	_ =	shalt  }
0x5d: {  	_ =	shalt  }
0x5e: {  	_ =	shalt  }
0x5f: {  	_ =	shalt  }
0x60: {  	_ =	shalt  }
0x61: {  	_ =	shalt  }
0x62: {  	_ =	shalt  }
0x63: {  	_ =	shalt  }
0x64: {  	_ =	shalt  }
0x65: {  	_ =	shalt  }
0x66: {  	_ =	shalt  }
0x67: {  	_ =	shalt  }
0x68: {  	_ =	shalt  }
0x69: {  	_ =	shalt  }
0x6a: {  	_ =	shalt  }
0x6b: {  	_ =	shalt  }
0x6c: {  	_ =	shalt  }
0x6d: {  	_ =	shalt  }
0x6e: {  	_ =	shalt  }
0x6f: {  	_ =	shalt  }
0x70: {  	_ =	shalt  }
0x71: {  	_ =	shalt  }
0x72: {  	_ =	shalt  }
0x73: {  	_ =	shalt  }
0x74: {  	_ =	shalt  }
0x75: {  	_ =	shalt  }
0x76: {  	_ =	shalt  }
0x77: {  	_ =	shalt  }
0x78: {  	_ =	shalt  }
0x79: {  	_ =	shalt  }
0x7a: {  	_ =	shalt  }
0x7b: {  	_ =	shalt  }
0x7c: {  	_ =	shalt  }
0x7d: {  	_ =	shalt  }
0x7e: {  	_ =	shalt  }
0x7f: {  	_ =	shalt  }
0x80: {  	_ =	shalt  }
0x81: {  	_ =	shalt  }
0x82: {  	_ =	shalt  }
0x83: {  	_ =	shalt  }
0x84: {  	_ =	shalt  }
0x85: {  	_ =	shalt  }
0x86: {  	_ =	shalt  }
0x87: {  	_ =	shalt  }
.Lfunc_end0:
.L_simem_size_0:
called_computation_lowered:
.L_overlay_start_0:
0x88: {  	s2 =	sld [smem:$0x3FD9]  }
0x89: {  	s3 =	sld [smem:$0x3FFE];
	_ =	sdelay $0x1  }
0x8a: {  	s1 =	srdreg.scid  }
0x8b: {  	s0 =	sand.u32 $0x1, s1  }
0x8c: {  	s17 =	sshll.u32 s0, $0xA;
	s2 =	sadd.s32 s3, s2  }
0x8d: {  	s2 =	sadd.s32 s2, s17  }
0x8e: {  	[smem:$0x3FC4] =	sst s2  }
0x8f: {  	_ = 	snop  }
0x90: {  	s2 =	sld [smem:$0x3FC7]  }
0x91: {  	s18 =	sld [smem:$0x3FD0];
	(tm) =	ssettm $0x1  }
0x92: {  	s4 =	sld [smem:$0x3FFB];
	_ =	sdelay $0x3  }
0x93: {  	_ =	strace s4  }
0x94: {  	s4 =	sld [smem:$0x3FFC];
	_ =	sdelay $0x3  }
0x95: {  	_ =	strace s4  }
0x96: {  	s4 =	sld [smem:$0x3FFD];
	_ =	sdelay $0x3  }
0x97: {  	_ =	strace s4  }
0x98: {  	_ =	strace $0x8FFFFFFF  }
0x99: {  	s19 =	sld [smem:$0x3FDB];
	_ =	sdelay $0x1  }
0x9a: {  	s5 =	simm.s32 $_scs_section_size  }
0x9b: {  	s6 =	simm.s32 $_size__tile_overlayer_lowered;
	s7 =	simm.s32 $_tile_overlayer_lowered  }
0x9c: {  	s22 =	simm.s32 $0x1BFF;
	s21 =	sshll.u32 s7, $0x1;
	s4 =	sadd.s32 s5, s19  }
0x9d: {  	s8 =	simm.s32 $0x0;
	s20 =	sshll.u32 s6, $0x1;
	s6 =	sadd.s32 s21, s4  }
0x9e: {  	[timem:s8], [sflag:s22] =	dma.local [hbm:s6], s20  }
0x9f: {  	_ =	swait.ge [sflag:s22], s20  }
0xa0: {  	s5 =	ssub.s32 $0x0, s20;
	[sflag:s22] =	ssyncset.done $0x0  }
0xa1: {  	[sflag:s22] =	ssyncadd.s32 s5;
	_ =	sdelay $0x1  }
0xa2: {  	s23 =	simm.s32 $0x1B8B  }
0xa3: {  	_ =	swait.ge [sflag:s23], $0x1  }
0xa4: {  	[sflag:s23] =	ssyncset.done $0x0  }
0xa5: {  	s25 =	simm.s32 $0x1B8E;
	s24 =	sld [smem:$0x3FFE];
	[sflag:s23] =	ssyncadd.s32 $0xFFFFFFFF  }
0xa6: {  	s26 =	simm.s32 $execute0_lowered;
	[smem:$0x3FD2] =	sst s25  }
0xa7: {  	s6 =	sshll.u32 s26, $0x1;
	_ =	strace $0x80000046;
	[dreg:$0x1] =	wrdreg $0xFFFFFFFF  }
0xa8: {  	s28 =	simm.s32 $_size_execute0_lowered;
	s4 =	sadd.s32 s4, s6;
	[dreg:$0x0] =	wrdreg $0x0  }
0xa9: {  	s6 =	sshll.u32 s28, $0x1;
	[dreg:$0x2] =	wrdreg s4  }
0xaa: {  	[dreg:$0x3] =	wrdreg s6  }
0xab: {  	[dreg:$0x4] =	wrdreg $0xC0  }
0xac: {  	_ =	task [dreg:s8], $0x5FFFF  }
0xad: {  	[dreg:$0x1] =	wrdreg $0xFFFFFFFF  }
0xae: {  	[dreg:$0x0] =	wrdreg $0x60  }
0xaf: {  	[dreg:$0x2] =	wrdreg s24  }
0xb0: {  	[dreg:$0x3] =	wrdreg s2  }
0xb1: {  	[dreg:$0x4] =	wrdreg s18  }
0xb2: {  	[dreg:$0x5] =	wrdreg $0x9  }
0xb3: {  	_ =	task.clear_ibuf [dreg:s8], $0x6FFFF;
	_ =	strace $0x90000046  }
0xb4: {  	s29 =	simm.s32 $0x9;
	_ =	strace $0x80000048  }
0xb5: {  	_ =	swait.ge [sflag:s29], $0x1  }
0xb6: {  	[sflag:s29] =	ssyncadd.s32 $0xFFFFFFFF  }
0xb7: {  	_ =	strace $0x90000048  }
0xb8: {  	_ =	sfence  }
0xb9: {  	s30 =	sld [smem:$0x0];
	_ =	sdelay $0x2  }
0xba: {  	s31 =	sshll.u32 s1, $0xD;
	s1 =	sshrl.u32 s1, $0x2  }
0xbb: {  	s3 =	sand.u32 $0x4000, s31;
	s1 =	sadd.s32 s1, s30  }
0xbc: {  	s0 =	sor.u32 s3, s0;
	s1 =	sshll.u32 s1, $0x11  }
0xbd: {  	s0 =	sor.u32 s1, s0  }
0xbe: {  	s0 =	sadd.s32 $0x8F2B, s0  }
0xbf: {  	[sflag:s0] =	ssyncadd.remote.s32 $0x1  }
0xc0: {  	_ =	sfence.sel $0xFFFF  }
0xc1: {  	[dreg:$0x0] =	wrdreg $0xFFFFFFFF;
	(pc) =	sbr.abs _section_cstart, $3  }
0xc2: {  	[dreg:$0x1] =	wrdreg $0xFFFFFFFF  }
0xc3: {  	_ =	task.clear_ibuf [dreg:s8], $0x2FFFF;
	_ =	strace $0x9FFFFFFF  }
0xc4: {  	(tm) =	ssettm $0x7FFFFFFF  }
0xc5: {  	_ =	shalt  }
tec
execute0_lowered:
.L_overlay_start_1:
0x0: {  	(tag) =	ssettag $0x1  }
0x1: {  	s0 =	rddreg [dreg:$0x0]  }
0x2: {  	s1 =	srdreg.scid;
	s9 =	rddreg [dreg:$0x1]  }
0x3: {  	s10 =	stileid.u32;
	s2 =	rddreg [dreg:$0x2];
	s3 =	simm.s32 $0x0  }
0x4: {  	s15 =	simm.s32 $0x1;
	s16 =	simm.s32 $0x5400;
	s1 =	sand.u32 $0x1, s1  }
0x5: {  	s4 =	sshll.u32 s10, $0xA;
	[smem:$0x7FF] =	sst s3;
	s8 =	sshll.u32 s10, $0x1  }
0x6: {  	s30 =	sshll.u32 s10, $0x10;
	s31 =	sshll.u32 s10, $0xD;
	s6 =	sshll.u32 s1, $0x9  }
0x7: {  	_ =	strace $0x80000047;
	s5 =	ssub.s32 $0x2, s1;
	s4 =	sor.u32 s6, s4  }
0x8: {  	s1 =	sor.u32 s1, s8;
	s10 =	sadd.s32 s2, s31;
	s4 =	sshrl.u32 s4, $0x3  }
0x9: {  	s29 =	sshrl.u32 s5, $0x1;
	s7 =	sadd.s32 s4, s0;
	s4 =	sadd.s32 $0x1400, s0  }
0xa: {  	s0 =	ssub.s32 s5, s29;
	s5 =	sshll.u32 s1, $0x2;
	s11 =	sadd.s32 $0x400, s7  }
0xb: {  	s1 =	sshll.u32 s1, $0xC;
	s7 =	sadd.s32 $0xC00, s7;
	[dreg:$0x4] =	wrdreg s11  }
0xc: {  	s6 =	sor.u32 s6, s30;
	s1 =	sadd.s32 s4, s1;
	[dreg:$0x5] =	wrdreg s7  }
0xd: {  	s6 =	sshrl.u32 s6, $0x3;
	s0 =	smax.u32 s0, $0x1;
	[dreg:$0x6] =	wrdreg s1  }
0xe: {  	v0 =	vimm.f32 $0.0e+00;
	v1 =	vimm.f32 $1.000000000e+00;
	s2 =	simm.s32 $0x0;
	s9 =	sadd.s32 s9, s6;
	[dreg:$0x7] =	wrdreg s0  }
.LBB2_1:
0xf: {  	[dreg:$0x8] =	wrdreg s2  }
0x10: {  	s0 =	rddreg [dreg:$0x4];
	s1 =	simm.s32 $0x3  }
0x11: {  	[tilespmem:s3], [sflag:$0x3] =	stream.linear.gather [hbm4b:s0+s3], $0x200, $0x38;
	[tilespmem:$0xF400] =	vst v63  }
0x12: {  	_ =	swait.ge [sflag:s1], $0x200  }
0x13: {  	[sflag:s1] =	ssyncset.done $0x0  }
0x14: {  	s29 =	simm.s32 $0x200;
	s28 =	rddreg [dreg:$0x5];
	[sflag:s1] =	ssyncadd.s32 $0xFFFFFE00  }
0x15: {  	[tilespmem:s29], [sflag:$0x3] =	stream.linear.gather [hbm4b:s28+s3], $0x200, $0x38;
	[tilespmem:$0xF400] =	vst v63  }
0x16: {  	_ =	swait.ge [sflag:s1], $0x200  }
0x17: {  	s31 =	simm.s32 $0x400;
	s0 =	simm.s32 $0x7400;
	[sflag:s1] =	ssyncset.done $0x0  }
0x18: {  	s30 =	rddreg [dreg:$0x6];
	[sflag:s1] =	ssyncadd.s32 $0xFFFFFE00;
	s1 =	simm.s32 $0x0  }
0x19: {  	[tilespmem:s31], [sflag:$0x1] =	stream.linear.gather [hbm4b:s30+s3], $0x2000, $0x38;
	[tilespmem:$0xF400] =	vst v63  }
.LBB2_2:
0x1a: {  	p0 =	sne.s32 s1, $0x1F80  }
.Ltmp0:
0x1b: {  	_ = 	snop;
	(pc) =	sbr.rel @p0 .LBB2_2-.Ltmp0, $4  }
0x1c: {  	_ = 	snop  }
0x1d: {  	s2 =	sadd.s32 s1, s9;
	s19 =	simm.s32 $0x0  }
0x1e: {  	[tilespmem:s0], [sflag:$0x1] =	stream.linear.gather [hbm4b:s2+s19], $0x80, $0x38;
	[tilespmem:$0xF400] =	vst v63  }
0x1f: {  	s1 =	sadd.s32 $0x80, s1;
	s0 =	sadd.s32 $0x100, s0  }
0x20: {  	p0 =	por $0x1, $0x1;
	p1 =	por $0x0, $0x0  }
.LBB2_4:
0x21: {  	p2 =	seq.s32 s19, $0x3  }
.Ltmp1:
0x22: {  	_ = 	snop;
	(pc) =	sbr.rel @p2 .LBB2_8-.Ltmp1, $1  }
0x23: {  	_ =	sdelay $0x3  }
0x24: {  	s0 =	sadd.s32 $0x1, s19  }
0x25: {  	s1 =	sadd.s32 s5, s0  }
0x26: {  	s0 =	sshll.u32 s0, $0xD;
	s2 =	sshll.u32 s1, $0xA  }
0x27: {  	s0 =	sand.u32 $0x2000, s0;
	s6 =	sand.u32 $0x1FFFFC00, s2  }
0x28: {  	s7 =	simm.s32 $0x0;
	s0 =	sor.u32 $0x400, s0;
	s6 =	sadd.s32 s4, s6  }
0x29: {  	[tilespmem:s0], [sflag:$0x1] =	stream.linear.gather [hbm4b:s6+s7], $0x2000, $0x38;
	[tilespmem:$0xF400] =	vst v63  }
0x2a: {  	s1 =	sshll.u32 s1, $0x4;
	s0 =	simm.s32 $0x1  }
0x2b: {  	s31 =	rddreg [dreg:$0x1];
	s1 =	sand.u32 $0x70, s1;
	s0 =	simm.s32 @!p0 $0x0  }
0x2c: {  	s2 =	sand.u32 $0xFFFE000, s2;
	s1 =	sadd.s32 s31, s1;
	s0 =	sshll.u32 s0, $0x7  }
0x2d: {  	s1 =	sadd.s32 s2, s1;
	s0 =	sor.u32 $0x7400, s0  }
0x2e: {  	s2 =	simm.s32 $0x80;
	s7 =	sadd.s32 $0x0, s1;
	s6 =	sadd.s32 $0x100, s0  }
.LBB2_6:
0x2f: {  	[tilespmem:s0], [sflag:$0x1] =	stream.linear.gather [hbm4b:s7+s3], $0x80, $0x38;
	[tilespmem:$0xF400] =	vst v63  }
0x30: {  	s7 =	smov.u32 s2;
	s0 =	smov.u32 s6;
	p2 =	sne.s32 s2, $0x1F80  }
.Ltmp2:
0x31: {  	s2 =	sadd.s32 $0x80, s2;
	(pc) =	sbr.rel @p2 .LBB2_6-.Ltmp2, $2  }
0x32: {  	_ =	sdelay $0x2  }
0x33: {  	s6 =	sadd.s32 $0x100, s6;
	s7 =	sadd.s32 s7, s1  }
0x34: {  	[tilespmem:s0], [sflag:$0x1] =	stream.linear.gather [hbm4b:s7+s3], $0x80, $0x38;
	[tilespmem:$0xF400] =	vst v63  }
.LBB2_8:
0x35: {  	s0 =	simm.s32 $0x5480  }
0x36: {  	[tilespmem:s0+$0xFFFFFF80] =	vst v0  }
0x37: {  	[tilespmem:s0+$0x70] =	vst v0  }
0x38: {  	[tilespmem:s0+$0x60] =	vst v0  }
0x39: {  	[tilespmem:s0+$0x50] =	vst v0  }
0x3a: {  	[tilespmem:s0+$0x40] =	vst v0  }
0x3b: {  	[tilespmem:s0+$0x30] =	vst v0  }
0x3c: {  	[tilespmem:s0+$0x20] =	vst v0  }
0x3d: {  	[tilespmem:s0+$0x10] =	vst v0  }
0x3e: {  	[tilespmem:s0+$0x0] =	vst v0  }
0x3f: {  	[tilespmem:s0+$0xFFFFFFF0] =	vst v0  }
0x40: {  	s1 =	simm.s32 $0x1;
	[tilespmem:s0+$0xFFFFFFE0] =	vst v0  }
0x41: {  	s1 =	simm.s32 @!p1 $0x0;
	[tilespmem:s0+$0xFFFFFFD0] =	vst v0  }
0x42: {  	[tilespmem:s0+$0xFFFFFFC0] =	vst v0;
	s2 =	sshll.u32 s1, $0x7  }
0x43: {  	[tilespmem:s0+$0xFFFFFFB0] =	vst v0;
	s1 =	sshll.u32 s1, $0xD;
	s20 =	sor.u32 $0xB400, s2;
	s21 =	sor.u32 $0xB440, s2  }
0x44: {  	[tilespmem:s0+$0xFFFFFFA0] =	vst v0;
	s17 =	sor.u32 $0x7440, s2;
	s12 =	sor.u32 $0x500, s1;
	s1 =	simm.s32 $0x0  }
.LBB2_9:
0x45: {  	s1 =	sadd.s32 $0x100, s1;
	[tilespmem:s0+$0xFFFFFF90] =	vst v0;
	s0 =	sadd.s32 $0x100, s0  }
0x46: {  	[tilespmem:s0+$0xFFFFFF80] =	vst v0;
	p2 =	slt.u32 s1, $0x1F00  }
0x47: {  	[tilespmem:s0+$0x70] =	vst v0  }
0x48: {  	[tilespmem:s0+$0x60] =	vst v0  }
0x49: {  	[tilespmem:s0+$0x50] =	vst v0  }
0x4a: {  	[tilespmem:s0+$0x40] =	vst v0  }
0x4b: {  	[tilespmem:s0+$0x30] =	vst v0  }
0x4c: {  	[tilespmem:s0+$0x20] =	vst v0  }
0x4d: {  	[tilespmem:s0+$0x10] =	vst v0  }
0x4e: {  	[tilespmem:s0+$0x0] =	vst v0  }
0x4f: {  	[tilespmem:s0+$0xFFFFFFF0] =	vst v0  }
.Ltmp3:
0x50: {  	[tilespmem:s0+$0xFFFFFFE0] =	vst v0;
	(pc) =	sbr.rel @p2 .LBB2_9-.Ltmp3, $4  }
0x51: {  	[tilespmem:s0+$0xFFFFFFD0] =	vst v0  }
0x52: {  	[tilespmem:s0+$0xFFFFFFC0] =	vst v0  }
0x53: {  	[tilespmem:s0+$0xFFFFFFB0] =	vst v0  }
0x54: {  	[tilespmem:s0+$0xFFFFFFA0] =	vst v0  }
0x55: {  	p2 =	slt.u32 s19, $0x2  }
0x56: {  	[tilespmem:s0+$0xFFFFFF90] =	vst v0;
	s0 =	simm.s32 @!p2 $0x2  }
0x57: {  	_ =	swait.ge @!p2 [sflag:s0], $0x2000  }
0x58: {  	[sflag:s0] =	ssyncset.done @!p2 $0x0  }
0x59: {  	[sflag:s0] =	ssyncadd.s32 @!p2 $0xFFFFE000  }
0x5a: {  	_ =	swait.ge [sflag:s15], $0x2000  }
0x5b: {  	[sflag:s15] =	ssyncset.done $0x0  }
0x5c: {  	[sflag:s15] =	ssyncadd.s32 $0xFFFFE000  }
0x5d: {  	_ =	swait.ge [sflag:s15], $0x2000  }
0x5e: {  	[sflag:s15] =	ssyncset.done $0x0  }
0x5f: {  	s28 =	sshll.u32 s19, $0x7;
	[sflag:s15] =	ssyncadd.s32 $0xFFFFE000  }
0x60: {  	v2 =	vld [tilespmem:s28+$0x200];
	_ =	sdelay $0x4  }
0x61: {  	v2 =	vmul.f32 $5.000000000e-01, v2;
	_ =	sdelay $0x1  }
0x62: {  	v2 =	vmul.f32 $1.442695020e+00, v2;
	_ =	sdelay $0x1  }
0x63: {  	(erf) = vpow2.f32 v2  }
0x64: {  	v2 =	vld [tilespmem:s28+$0x210];
	_ =	sdelay $0x3  }
0x65: {  	v8 =	vld [tilespmem:s12+$0xFFFFFF00]  }
0x66: {  	v7 =	vld [tilespmem:s28+$0x220];
	v2 =	vmul.f32 $5.000000000e-01, v2  }
0x67: {  	v5 =	vld [tilespmem:s28+$0x0]  }
0x68: {  	v10 =	vld [tilespmem:s12+$0x0];
	v2 =	vmul.f32 $1.442695020e+00, v2  }
0x69: {  	v11 =	vld [tilespmem:s12+$0x80];
	v6 =	vpop (erf)  }
0x6a: {  	(erf) = vpow2.f32 v2;
	v2 =	vmul.f32 v8, v6;
	v8 =	vld [tilespmem:s12+$0xFFFFFF80]  }
0x6b: {  	v9 =	vld [tilespmem:s28+$0x230]  }
0x6c: {  	v4 =	vld [tilespmem:s28+$0x10];
	v12 =	vadd.f32 v2, v5  }
0x6d: {  	s1 =	simm.s32 $0x4480;
	v3 =	vld [tilespmem:s28+$0x20];
	v10 =	vmul.f32 v10, v6  }
0x6e: {  	v11 =	vmul.f32 v11, v6;
	v2 =	vld [tilespmem:s28+$0x30];
	[tilespmem:s1+$0xFFFFFF80] =	vst v12  }
0x6f: {  	v10 =	vadd.f32 v10, v5;
	v13 =	vld [tilespmem:s12+$0xFFFFFF10];
	v8 =	vmul.f32 v8, v6  }
0x70: {  	v7 =	vmul.f32 $5.000000000e-01, v7;
	v11 =	vadd.f32 v11, v5  }
0x71: {  	[tilespmem:s1+$0x0] =	vst v10;
	v14 =	vadd.f32 v8, v5  }
0x72: {  	v7 =	vmul.f32 $1.442695020e+00, v7;
	[tilespmem:s1+$0x40] =	vst v11;
	v15 =	vld [tilespmem:s12+$0x10]  }
0x73: {  	v9 =	vmul.f32 $5.000000000e-01, v9;
	v17 =	vld [tilespmem:s12+$0x90];
	v8 =	vpop (erf);
	[tilespmem:s1+$0xFFFFFFC0] =	vst v14  }
0x74: {  	(erf) = vpow2.f32 v7;
	v13 =	vmul.f32 v13, v8;
	v16 =	vld [tilespmem:s12+$0xFFFFFF90]  }
0x75: {  	s11 =	sadd.s32 $0x200, s12;
	v7 =	vmul.f32 $1.442695020e+00, v9;
	v9 =	vimm.f32 $+Inf  }
0x76: {  	v18 =	vld [tilespmem:s11+$0xFFFFFF00];
	v20 =	vmin.f32 v9, v12;
	v13 =	vadd.f32 v13, v4  }
0x77: {  	v19 =	vld [tilespmem:s11+$0x80];
	v15 =	vmul.f32 v15, v8;
	(erf) = vpow2.f32 v7;
	v7 =	vimm.f32 $-Inf  }
0x78: {  	v23 =	vld [tilespmem:s11+$0x0];
	v17 =	vmul.f32 v17, v8;
	v20 =	vmin.f32 v20, v14;
	v12 =	vmax.f32 v7, v12;
	[tilespmem:s1+$0xFFFFFF90] =	vst v13  }
0x79: {  	v20 =	vmin.f32 v20, v10;
	v15 =	vadd.f32 v15, v4;
	v21 =	vld [tilespmem:s12+$0xFFFFFF20];
	v16 =	vmul.f32 v16, v8  }
0x7a: {  	v22 =	vld [tilespmem:s11+$0xFFFFFF80];
	v27 =	vadd.f32 v17, v4;
	v12 =	vmax.f32 v12, v14;
	v14 =	vmin.f32 v20, v11  }
0x7b: {  	s6 =	simm.s32 $0x40;
	v12 =	vmax.f32 v12, v10;
	v20 =	vmax.f32 v7, v13;
	v16 =	vadd.f32 v16, v4  }
0x7c: {  	s2 =	sor.u32 $0x50, s6;
	s0 =	simm.s32 $0xC0;
	[tilespmem:s1+$0x10] =	vst v15;
	v11 =	vmax.f32 v12, v11;
	v12 =	vmin.f32 v9, v13;
	v13 =	vmul.f32 v18, v6  }
0x7d: {  	s29 =	sor.u32 $0x50, s0;
	v19 =	vmul.f32 v19, v6;
	v17 =	vld [tilespmem:s12+$0x20];
	v10 =	vpop (erf);
	[tilespmem:s2+$0x4400] =	vst v16  }
0x7e: {  	v23 =	vmul.f32 v23, v6;
	[tilespmem:s29+$0x4400] =	vst v27;
	v24 =	vadd.f32 v13, v5;
	v18 =	vmul.f32 v21, v10;
	v21 =	vld [tilespmem:s12+$0xFFFFFFA0]  }
0x7f: {  	v22 =	vmul.f32 v22, v6;
	v25 =	vld [tilespmem:s12+$0xA0];
	v13 =	vadd.f32 v19, v5  }
0x80: {  	s7 =	simm.s32 $0x4580;
	v19 =	vadd.f32 v23, v5;
	v12 =	vmin.f32 v12, v16;
	v11 =	vmax.f32 v11, v24  }
0x81: {  	[tilespmem:s7+$0xFFFFFF80] =	vst v24;
	v28 =	vmin.f32 v12, v15;
	v12 =	vadd.f32 v22, v5;
	v18 =	vadd.f32 v18, v3  }
0x82: {  	v14 =	vmin.f32 v14, v24;
	v16 =	vmax.f32 v20, v16;
	[tilespmem:s7+$0x0] =	vst v19;
	v22 =	vld [tilespmem:s11+$0xFFFFFF10];
	v17 =	vmul.f32 v17, v10  }
0x83: {  	v15 =	vmax.f32 v16, v15;
	v24 =	vld [tilespmem:s11+$0x10];
	v14 =	vmin.f32 v14, v12;
	[tilespmem:s1+$0xFFFFFFA0] =	vst v18;
	v20 =	vmul.f32 v21, v10  }
0x84: {  	[tilespmem:s7+$0x40] =	vst v13;
	v16 =	vadd.f32 v17, v3;
	v17 =	vmax.f32 v15, v27;
	v15 =	vmul.f32 v25, v10;
	v23 =	vld [tilespmem:s12+$0xFFFFFF30]  }
0x85: {  	v30 =	vld [tilespmem:s11+$0x90];
	v29 =	vmax.f32 v11, v12;
	v11 =	vmin.f32 v14, v19;
	v20 =	vadd.f32 v20, v3  }
0x86: {  	s30 =	sor.u32 $0x60, s6;
	v25 =	vadd.f32 v15, v3;
	[tilespmem:s1+$0x20] =	vst v16;
	v21 =	vmin.f32 v9, v18;
	v18 =	vmax.f32 v7, v18  }
0x87: {  	v15 =	vmin.f32 v11, v13;
	v11 =	vmin.f32 v21, v20;
	v18 =	vmax.f32 v18, v20;
	[tilespmem:s30+$0x4400] =	vst v20;
	v20 =	vld [tilespmem:s12+$0x30]  }
0x88: {  	s31 =	sor.u32 $0x60, s0;
	[tilespmem:s7+$0xFFFFFFC0] =	vst v12;
	v19 =	vmax.f32 v29, v19;
	v14 =	vpop (erf);
	v31 =	vmul.f32 v22, v8;
	v11 =	vmin.f32 v11, v16;
	v21 =	vld [tilespmem:s12+$0xFFFFFFB0]  }
0x89: {  	v26 =	vld [tilespmem:s11+$0xFFFFFF90];
	[tilespmem:s31+$0x4400] =	vst v25;
	v23 =	vmul.f32 v23, v14;
	v18 =	vmax.f32 v18, v16;
	v16 =	vmin.f32 v11, v25  }
0x8a: {  	v22 =	vld [tilespmem:s12+$0xB0];
	v12 =	vmax.f32 v18, v25;
	v25 =	vmul.f32 v24, v8;
	v24 =	vmul.f32 v30, v8  }
0x8b: {  	s13 =	simm.s32 $0x4;
	s8 =	simm.s32 $0x1C0;
	s12 =	sadd.s32 $0x200, s11;
	v18 =	vadd.f32 v31, v4;
	v11 =	vadd.f32 v23, v2;
	v23 =	vmin.f32 v28, v27  }
.LBB2_11:
0x8c: {  	v27 =	vld [tilespmem:s12+$0xFFFFFF00];
	s13 =	sadd.s32 $0x4, s13;
	v20 =	vmul.f32 v20, v14  }
0x8d: {  	v19 =	vmax.f32 v19, v13;
	v28 =	vld [tilespmem:s12+$0x80];
	p2 =	slt.u32 s13, $0x3C;
	[tilespmem:s7+$0xFFFFFF90] =	vst v18;
	v17 =	vmax.f32 v17, v18;
	v13 =	vmul.f32 v21, v14  }
0x8e: {  	v18 =	vmin.f32 v23, v18;
	v21 =	vld [tilespmem:s11+$0xFFFFFF20];
	v23 =	vmul.f32 v26, v8;
	v20 =	vadd.f32 v20, v2  }
0x8f: {  	v7 =	vmax.f32 v7, v11;
	v26 =	vld [tilespmem:s12+$0xFFFFFF80];
	[tilespmem:s1+$0xFFFFFFB0] =	vst v11;
	v13 =	vadd.f32 v13, v2;
	v22 =	vmul.f32 v22, v14  }
0x90: {  	v25 =	vadd.f32 v25, v4;
	v9 =	vmin.f32 v9, v11;
	s2 =	sor.u32 $0x70, s6;
	v29 =	vld [tilespmem:s12+$0x0];
	v23 =	vadd.f32 v23, v4;
	[tilespmem:s1+$0x30] =	vst v20;
	s1 =	smov.u32 s7  }
0x91: {  	s6 =	sadd.s32 $0xFFFFFF80, s8;
	v30 =	vadd.f32 v24, v4;
	[tilespmem:s2+$0x4400] =	vst v13;
	v9 =	vmin.f32 v9, v13;
	v7 =	vmax.f32 v7, v13  }
0x92: {  	s2 =	sor.u32 $0x50, s6;
	v11 =	vadd.f32 v22, v2;
	[tilespmem:s7+$0x10] =	vst v25;
	v9 =	vmin.f32 v9, v20;
	v7 =	vmax.f32 v7, v20  }
0x93: {  	s14 =	sor.u32 $0x70, s0;
	s0 =	smov.u32 s8;
	v13 =	vmul.f32 v27, v6;
	v18 =	vmin.f32 v18, v23;
	v20 =	vmul.f32 v21, v10;
	[tilespmem:s2+$0x4400] =	vst v23;
	v21 =	vld [tilespmem:s11+$0x20];
	s2 =	sor.u32 $0x50, s8  }
0x94: {  	v22 =	vmul.f32 v28, v6;
	s7 =	sadd.s32 $0x100, s7;
	v9 =	vmin.f32 v9, v11;
	v7 =	vmax.f32 v7, v11;
	v24 =	vld [tilespmem:s11+$0xFFFFFFA0];
	[tilespmem:s2+$0x4400] =	vst v30  }
0x95: {  	v27 =	vadd.f32 v13, v5;
	v26 =	vmul.f32 v26, v6;
	v28 =	vmul.f32 v29, v6;
	v29 =	vld [tilespmem:s11+$0xA0];
	[tilespmem:s14+$0x4400] =	vst v11  }
0x96: {  	v31 =	vmin.f32 v18, v25;
	v13 =	vadd.f32 v22, v5;
	v11 =	vadd.f32 v20, v3  }
0x97: {  	v18 =	vmax.f32 v19, v27;
	v19 =	vadd.f32 v26, v5;
	[tilespmem:s7+$0xFFFFFF80] =	vst v27;
	v28 =	vadd.f32 v28, v5  }
0x98: {  	v17 =	vmax.f32 v17, v23;
	v15 =	vmin.f32 v15, v27;
	v22 =	vld [tilespmem:s12+$0xFFFFFF10];
	[tilespmem:s1+$0xFFFFFFA0] =	vst v11;
	v20 =	vmul.f32 v21, v10  }
0x99: {  	v17 =	vmax.f32 v17, v25;
	v15 =	vmin.f32 v15, v19;
	[tilespmem:s7+$0x0] =	vst v28;
	v21 =	vld [tilespmem:s11+$0xFFFFFF30];
	v23 =	vmul.f32 v24, v10  }
0x9a: {  	v17 =	vmax.f32 v17, v30;
	v24 =	vld [tilespmem:s12+$0x10];
	[tilespmem:s7+$0x40] =	vst v13;
	v25 =	vadd.f32 v20, v3;
	v20 =	vmul.f32 v29, v10  }
0x9b: {  	v15 =	vmin.f32 v15, v28;
	[tilespmem:s7+$0xFFFFFFC0] =	vst v19;
	v19 =	vmax.f32 v18, v19;
	v18 =	vld [tilespmem:s12+$0x90];
	v23 =	vadd.f32 v23, v3  }
0x9c: {  	s8 =	sadd.s32 $0x100, s8;
	s2 =	sor.u32 $0x60, s6;
	v16 =	vmin.f32 v16, v11;
	v11 =	vmax.f32 v12, v11;
	[tilespmem:s1+$0x20] =	vst v25;
	v12 =	vadd.f32 v20, v3  }
.Ltmp4:
0x9d: {  	v15 =	vmin.f32 v15, v13;
	[tilespmem:s2+$0x4400] =	vst v23;
	v16 =	vmin.f32 v16, v23;
	v11 =	vmax.f32 v11, v23;
	v20 =	vld [tilespmem:s11+$0x30];
	s2 =	sor.u32 $0x60, s0;
	(pc) =	sbr.rel @p2 .LBB2_11-.Ltmp4, $4  }
0x9e: {  	v23 =	vmul.f32 v21, v14;
	v21 =	vld [tilespmem:s11+$0xFFFFFFB0];
	v16 =	vmin.f32 v16, v25;
	v11 =	vmax.f32 v11, v25;
	[tilespmem:s2+$0x4400] =	vst v12  }
0x9f: {  	v27 =	vmul.f32 v22, v8;
	v26 =	vld [tilespmem:s12+$0xFFFFFF90];
	v16 =	vmin.f32 v16, v12;
	v12 =	vmax.f32 v11, v12  }
0xa0: {  	v25 =	vmul.f32 v24, v8;
	v24 =	vmul.f32 v18, v8;
	v11 =	vadd.f32 v23, v2;
	v22 =	vld [tilespmem:s11+$0xB0];
	s11 =	smov.u32 s12  }
0xa1: {  	v19 =	vmax.f32 v19, v28;
	v18 =	vadd.f32 v27, v4;
	s12 =	sadd.s32 $0x200, s12;
	v23 =	vmin.f32 v31, v30  }
0xa2: {  	_ =	sdelay $0x1  }
0xa3: {  	v25 =	vadd.f32 v25, v4;
	v5 =	vmul.f32 v26, v8  }
0xa4: {  	[tilespmem:s7+$0xFFFFFF90] =	vst v18  }
0xa5: {  	v24 =	vadd.f32 v24, v4;
	[tilespmem:s7+$0x10] =	vst v25;
	v26 =	vadd.f32 v5, v4;
	v5 =	vld [tilespmem:s11+$0xFFFFFF20]  }
0xa6: {  	s12 =	sadd.s32 $0xFFFFFF80, s8;
	s13 =	sor.u32 $0x50, s8;
	v4 =	vld [tilespmem:s11+$0x20]  }
0xa7: {  	s2 =	sor.u32 $0x50, s12;
	[tilespmem:s13+$0x4400] =	vst v24  }
0xa8: {  	v8 =	vld [tilespmem:s11+$0xA0];
	[tilespmem:s2+$0x4400] =	vst v26  }
0xa9: {  	v6 =	vld [tilespmem:s11+$0xFFFFFFA0];
	_ =	sdelay $0x1  }
0xaa: {  	v5 =	vmul.f32 v5, v10;
	v4 =	vmul.f32 v4, v10;
	_ =	sdelay $0x1  }
0xab: {  	v27 =	vadd.f32 v5, v3;
	v28 =	vadd.f32 v4, v3;
	v4 =	vmul.f32 v8, v10  }
0xac: {  	v5 =	vmul.f32 v6, v10  }
0xad: {  	[tilespmem:s7+$0xFFFFFFA0] =	vst v27;
	v29 =	vadd.f32 v4, v3  }
0xae: {  	s18 =	sor.u32 $0x60, s8;
	[tilespmem:s7+$0x20] =	vst v28;
	v10 =	vadd.f32 v5, v3;
	v5 =	vld [tilespmem:s11+$0xFFFFFF30]  }
0xaf: {  	s14 =	sor.u32 $0x60, s12;
	v6 =	vld [tilespmem:s11+$0x30];
	[tilespmem:s18+$0x4400] =	vst v29  }
0xb0: {  	[tilespmem:s14+$0x4400] =	vst v10;
	v59 =	vld [tilespmem:s11+$0xB0]  }
0xb1: {  	v21 =	vmul.f32 v21, v14;
	v3 =	vmul.f32 v20, v14;
	v8 =	vld [tilespmem:s11+$0xFFFFFFB0];
	_ =	sdelay $0x1  }
0xb2: {  	v4 =	vadd.f32 v3, v2;
	v3 =	vadd.f32 v21, v2  }
0xb3: {  	v9 =	vmin.f32 v9, v11;
	v60 =	vmul.f32 v22, v14  }
0xb4: {  	v9 =	vmin.f32 v9, v3;
	v5 =	vmul.f32 v5, v14;
	v6 =	vmul.f32 v6, v14  }
0xb5: {  	v61 =	vmul.f32 v8, v14;
	v14 =	vmul.f32 v59, v14;
	v8 =	vadd.f32 v60, v2  }
0xb6: {  	v62 =	vmin.f32 v9, v4;
	v9 =	vadd.f32 v5, v2;
	v6 =	vadd.f32 v6, v2  }
0xb7: {  	v5 =	vadd.f32 v61, v2;
	v2 =	vadd.f32 v14, v2;
	v14 =	vmin.f32 v62, v8  }
0xb8: {  	v63 =	vmin.f32 v23, v18;
	v16 =	vmin.f32 v16, v27;
	v14 =	vmin.f32 v14, v9  }
0xb9: {  	v20 =	vmin.f32 v63, v26;
	v16 =	vmin.f32 v16, v10;
	v14 =	vmin.f32 v14, v5  }
0xba: {  	v20 =	vmin.f32 v20, v25;
	v16 =	vmin.f32 v16, v28;
	v14 =	vmin.f32 v14, v6  }
0xbb: {  	v20 =	vmin.f32 v20, v24;
	v16 =	vmin.f32 v16, v29;
	v14 =	vmin.f32 v14, v2  }
0xbc: {  	v15 =	vmin.f32 v15, v20;
	v14 =	vmin.f32 v16, v14  }
0xbd: {  	v14 =	vmin.f32 v15, v14  }
0xbe: {  	(v2sf) =	vpush v14, $0x0  }
0xbf: {  	(v2sf) =	vpush v14, $0x1  }
0xc0: {  	(v2sf) =	vpush v14, $0x2  }
0xc1: {  	(v2sf) =	vpush v14, $0x3  }
0xc2: {  	(v2sf) =	vpush v14, $0x4  }
0xc3: {  	v13 =	vmax.f32 v19, v13;
	(v2sf) =	vpush v14, $0x5  }
0xc4: {  	v7 =	vmax.f32 v7, v11;
	v12 =	vmax.f32 v12, v27;
	(v2sf) =	vpush v14, $0x6  }
0xc5: {  	v10 =	vmax.f32 v12, v10;
	v7 =	vmax.f32 v7, v3;
	(v2sf) =	vpush v14, $0x7  }
0xc6: {  	v10 =	vmax.f32 v10, v28;
	v7 =	vmax.f32 v7, v4;
	(v2sf) =	vpush v14, $0x8  }
0xc7: {  	v10 =	vmax.f32 v10, v29;
	v7 =	vmax.f32 v7, v8;
	(v2sf) =	vpush v14, $0x9  }
0xc8: {  	v7 =	vmax.f32 v7, v9;
	v15 =	vmax.f32 v17, v18;
	(v2sf) =	vpush v14, $0xA  }
0xc9: {  	v7 =	vmax.f32 v7, v5;
	v15 =	vmax.f32 v15, v26;
	(v2sf) =	vpush v14, $0xB  }
0xca: {  	v7 =	vmax.f32 v7, v6;
	v15 =	vmax.f32 v15, v25;
	(v2sf) =	vpush v14, $0xC  }
0xcb: {  	v7 =	vmax.f32 v7, v2;
	v15 =	vmax.f32 v15, v24;
	(v2sf) =	vpush v14, $0xD  }
0xcc: {  	v7 =	vmax.f32 v10, v7;
	v12 =	vmax.f32 v13, v15;
	(v2sf) =	vpush v14, $0xE  }
0xcd: {  	v7 =	vmax.f32 v12, v7;
	s22 =	spop (v2sf);
	(v2sf) =	vpush v14, $0xF  }
0xce: {  	s23 =	spop (v2sf);
	(v2sf) =	vpush v7, $0x0  }
0xcf: {  	s13 =	spop (v2sf);
	(v2sf) =	vpush v7, $0x1  }
0xd0: {  	s14 =	spop (v2sf);
	(v2sf) =	vpush v7, $0x2  }
0xd1: {  	s2 =	smin.f32 s22, s23;
	s24 =	spop (v2sf);
	(v2sf) =	vpush v7, $0x3  }
0xd2: {  	s2 =	smin.f32 s2, s13;
	s25 =	spop (v2sf);
	(v2sf) =	vpush v7, $0x4  }
0xd3: {  	s2 =	smin.f32 s2, s14;
	s26 =	spop (v2sf);
	(v2sf) =	vpush v7, $0x5  }
0xd4: {  	s2 =	smin.f32 s2, s24;
	s18 =	spop (v2sf);
	(v2sf) =	vpush v7, $0x6  }
0xd5: {  	s2 =	smin.f32 s2, s25;
	s22 =	spop (v2sf);
	(v2sf) =	vpush v7, $0x7  }
0xd6: {  	s2 =	smin.f32 s2, s26;
	s23 =	spop (v2sf);
	(v2sf) =	vpush v7, $0x8  }
0xd7: {  	s2 =	smin.f32 s2, s18;
	s24 =	spop (v2sf);
	(v2sf) =	vpush v7, $0x9  }
0xd8: {  	s2 =	smin.f32 s2, s22;
	s25 =	spop (v2sf);
	(v2sf) =	vpush v7, $0xA  }
0xd9: {  	s2 =	smin.f32 s2, s23;
	s26 =	spop (v2sf);
	(v2sf) =	vpush v7, $0xB  }
0xda: {  	s2 =	smin.f32 s2, s24;
	s18 =	spop (v2sf);
	(v2sf) =	vpush v7, $0xC  }
0xdb: {  	s2 =	smin.f32 s2, s25;
	s22 =	spop (v2sf);
	(v2sf) =	vpush v7, $0xD  }
0xdc: {  	s2 =	smin.f32 s2, s26;
	s14 =	spop (v2sf);
	(v2sf) =	vpush v7, $0xE  }
0xdd: {  	s2 =	smin.f32 s2, s18;
	s23 =	spop (v2sf);
	(v2sf) =	vpush v7, $0xF  }
0xde: {  	s2 =	smin.f32 s2, s22;
	s24 =	spop (v2sf)  }
0xdf: {  	s11 =	smax.f32 s23, s24;
	s25 =	spop (v2sf)  }
0xe0: {  	s11 =	smax.f32 s11, s25;
	s26 =	spop (v2sf)  }
0xe1: {  	s11 =	smax.f32 s11, s26;
	s18 =	spop (v2sf)  }
0xe2: {  	s11 =	smax.f32 s11, s18;
	s22 =	spop (v2sf)  }
0xe3: {  	s11 =	smax.f32 s11, s22;
	s23 =	spop (v2sf)  }
0xe4: {  	s11 =	smax.f32 s11, s23;
	s24 =	spop (v2sf)  }
0xe5: {  	s11 =	smax.f32 s11, s24;
	s25 =	spop (v2sf)  }
0xe6: {  	s11 =	smax.f32 s11, s25;
	s26 =	spop (v2sf)  }
0xe7: {  	s11 =	smax.f32 s11, s26;
	s18 =	spop (v2sf)  }
0xe8: {  	s11 =	smax.f32 s11, s18;
	s22 =	spop (v2sf)  }
0xe9: {  	s11 =	smax.f32 s11, s22;
	s23 =	spop (v2sf)  }
0xea: {  	s11 =	smax.f32 s11, s23;
	s24 =	spop (v2sf)  }
0xeb: {  	s11 =	smax.f32 s11, s24;
	s25 =	spop (v2sf)  }
0xec: {  	s11 =	smax.f32 s11, s25;
	s26 =	spop (v2sf)  }
0xed: {  	s2 =	smin.f32 s2, s14;
	s11 =	smax.f32 s11, s26  }
0xee: {  	s11 =	ssub.f32 s11, s2;
	_ =	sdelay $0x1  }
0xef: {  	s11 =	smul.f32 $1.220703130e-04, s11  }
0xf0: {  	[tilespmem:s1+$0xFFFFFFB0] =	vst v11  }
0xf1: {  	s6 =	sor.u32 $0x70, s6;
	[tilespmem:s1+$0x30] =	vst v4;
	p2 =	sle.f32 s11, $0.0e+00  }
0xf2: {  	[tilespmem:s6+$0x4400] =	vst v3  }
0xf3: {  	[tilespmem:s7+$0xFFFFFFB0] =	vst v9;
	s11 =	simm.s32 @p2 $0x3F800000  }
0xf4: {  	s0 =	sor.u32 $0x70, s0;
	[tilespmem:s7+$0x30] =	vst v6;
	v3 =	vmov s11  }
0xf5: {  	[tilespmem:s0+$0x4400] =	vst v8;
	s14 =	sor.u32 $0x70, s12;
	(erf) = vrcp.f32 v3  }
0xf6: {  	[tilespmem:s14+$0x4400] =	vst v5;
	s18 =	sor.u32 $0x70, s8  }
0xf7: {  	[tilespmem:s18+$0x4400] =	vst v2;
	s22 =	simm.s32 $0x4480  }
0xf8: {  	v2 =	vld [tilespmem:s22+$0xFFFFFF80];
	_ =	sdelay $0x3  }
0xf9: {  	v3 =	vmov s2  }
0xfa: {  	v4 =	vsub.f32 v2, v3  }
0xfb: {  	v2 =	vpop (erf)  }
0xfc: {  	v4 =	vmul.f32 v4, v2;
	_ =	sdelay $0x1  }
0xfd: {  	v4 =	vtrunc.f32 v4  }
0xfe: {  	v4 =	vcvt.f32.s32 v4;
	_ =	sdelay $0x1  }
0xff: {  	vm0 =	vlt.s32 v4, $0x1FFF  }
0x100: {  	v4 =	vnsel vm0, $0x1FFF, v4;
	_ =	sdelay $0x4  }
0x101: {  	[tilespmem:v4+s16+$0x0] =	vst.idx.add.f32.msk $0xffff, v1  }
0x102: {  	v4 =	vld [tilespmem:s22+$0xFFFFFF90];
	_ =	sdelay $0x4  }
0x103: {  	v4 =	vsub.f32 v4, v3;
	_ =	sdelay $0x1  }
0x104: {  	v4 =	vmul.f32 v4, v2;
	_ =	sdelay $0x1  }
0x105: {  	v4 =	vtrunc.f32 v4  }
0x106: {  	v4 =	vcvt.f32.s32 v4;
	_ =	sdelay $0x1  }
0x107: {  	vm0 =	vlt.s32 v4, $0x1FFF  }
0x108: {  	v4 =	vnsel vm0, $0x1FFF, v4  }
0x109: {  	s23 =	simm.s32 $0x4580  }
0x10a: {  	v5 =	vld [tilespmem:s23+$0xFFFFFF80];
	_ =	sdelay $0x2  }
0x10b: {  	[tilespmem:v4+s16+$0x0] =	vst.idx.add.f32.msk $0xffff, v1  }
0x10c: {  	v4 =	vld [tilespmem:s22+$0xFFFFFFA0]  }
0x10d: {  	v5 =	vsub.f32 v5, v3;
	_ =	sdelay $0x1  }
0x10e: {  	v5 =	vmul.f32 v5, v2;
	_ =	sdelay $0x1  }
0x10f: {  	v5 =	vtrunc.f32 v5;
	v4 =	vsub.f32 v4, v3  }
0x110: {  	v5 =	vcvt.f32.s32 v5  }
0x111: {  	v4 =	vmul.f32 v4, v2  }
0x112: {  	vm0 =	vlt.s32 v5, $0x1FFF  }
0x113: {  	v5 =	vnsel vm0, $0x1FFF, v5;
	v4 =	vtrunc.f32 v4  }
0x114: {  	v4 =	vcvt.f32.s32 v4;
	_ =	sdelay $0x1  }
0x115: {  	vm0 =	vlt.s32 v4, $0x1FFF  }
0x116: {  	v4 =	vnsel vm0, $0x1FFF, v4  }
0x117: {  	[tilespmem:v5+s16+$0x0] =	vst.idx.add.f32.msk $0xffff, v1  }
0x118: {  	v5 =	vld [tilespmem:s23+$0xFFFFFF90];
	_ =	sdelay $0x2  }
0x119: {  	[tilespmem:v4+s16+$0x0] =	vst.idx.add.f32.msk $0xffff, v1  }
0x11a: {  	v4 =	vld [tilespmem:s22+$0xFFFFFFB0]  }
0x11b: {  	v5 =	vsub.f32 v5, v3;
	_ =	sdelay $0x1  }
0x11c: {  	v5 =	vmul.f32 v5, v2;
	_ =	sdelay $0x1  }
0x11d: {  	v5 =	vtrunc.f32 v5;
	v4 =	vsub.f32 v4, v3  }
0x11e: {  	v5 =	vcvt.f32.s32 v5  }
0x11f: {  	v4 =	vmul.f32 v4, v2  }
0x120: {  	vm0 =	vlt.s32 v5, $0x1FFF  }
0x121: {  	v5 =	vnsel vm0, $0x1FFF, v5;
	v4 =	vtrunc.f32 v4  }
0x122: {  	v4 =	vcvt.f32.s32 v4;
	_ =	sdelay $0x1  }
0x123: {  	s24 =	simm.s32 $0x4680;
	vm0 =	vlt.s32 v4, $0x1FFF  }
0x124: {  	v6 =	vld [tilespmem:s24+$0xFFFFFF80];
	v4 =	vnsel vm0, $0x1FFF, v4  }
0x125: {  	[tilespmem:v5+s16+$0x0] =	vst.idx.add.f32.msk $0xffff, v1  }
0x126: {  	v5 =	vld [tilespmem:s23+$0xFFFFFFA0];
	_ =	sdelay $0x2  }
0x127: {  	v6 =	vsub.f32 v6, v3;
	[tilespmem:v4+s16+$0x0] =	vst.idx.add.f32.msk $0xffff, v1  }
0x128: {  	v4 =	vld [tilespmem:s22+$0xFFFFFFC0]  }
0x129: {  	v6 =	vmul.f32 v6, v2;
	v5 =	vsub.f32 v5, v3;
	_ =	sdelay $0x1  }
0x12a: {  	v6 =	vtrunc.f32 v6;
	v5 =	vmul.f32 v5, v2  }
0x12b: {  	v6 =	vcvt.f32.s32 v6  }
0x12c: {  	v5 =	vtrunc.f32 v5;
	v4 =	vsub.f32 v4, v3  }
0x12d: {  	v5 =	vcvt.f32.s32 v5;
	vm0 =	vlt.s32 v6, $0x1FFF  }
0x12e: {  	v6 =	vnsel vm0, $0x1FFF, v6;
	v4 =	vmul.f32 v4, v2  }
0x12f: {  	vm0 =	vlt.s32 v5, $0x1FFF  }
0x130: {  	v5 =	vnsel vm0, $0x1FFF, v5;
	v4 =	vtrunc.f32 v4  }
0x131: {  	v4 =	vcvt.f32.s32 v4;
	_ =	sdelay $0x1  }
0x132: {  	[tilespmem:v6+s16+$0x0] =	vst.idx.add.f32.msk $0xffff, v1;
	vm0 =	vlt.s32 v4, $0x1FFF  }
0x133: {  	v6 =	vld [tilespmem:s24+$0xFFFFFF90];
	v4 =	vnsel vm0, $0x1FFF, v4  }
0x134: {  	[tilespmem:v5+s16+$0x0] =	vst.idx.add.f32.msk $0xffff, v1  }
0x135: {  	v5 =	vld [tilespmem:s23+$0xFFFFFFB0];
	_ =	sdelay $0x2  }
0x136: {  	v6 =	vsub.f32 v6, v3;
	[tilespmem:v4+s16+$0x0] =	vst.idx.add.f32.msk $0xffff, v1  }
0x137: {  	v4 =	vld [tilespmem:s22+$0xFFFFFFD0]  }
0x138: {  	v5 =	vsub.f32 v5, v3;
	v6 =	vmul.f32 v6, v2;
	_ =	sdelay $0x1  }
0x139: {  	v5 =	vmul.f32 v5, v2;
	v6 =	vtrunc.f32 v6  }
0x13a: {  	v6 =	vcvt.f32.s32 v6  }
0x13b: {  	v5 =	vtrunc.f32 v5;
	v4 =	vsub.f32 v4, v3  }
0x13c: {  	v5 =	vcvt.f32.s32 v5;
	vm0 =	vlt.s32 v6, $0x1FFF  }
0x13d: {  	v6 =	vnsel vm0, $0x1FFF, v6;
	v4 =	vmul.f32 v4, v2  }
0x13e: {  	vm0 =	vlt.s32 v5, $0x1FFF  }
0x13f: {  	s25 =	simm.s32 $0x4780;
	v5 =	vnsel vm0, $0x1FFF, v5;
	v4 =	vtrunc.f32 v4  }
0x140: {  	v7 =	vld [tilespmem:s25+$0xFFFFFF80];
	v4 =	vcvt.f32.s32 v4;
	_ =	sdelay $0x1  }
0x141: {  	[tilespmem:v6+s16+$0x0] =	vst.idx.add.f32.msk $0xffff, v1;
	vm0 =	vlt.s32 v4, $0x1FFF  }
0x142: {  	v6 =	vld [tilespmem:s24+$0xFFFFFFA0];
	v4 =	vnsel vm0, $0x1FFF, v4  }
0x143: {  	[tilespmem:v5+s16+$0x0] =	vst.idx.add.f32.msk $0xffff, v1  }
0x144: {  	v7 =	vsub.f32 v7, v3;
	v5 =	vld [tilespmem:s23+$0xFFFFFFC0];
	_ =	sdelay $0x1  }
0x145: {  	v7 =	vmul.f32 v7, v2  }
0x146: {  	v6 =	vsub.f32 v6, v3;
	[tilespmem:v4+s16+$0x0] =	vst.idx.add.f32.msk $0xffff, v1  }
0x147: {  	v7 =	vtrunc.f32 v7;
	v4 =	vld [tilespmem:s22+$0xFFFFFFE0]  }
0x148: {  	v7 =	vcvt.f32.s32 v7;
	v5 =	vsub.f32 v5, v3;
	v6 =	vmul.f32 v6, v2;
	_ =	sdelay $0x1  }
0x149: {  	v5 =	vmul.f32 v5, v2;
	v6 =	vtrunc.f32 v6;
	vm0 =	vlt.s32 v7, $0x1FFF  }
0x14a: {  	v6 =	vcvt.f32.s32 v6;
	v7 =	vnsel vm0, $0x1FFF, v7  }
0x14b: {  	v5 =	vtrunc.f32 v5;
	v4 =	vsub.f32 v4, v3  }
0x14c: {  	v5 =	vcvt.f32.s32 v5;
	vm0 =	vlt.s32 v6, $0x1FFF  }
0x14d: {  	v6 =	vnsel vm0, $0x1FFF, v6;
	v4 =	vmul.f32 v4, v2  }
0x14e: {  	vm0 =	vlt.s32 v5, $0x1FFF  }
0x14f: {  	v5 =	vnsel vm0, $0x1FFF, v5;
	[tilespmem:v7+s16+$0x0] =	vst.idx.add.f32.msk $0xffff, v1;
	v4 =	vtrunc.f32 v4  }
0x150: {  	v7 =	vld [tilespmem:s25+$0xFFFFFF90];
	v4 =	vcvt.f32.s32 v4;
	_ =	sdelay $0x1  }
0x151: {  	[tilespmem:v6+s16+$0x0] =	vst.idx.add.f32.msk $0xffff, v1;
	vm0 =	vlt.s32 v4, $0x1FFF  }
0x152: {  	v6 =	vld [tilespmem:s24+$0xFFFFFFB0];
	v4 =	vnsel vm0, $0x1FFF, v4  }
0x153: {  	[tilespmem:v5+s16+$0x0] =	vst.idx.add.f32.msk $0xffff, v1  }
0x154: {  	v5 =	vld [tilespmem:s23+$0xFFFFFFD0];
	v7 =	vsub.f32 v7, v3;
	_ =	sdelay $0x1  }
0x155: {  	v7 =	vmul.f32 v7, v2  }
0x156: {  	v6 =	vsub.f32 v6, v3;
	[tilespmem:v4+s16+$0x0] =	vst.idx.add.f32.msk $0xffff, v1  }
0x157: {  	v7 =	vtrunc.f32 v7;
	v4 =	vld [tilespmem:s22+$0xFFFFFFF0]  }
0x158: {  	v5 =	vsub.f32 v5, v3;
	v6 =	vmul.f32 v6, v2;
	v7 =	vcvt.f32.s32 v7;
	_ =	sdelay $0x1  }
0x159: {  	v5 =	vmul.f32 v5, v2;
	v6 =	vtrunc.f32 v6;
	vm0 =	vlt.s32 v7, $0x1FFF  }
0x15a: {  	s26 =	simm.s32 $0x4880;
	v6 =	vcvt.f32.s32 v6;
	v7 =	vnsel vm0, $0x1FFF, v7  }
0x15b: {  	v8 =	vld [tilespmem:s26+$0xFFFFFF80];
	v5 =	vtrunc.f32 v5;
	v4 =	vsub.f32 v4, v3  }
0x15c: {  	v5 =	vcvt.f32.s32 v5;
	vm0 =	vlt.s32 v6, $0x1FFF  }
0x15d: {  	v6 =	vnsel vm0, $0x1FFF, v6;
	v4 =	vmul.f32 v4, v2  }
0x15e: {  	vm0 =	vlt.s32 v5, $0x1FFF  }
0x15f: {  	v5 =	vnsel vm0, $0x1FFF, v5;
	[tilespmem:v7+s16+$0x0] =	vst.idx.add.f32.msk $0xffff, v1;
	v4 =	vtrunc.f32 v4  }
0x160: {  	v7 =	vsub.f32 v8, v3;
	v8 =	vld [tilespmem:s25+$0xFFFFFFA0];
	v4 =	vcvt.f32.s32 v4;
	_ =	sdelay $0x1  }
0x161: {  	[tilespmem:v6+s16+$0x0] =	vst.idx.add.f32.msk $0xffff, v1;
	v6 =	vmul.f32 v7, v2;
	vm0 =	vlt.s32 v4, $0x1FFF  }
0x162: {  	v7 =	vld [tilespmem:s24+$0xFFFFFFC0];
	v4 =	vnsel vm0, $0x1FFF, v4  }
0x163: {  	[tilespmem:v5+s16+$0x0] =	vst.idx.add.f32.msk $0xffff, v1;
	v5 =	vtrunc.f32 v6  }
0x164: {  	v5 =	vcvt.f32.s32 v5;
	v8 =	vsub.f32 v8, v3;
	_ =	sdelay $0x1  }
0x165: {  	v6 =	vld [tilespmem:s23+$0xFFFFFFE0];
	v8 =	vmul.f32 v8, v2;
	vm0 =	vlt.s32 v5, $0x1FFF  }
0x166: {  	v5 =	vnsel vm0, $0x1FFF, v5;
	[tilespmem:v4+s16+$0x0] =	vst.idx.add.f32.msk $0xffff, v1  }
0x167: {  	v7 =	vsub.f32 v7, v3;
	v8 =	vtrunc.f32 v8;
	v4 =	vld [tilespmem:s22+$0x0]  }
0x168: {  	v8 =	vcvt.f32.s32 v8  }
0x169: {  	v7 =	vmul.f32 v7, v2  }
0x16a: {  	v6 =	vsub.f32 v6, v3;
	vm0 =	vlt.s32 v8, $0x1FFF  }
0x16b: {  	v7 =	vtrunc.f32 v7;
	[tilespmem:v5+s16+$0x0] =	vst.idx.add.f32.msk $0xffff, v1;
	v5 =	vnsel vm0, $0x1FFF, v8  }
0x16c: {  	v6 =	vmul.f32 v6, v2;
	v7 =	vcvt.f32.s32 v7;
	v8 =	vld [tilespmem:s26+$0xFFFFFF90];
	v4 =	vsub.f32 v4, v3;
	_ =	sdelay $0x1  }
0x16d: {  	v6 =	vtrunc.f32 v6;
	vm0 =	vlt.s32 v7, $0x1FFF;
	v4 =	vmul.f32 v4, v2  }
0x16e: {  	v6 =	vcvt.f32.s32 v6;
	v7 =	vnsel vm0, $0x1FFF, v7  }
0x16f: {  	[tilespmem:v5+s16+$0x0] =	vst.idx.add.f32.msk $0xffff, v1;
	v4 =	vtrunc.f32 v4  }
0x170: {  	vm0 =	vlt.s32 v6, $0x1FFF;
	v5 =	vsub.f32 v8, v3;
	v8 =	vld [tilespmem:s25+$0xFFFFFFB0];
	v4 =	vcvt.f32.s32 v4  }
0x171: {  	v6 =	vnsel vm0, $0x1FFF, v6  }
0x172: {  	v5 =	vmul.f32 v5, v2;
	vm0 =	vlt.s32 v4, $0x1FFF  }
0x173: {  	[tilespmem:v7+s16+$0x0] =	vst.idx.add.f32.msk $0xffff, v1;
	v4 =	vnsel vm0, $0x1FFF, v4  }
0x174: {  	v7 =	vld [tilespmem:s24+$0xFFFFFFD0];
	v5 =	vtrunc.f32 v5  }
0x175: {  	v5 =	vcvt.f32.s32 v5;
	v8 =	vsub.f32 v8, v3  }
0x176: {  	[tilespmem:v6+s16+$0x0] =	vst.idx.add.f32.msk $0xffff, v1  }
0x177: {  	v6 =	vld [tilespmem:s23+$0xFFFFFFF0];
	vm0 =	vlt.s32 v5, $0x1FFF;
	v8 =	vmul.f32 v8, v2  }
0x178: {  	v5 =	vnsel vm0, $0x1FFF, v5;
	[tilespmem:v4+s16+$0x0] =	vst.idx.add.f32.msk $0xffff, v1  }
0x179: {  	v7 =	vsub.f32 v7, v3;
	v8 =	vtrunc.f32 v8;
	v4 =	vld [tilespmem:s22+$0x10]  }
0x17a: {  	v8 =	vcvt.f32.s32 v8  }
0x17b: {  	s28 =	simm.s32 $0x4980;
	v7 =	vmul.f32 v7, v2  }
0x17c: {  	v9 =	vld [tilespmem:s28+$0xFFFFFF80];
	v6 =	vsub.f32 v6, v3;
	vm0 =	vlt.s32 v8, $0x1FFF  }
0x17d: {  	v7 =	vtrunc.f32 v7;
	[tilespmem:v5+s16+$0x0] =	vst.idx.add.f32.msk $0xffff, v1;
	v5 =	vnsel vm0, $0x1FFF, v8  }
0x17e: {  	v6 =	vmul.f32 v6, v2;
	v7 =	vcvt.f32.s32 v7;
	v4 =	vsub.f32 v4, v3;
	_ =	sdelay $0x1  }
0x17f: {  	v6 =	vtrunc.f32 v6;
	vm0 =	vlt.s32 v7, $0x1FFF;
	v4 =	vmul.f32 v4, v2  }
0x180: {  	v9 =	vsub.f32 v9, v3;
	v6 =	vcvt.f32.s32 v6;
	v8 =	vld [tilespmem:s26+$0xFFFFFFA0];
	v7 =	vnsel vm0, $0x1FFF, v7  }
0x181: {  	[tilespmem:v5+s16+$0x0] =	vst.idx.add.f32.msk $0xffff, v1;
	v4 =	vtrunc.f32 v4  }
0x182: {  	vm0 =	vlt.s32 v6, $0x1FFF;
	v5 =	vmul.f32 v9, v2;
	v9 =	vld [tilespmem:s25+$0xFFFFFFC0];
	v4 =	vcvt.f32.s32 v4  }
0x183: {  	v6 =	vnsel vm0, $0x1FFF, v6  }
0x184: {  	vm0 =	vlt.s32 v4, $0x1FFF  }
0x185: {  	v8 =	vsub.f32 v8, v3;
	[tilespmem:v7+s16+$0x0] =	vst.idx.add.f32.msk $0xffff, v1;
	v4 =	vnsel vm0, $0x1FFF, v4  }
0x186: {  	v5 =	vtrunc.f32 v5;
	v7 =	vld [tilespmem:s24+$0xFFFFFFE0]  }
0x187: {  	v8 =	vmul.f32 v8, v2;
	v5 =	vcvt.f32.s32 v5;
	v9 =	vsub.f32 v9, v3  }
0x188: {  	[tilespmem:v6+s16+$0x0] =	vst.idx.add.f32.msk $0xffff, v1  }
0x189: {  	v6 =	vtrunc.f32 v8;
	v8 =	vld [tilespmem:s23+$0x0];
	vm0 =	vlt.s32 v5, $0x1FFF;
	v9 =	vmul.f32 v9, v2  }
0x18a: {  	v6 =	vcvt.f32.s32 v6;
	[tilespmem:v4+s16+$0x0] =	vst.idx.add.f32.msk $0xffff, v1;
	v4 =	vnsel vm0, $0x1FFF, v5  }
0x18b: {  	v7 =	vsub.f32 v7, v3;
	v9 =	vtrunc.f32 v9;
	v5 =	vld [tilespmem:s22+$0x20]  }
0x18c: {  	v9 =	vcvt.f32.s32 v9;
	vm0 =	vlt.s32 v6, $0x1FFF  }
0x18d: {  	v7 =	vmul.f32 v7, v2;
	v6 =	vnsel vm0, $0x1FFF, v6  }
0x18e: {  	v8 =	vsub.f32 v8, v3;
	vm0 =	vlt.s32 v9, $0x1FFF  }
0x18f: {  	v9 =	vnsel vm0, $0x1FFF, v9;
	[tilespmem:v4+s16+$0x0] =	vst.idx.add.f32.msk $0xffff, v1;
	v4 =	vtrunc.f32 v7  }
0x190: {  	v7 =	vmul.f32 v8, v2;
	v5 =	vsub.f32 v5, v3;
	v8 =	vld [tilespmem:s28+$0xFFFFFF90];
	v4 =	vcvt.f32.s32 v4;
	_ =	sdelay $0x1  }
0x191: {  	[tilespmem:v6+s16+$0x0] =	vst.idx.add.f32.msk $0xffff, v1;
	v6 =	vtrunc.f32 v7;
	v5 =	vmul.f32 v5, v2;
	vm0 =	vlt.s32 v4, $0x1FFF  }
0x192: {  	s29 =	simm.s32 $0x4A80;
	v7 =	vld [tilespmem:s26+$0xFFFFFFB0];
	v6 =	vcvt.f32.s32 v6;
	v4 =	vnsel vm0, $0x1FFF, v4  }
0x193: {  	v10 =	vld [tilespmem:s29+$0xFFFFFF80];
	v5 =	vtrunc.f32 v5  }
0x194: {  	[tilespmem:v9+s16+$0x0] =	vst.idx.add.f32.msk $0xffff, v1;
	vm0 =	vlt.s32 v6, $0x1FFF;
	v5 =	vcvt.f32.s32 v5;
	v8 =	vsub.f32 v8, v3  }
0x195: {  	v9 =	vld [tilespmem:s25+$0xFFFFFFD0];
	v6 =	vnsel vm0, $0x1FFF, v6  }
0x196: {  	vm0 =	vlt.s32 v5, $0x1FFF;
	v8 =	vmul.f32 v8, v2  }
0x197: {  	v7 =	vsub.f32 v7, v3;
	v5 =	vnsel vm0, $0x1FFF, v5;
	[tilespmem:v4+s16+$0x0] =	vst.idx.add.f32.msk $0xffff, v1  }
0x198: {  	v4 =	vtrunc.f32 v8;
	v8 =	vsub.f32 v10, v3;
	v10 =	vld [tilespmem:s24+$0xFFFFFFF0]  }
0x199: {  	v7 =	vmul.f32 v7, v2;
	v4 =	vcvt.f32.s32 v4  }
0x19a: {  	v9 =	vsub.f32 v9, v3;
	[tilespmem:v6+s16+$0x0] =	vst.idx.add.f32.msk $0xffff, v1  }
0x19b: {  	v7 =	vtrunc.f32 v7;
	v6 =	vmul.f32 v8, v2;
	v8 =	vld [tilespmem:s23+$0x10];
	vm0 =	vlt.s32 v4, $0x1FFF  }
0x19c: {  	v9 =	vmul.f32 v9, v2;
	v7 =	vcvt.f32.s32 v7;
	[tilespmem:v5+s16+$0x0] =	vst.idx.add.f32.msk $0xffff, v1;
	v4 =	vnsel vm0, $0x1FFF, v4  }
0x19d: {  	v5 =	vtrunc.f32 v6;
	v6 =	vld [tilespmem:s22+$0x30];
	v10 =	vsub.f32 v10, v3  }
0x19e: {  	v9 =	vtrunc.f32 v9;
	vm0 =	vlt.s32 v7, $0x1FFF;
	v5 =	vcvt.f32.s32 v5  }
0x19f: {  	v9 =	vcvt.f32.s32 v9;
	v7 =	vnsel vm0, $0x1FFF, v7;
	v10 =	vmul.f32 v10, v2  }
0x1a0: {  	v8 =	vsub.f32 v8, v3;
	vm0 =	vlt.s32 v5, $0x1FFF  }
0x1a1: {  	v5 =	vnsel vm0, $0x1FFF, v5;
	vm0 =	vlt.s32 v9, $0x1FFF;
	[tilespmem:v4+s16+$0x0] =	vst.idx.add.f32.msk $0xffff, v1;
	v4 =	vtrunc.f32 v10  }
0x1a2: {  	v8 =	vmul.f32 v8, v2;
	v9 =	vnsel vm0, $0x1FFF, v9;
	v6 =	vsub.f32 v6, v3  }
0x1a3: {  	v4 =	vcvt.f32.s32 v4;
	v10 =	vld [tilespmem:s28+$0xFFFFFFA0]  }
0x1a4: {  	[tilespmem:v7+s16+$0x0] =	vst.idx.add.f32.msk $0xffff, v1;
	v7 =	vtrunc.f32 v8;
	v6 =	vmul.f32 v6, v2  }
0x1a5: {  	v8 =	vld [tilespmem:s26+$0xFFFFFFC0];
	vm0 =	vlt.s32 v4, $0x1FFF;
	v7 =	vcvt.f32.s32 v7  }
0x1a6: {  	v4 =	vnsel vm0, $0x1FFF, v4;
	[tilespmem:v5+s16+$0x0] =	vst.idx.add.f32.msk $0xffff, v1;
	v6 =	vtrunc.f32 v6  }
0x1a7: {  	vm0 =	vlt.s32 v7, $0x1FFF;
	[tilespmem:v9+s16+$0x0] =	vst.idx.add.f32.msk $0xffff, v1;
	v6 =	vcvt.f32.s32 v6  }
0x1a8: {  	v5 =	vsub.f32 v10, v3;
	v7 =	vnsel vm0, $0x1FFF, v7;
	v9 =	vld [tilespmem:s25+$0xFFFFFFE0]  }
0x1a9: {  	vm0 =	vlt.s32 v6, $0x1FFF  }
0x1aa: {  	v8 =	vsub.f32 v8, v3;
	v5 =	vmul.f32 v5, v2;
	v6 =	vnsel vm0, $0x1FFF, v6  }
0x1ab: {  	[tilespmem:v4+s16+$0x0] =	vst.idx.add.f32.msk $0xffff, v1  }
0x1ac: {  	v4 =	vtrunc.f32 v5;
	v5 =	vmul.f32 v8, v2;
	v8 =	vld [tilespmem:s24+$0x0]  }
0x1ad: {  	v4 =	vcvt.f32.s32 v4;
	[tilespmem:v7+s16+$0x0] =	vst.idx.add.f32.msk $0xffff, v1;
	v9 =	vsub.f32 v9, v3  }
0x1ae: {  	v5 =	vtrunc.f32 v5;
	v7 =	vld [tilespmem:s23+$0x20]  }
0x1af: {  	vm0 =	vlt.s32 v4, $0x1FFF;
	v5 =	vcvt.f32.s32 v5;
	v9 =	vmul.f32 v9, v2;
	[tilespmem:v6+s16+$0x0] =	vst.idx.add.f32.msk $0xffff, v1  }
0x1b0: {  	v4 =	vnsel vm0, $0x1FFF, v4;
	v6 =	vld [tilespmem:s22+$0x40]  }
0x1b1: {  	v10 =	vld [tilespmem:s29+$0xFFFFFF90];
	vm0 =	vlt.s32 v5, $0x1FFF;
	v8 =	vsub.f32 v8, v3;
	v9 =	vtrunc.f32 v9  }
0x1b2: {  	v5 =	vnsel vm0, $0x1FFF, v5;
	v9 =	vcvt.f32.s32 v9  }
0x1b3: {  	s30 =	simm.s32 $0x4B80;
	v8 =	vmul.f32 v8, v2;
	v7 =	vsub.f32 v7, v3  }
0x1b4: {  	v11 =	vld [tilespmem:s30+$0xFFFFFF80];
	vm0 =	vlt.s32 v9, $0x1FFF  }
0x1b5: {  	[tilespmem:v4+s16+$0x0] =	vst.idx.add.f32.msk $0xffff, v1;
	v4 =	vtrunc.f32 v8;
	v7 =	vmul.f32 v7, v2;
	v6 =	vsub.f32 v6, v3  }
0x1b6: {  	v8 =	vsub.f32 v10, v3;
	v9 =	vnsel vm0, $0x1FFF, v9;
	v10 =	vld [tilespmem:s28+$0xFFFFFFB0];
	v4 =	vcvt.f32.s32 v4  }
0x1b7: {  	[tilespmem:v5+s16+$0x0] =	vst.idx.add.f32.msk $0xffff, v1;
	v5 =	vtrunc.f32 v7;
	v6 =	vmul.f32 v6, v2  }
0x1b8: {  	v7 =	vld [tilespmem:s26+$0xFFFFFFD0];
	vm0 =	vlt.s32 v4, $0x1FFF;
	v5 =	vcvt.f32.s32 v5  }
0x1b9: {  	v8 =	vmul.f32 v8, v2;
	v4 =	vnsel vm0, $0x1FFF, v4;
	v6 =	vtrunc.f32 v6  }
0x1ba: {  	vm0 =	vlt.s32 v5, $0x1FFF;
	v6 =	vcvt.f32.s32 v6  }
0x1bb: {  	v8 =	vtrunc.f32 v8;
	[tilespmem:v9+s16+$0x0] =	vst.idx.add.f32.msk $0xffff, v1;
	v10 =	vsub.f32 v10, v3;
	v5 =	vnsel vm0, $0x1FFF, v5  }
0x1bc: {  	v11 =	vsub.f32 v11, v3;
	v8 =	vcvt.f32.s32 v8;
	v9 =	vld [tilespmem:s25+$0xFFFFFFF0];
	vm0 =	vlt.s32 v6, $0x1FFF  }
0x1bd: {  	v10 =	vmul.f32 v10, v2;
	v7 =	vsub.f32 v7, v3;
	v6 =	vnsel vm0, $0x1FFF, v6  }
0x1be: {  	v11 =	vmul.f32 v11, v2;
	[tilespmem:v4+s16+$0x0] =	vst.idx.add.f32.msk $0xffff, v1;
	vm0 =	vlt.s32 v8, $0x1FFF  }
0x1bf: {  	v4 =	vtrunc.f32 v10;
	v7 =	vmul.f32 v7, v2;
	v10 =	vld [tilespmem:s24+$0x10];
	v8 =	vnsel vm0, $0x1FFF, v8  }
0x1c0: {  	v4 =	vcvt.f32.s32 v4;
	[tilespmem:v5+s16+$0x0] =	vst.idx.add.f32.msk $0xffff, v1  }
0x1c1: {  	v5 =	vtrunc.f32 v11;
	v9 =	vsub.f32 v9, v3;
	v7 =	vtrunc.f32 v7;
	v11 =	vld [tilespmem:s23+$0x30]  }
0x1c2: {  	vm0 =	vlt.s32 v4, $0x1FFF;
	v7 =	vcvt.f32.s32 v7;
	[tilespmem:v6+s16+$0x0] =	vst.idx.add.f32.msk $0xffff, v1  }
0x1c3: {  	v9 =	vmul.f32 v9, v2;
	v4 =	vnsel vm0, $0x1FFF, v4;
	v6 =	vld [tilespmem:s22+$0x50]  }
0x1c4: {  	v5 =	vcvt.f32.s32 v5;
	vm0 =	vlt.s32 v7, $0x1FFF;
	v10 =	vsub.f32 v10, v3;
	[tilespmem:v8+s16+$0x0] =	vst.idx.add.f32.msk $0xffff, v1  }
0x1c5: {  	v8 =	vtrunc.f32 v9;
	v7 =	vnsel vm0, $0x1FFF, v7;
	v9 =	vld [tilespmem:s29+$0xFFFFFFA0]  }
0x1c6: {  	vm0 =	vlt.s32 v5, $0x1FFF;
	v10 =	vmul.f32 v10, v2;
	v11 =	vsub.f32 v11, v3  }
0x1c7: {  	v8 =	vcvt.f32.s32 v8;
	v5 =	vnsel vm0, $0x1FFF, v5  }
0x1c8: {  	[tilespmem:v4+s16+$0x0] =	vst.idx.add.f32.msk $0xffff, v1;
	v4 =	vtrunc.f32 v10;
	v10 =	vmul.f32 v11, v2  }
0x1c9: {  	vm0 =	vlt.s32 v8, $0x1FFF;
	v6 =	vsub.f32 v6, v3;
	v11 =	vld [tilespmem:s28+$0xFFFFFFC0];
	v4 =	vcvt.f32.s32 v4  }
0x1ca: {  	v8 =	vnsel vm0, $0x1FFF, v8;
	[tilespmem:v7+s16+$0x0] =	vst.idx.add.f32.msk $0xffff, v1;
	v7 =	vtrunc.f32 v10;
	v9 =	vsub.f32 v9, v3  }
0x1cb: {  	v6 =	vmul.f32 v6, v2;
	v10 =	vld [tilespmem:s26+$0xFFFFFFE0];
	vm0 =	vlt.s32 v4, $0x1FFF;
	v7 =	vcvt.f32.s32 v7  }
0x1cc: {  	[tilespmem:v5+s16+$0x0] =	vst.idx.add.f32.msk $0xffff, v1;
	v4 =	vnsel vm0, $0x1FFF, v4  }
0x1cd: {  	v9 =	vmul.f32 v9, v2;
	v5 =	vtrunc.f32 v6;
	v6 =	vld [tilespmem:s30+$0xFFFFFF90];
	vm0 =	vlt.s32 v7, $0x1FFF  }
0x1ce: {  	v5 =	vcvt.f32.s32 v5;
	v11 =	vsub.f32 v11, v3;
	v7 =	vnsel vm0, $0x1FFF, v7  }
0x1cf: {  	[tilespmem:v8+s16+$0x0] =	vst.idx.add.f32.msk $0xffff, v1;
	v9 =	vtrunc.f32 v9  }
0x1d0: {  	vm0 =	vlt.s32 v5, $0x1FFF;
	v8 =	vmul.f32 v11, v2;
	v10 =	vsub.f32 v10, v3;
	v11 =	vld [tilespmem:s25+$0x0]  }
0x1d1: {  	v9 =	vcvt.f32.s32 v9;
	v5 =	vnsel vm0, $0x1FFF, v5;
	[tilespmem:v4+s16+$0x0] =	vst.idx.add.f32.msk $0xffff, v1  }
0x1d2: {  	v4 =	vsub.f32 v6, v3;
	v6 =	vtrunc.f32 v8;
	v8 =	vmul.f32 v10, v2;
	v10 =	vld [tilespmem:s24+$0x20]  }
0x1d3: {  	vm0 =	vlt.s32 v9, $0x1FFF;
	[tilespmem:v7+s16+$0x0] =	vst.idx.add.f32.msk $0xffff, v1  }
0x1d4: {  	s31 =	simm.s32 $0x4C80;
	v6 =	vcvt.f32.s32 v6;
	v7 =	vnsel vm0, $0x1FFF, v9;
	v9 =	vld [tilespmem:s23+$0x40]  }
0x1d5: {  	v12 =	vld [tilespmem:s31+$0xFFFFFF80];
	v4 =	vmul.f32 v4, v2;
	v8 =	vtrunc.f32 v8  }
0x1d6: {  	vm0 =	vlt.s32 v6, $0x1FFF;
	v8 =	vcvt.f32.s32 v8;
	v11 =	vsub.f32 v11, v3;
	[tilespmem:v5+s16+$0x0] =	vst.idx.add.f32.msk $0xffff, v1  }
0x1d7: {  	v4 =	vtrunc.f32 v4;
	v5 =	vnsel vm0, $0x1FFF, v6;
	v6 =	vld [tilespmem:s22+$0x60]  }
0x1d8: {  	vm0 =	vlt.s32 v8, $0x1FFF;
	v11 =	vmul.f32 v11, v2;
	v10 =	vsub.f32 v10, v3  }
0x1d9: {  	v4 =	vcvt.f32.s32 v4;
	v8 =	vnsel vm0, $0x1FFF, v8;
	[tilespmem:v7+s16+$0x0] =	vst.idx.add.f32.msk $0xffff, v1;
	v9 =	vsub.f32 v9, v3  }
0x1da: {  	v7 =	vsub.f32 v12, v3;
	v11 =	vtrunc.f32 v11;
	v10 =	vmul.f32 v10, v2;
	v12 =	vld [tilespmem:s29+$0xFFFFFFB0]  }
0x1db: {  	vm0 =	vlt.s32 v4, $0x1FFF;
	v11 =	vcvt.f32.s32 v11;
	v9 =	vmul.f32 v9, v2  }
0x1dc: {  	v4 =	vnsel vm0, $0x1FFF, v4;
	v10 =	vtrunc.f32 v10;
	[tilespmem:v5+s16+$0x0] =	vst.idx.add.f32.msk $0xffff, v1;
	v6 =	vsub.f32 v6, v3  }
0x1dd: {  	vm0 =	vlt.s32 v11, $0x1FFF;
	v5 =	vcvt.f32.s32 v10;
	v10 =	vld [tilespmem:s28+$0xFFFFFFD0];
	v9 =	vtrunc.f32 v9  }
0x1de: {  	v11 =	vnsel vm0, $0x1FFF, v11;
	[tilespmem:v8+s16+$0x0] =	vst.idx.add.f32.msk $0xffff, v1;
	v6 =	vmul.f32 v6, v2;
	v8 =	vcvt.f32.s32 v9  }
0x1df: {  	v7 =	vmul.f32 v7, v2;
	vm0 =	vlt.s32 v5, $0x1FFF;
	v9 =	vld [tilespmem:s26+$0xFFFFFFF0];
	v12 =	vsub.f32 v12, v3  }
0x1e0: {  	v5 =	vnsel vm0, $0x1FFF, v5;
	v6 =	vtrunc.f32 v6;
	vm0 =	vlt.s32 v8, $0x1FFF  }
0x1e1: {  	[tilespmem:v4+s16+$0x0] =	vst.idx.add.f32.msk $0xffff, v1;
	v6 =	vcvt.f32.s32 v6;
	v4 =	vnsel vm0, $0x1FFF, v8;
	v8 =	vmul.f32 v12, v2  }
0x1e2: {  	v7 =	vtrunc.f32 v7;
	v10 =	vsub.f32 v10, v3  }
0x1e3: {  	v7 =	vcvt.f32.s32 v7;
	[tilespmem:v11+s16+$0x0] =	vst.idx.add.f32.msk $0xffff, v1;
	vm0 =	vlt.s32 v6, $0x1FFF;
	v8 =	vtrunc.f32 v8  }
0x1e4: {  	v11 =	vld [tilespmem:s25+$0x10];
	v10 =	vmul.f32 v10, v2;
	v9 =	vsub.f32 v9, v3;
	v6 =	vnsel vm0, $0x1FFF, v6  }
0x1e5: {  	[tilespmem:v5+s16+$0x0] =	vst.idx.add.f32.msk $0xffff, v1;
	v5 =	vcvt.f32.s32 v8  }
0x1e6: {  	vm0 =	vlt.s32 v7, $0x1FFF;
	v8 =	vld [tilespmem:s24+$0x30];
	v10 =	vtrunc.f32 v10;
	v9 =	vmul.f32 v9, v2  }
0x1e7: {  	[tilespmem:v4+s16+$0x0] =	vst.idx.add.f32.msk $0xffff, v1;
	v4 =	vnsel vm0, $0x1FFF, v7;
	vm0 =	vlt.s32 v5, $0x1FFF;
	v7 =	vcvt.f32.s32 v10  }
0x1e8: {  	v10 =	vld [tilespmem:s23+$0x50];
	v5 =	vnsel vm0, $0x1FFF, v5  }
0x1e9: {  	v9 =	vtrunc.f32 v9;
	v11 =	vsub.f32 v11, v3;
	vm0 =	vlt.s32 v7, $0x1FFF;
	[tilespmem:v6+s16+$0x0] =	vst.idx.add.f32.msk $0xffff, v1  }
0x1ea: {  	v6 =	vcvt.f32.s32 v9;
	v7 =	vnsel vm0, $0x1FFF, v7;
	v9 =	vld [tilespmem:s22+$0x70]  }
0x1eb: {  	v12 =	vld [tilespmem:s30+$0xFFFFFFA0];
	v11 =	vmul.f32 v11, v2;
	v8 =	vsub.f32 v8, v3  }
0x1ec: {  	vm0 =	vlt.s32 v6, $0x1FFF;
	[tilespmem:v4+s16+$0x0] =	vst.idx.add.f32.msk $0xffff, v1  }
0x1ed: {  	v4 =	vtrunc.f32 v11;
	v11 =	vmul.f32 v8, v2;
	v13 =	vsub.f32 v10, v3;
	[tilespmem:v5+s16+$0x0] =	vst.idx.add.f32.msk $0xffff, v1  }
0x1ee: {  	v8 =	vnsel vm0, $0x1FFF, v6;
	v4 =	vcvt.f32.s32 v4;
	v10 =	vld [tilespmem:s29+$0xFFFFFFC0]  }
0x1ef: {  	v5 =	vtrunc.f32 v11;
	v11 =	vmul.f32 v13, v2;
	[tilespmem:v7+s16+$0x0] =	vst.idx.add.f32.msk $0xffff, v1;
	v13 =	vsub.f32 v9, v3  }
0x1f0: {  	v12 =	vsub.f32 v12, v3;
	vm0 =	vlt.s32 v4, $0x1FFF;
	v6 =	vcvt.f32.s32 v5;
	v9 =	vld [tilespmem:s28+$0xFFFFFFE0]  }
0x1f1: {  	v7 =	vnsel vm0, $0x1FFF, v4;
	v5 =	vtrunc.f32 v11;
	v11 =	vld [tilespmem:s31+$0xFFFFFF90];
	v4 =	vmul.f32 v13, v2  }
0x1f2: {  	s6 =	simm.s32 $0x4D80;
	s0 =	simm.s32 $0x800;
	v12 =	vmul.f32 v12, v2;
	vm0 =	vlt.s32 v6, $0x1FFF;
	v5 =	vcvt.f32.s32 v5  }
.LBB2_13:
0x1f3: {  	v13 =	vld [tilespmem:s6+$0xFFFFFF80];
	v10 =	vsub.f32 v10, v3;
	v6 =	vnsel vm0, $0x1FFF, v6;
	v4 =	vtrunc.f32 v4  }
0x1f4: {  	v12 =	vtrunc.f32 v12;
	[tilespmem:v8+s16+$0x0] =	vst.idx.add.f32.msk $0xffff, v1;
	vm0 =	vlt.s32 v5, $0x1FFF;
	v4 =	vcvt.f32.s32 v4  }
0x1f5: {  	v8 =	vmul.f32 v10, v2;
	v9 =	vsub.f32 v9, v3;
	v10 =	vld [tilespmem:s26+$0x0];
	v5 =	vnsel vm0, $0x1FFF, v5  }
0x1f6: {  	v12 =	vcvt.f32.s32 v12;
	v11 =	vsub.f32 v11, v3;
	[tilespmem:v7+s16+$0x0] =	vst.idx.add.f32.msk $0xffff, v1;
	vm0 =	vlt.s32 v4, $0x1FFF  }
0x1f7: {  	v7 =	vtrunc.f32 v8;
	v8 =	vmul.f32 v9, v2;
	v9 =	vld [tilespmem:s25+$0x20];
	v4 =	vnsel vm0, $0x1FFF, v4  }
0x1f8: {  	vm0 =	vlt.s32 v12, $0x1FFF;
	v7 =	vcvt.f32.s32 v7;
	[tilespmem:v6+s16+$0x0] =	vst.idx.add.f32.msk $0xffff, v1  }
0x1f9: {  	v6 =	vmul.f32 v11, v2;
	v11 =	vnsel vm0, $0x1FFF, v12;
	v8 =	vtrunc.f32 v8;
	v12 =	vld [tilespmem:s24+$0x40]  }
0x1fa: {  	vm0 =	vlt.s32 v7, $0x1FFF;
	v8 =	vcvt.f32.s32 v8;
	v10 =	vsub.f32 v10, v3;
	[tilespmem:v5+s16+$0x0] =	vst.idx.add.f32.msk $0xffff, v1  }
0x1fb: {  	v5 =	vtrunc.f32 v6;
	v6 =	vnsel vm0, $0x1FFF, v7;
	v7 =	vld [tilespmem:s23+$0x60]  }
0x1fc: {  	s1 =	simm.s32 $0x5440;
	vm0 =	vlt.s32 v8, $0x1FFF;
	v10 =	vmul.f32 v10, v2;
	v9 =	vsub.f32 v9, v3;
	[tilespmem:v4+s16+$0x0] =	vst.idx.add.f32.msk $0xffff, v1  }
0x1fd: {  	v4 =	vcvt.f32.s32 v5;
	v5 =	vnsel vm0, $0x1FFF, v8  }
0x1fe: {  	[tilespmem:v11+s16+$0x0] =	vst.idx.add.f32.msk $0xffff, v1;
	v8 =	vtrunc.f32 v10;
	v9 =	vmul.f32 v9, v2;
	v10 =	vsub.f32 v12, v3  }
0x1ff: {  	v11 =	vsub.f32 v13, v3;
	vm0 =	vlt.s32 v4, $0x1FFF;
	v12 =	vld [tilespmem:s30+$0xFFFFFFB0];
	v8 =	vcvt.f32.s32 v8  }
0x200: {  	[tilespmem:v6+s16+$0x0] =	vst.idx.add.f32.msk $0xffff, v1;
	v6 =	vtrunc.f32 v9;
	v9 =	vmul.f32 v10, v2;
	v7 =	vsub.f32 v7, v3  }
0x201: {  	v4 =	vnsel vm0, $0x1FFF, v4;
	v10 =	vld [tilespmem:s29+$0xFFFFFFD0];
	vm0 =	vlt.s32 v8, $0x1FFF;
	v6 =	vcvt.f32.s32 v6  }
0x202: {  	v8 =	vnsel vm0, $0x1FFF, v8;
	v9 =	vtrunc.f32 v9;
	v7 =	vmul.f32 v7, v2  }
0x203: {  	v11 =	vmul.f32 v11, v2;
	[tilespmem:v5+s16+$0x0] =	vst.idx.add.f32.msk $0xffff, v1;
	vm0 =	vlt.s32 v6, $0x1FFF;
	v5 =	vcvt.f32.s32 v9  }
0x204: {  	v9 =	vsub.f32 v12, v3;
	v12 =	vld [tilespmem:s28+$0xFFFFFFF0];
	v6 =	vnsel vm0, $0x1FFF, v6;
	v7 =	vtrunc.f32 v7  }
0x205: {  	v11 =	vtrunc.f32 v11;
	vm0 =	vlt.s32 v5, $0x1FFF;
	v7 =	vcvt.f32.s32 v7  }
0x206: {  	[tilespmem:v4+s16+$0x0] =	vst.idx.add.f32.msk $0xffff, v1;
	v4 =	vmul.f32 v9, v2;
	v9 =	vsub.f32 v10, v3;
	v5 =	vnsel vm0, $0x1FFF, v5  }
0x207: {  	v10 =	vcvt.f32.s32 v11;
	[tilespmem:v8+s16+$0x0] =	vst.idx.add.f32.msk $0xffff, v1;
	vm0 =	vlt.s32 v7, $0x1FFF  }
0x208: {  	v4 =	vtrunc.f32 v4;
	v8 =	vmul.f32 v9, v2;
	v9 =	vld [tilespmem:s26+$0x10];
	v7 =	vnsel vm0, $0x1FFF, v7  }
0x209: {  	vm0 =	vlt.s32 v10, $0x1FFF;
	v4 =	vcvt.f32.s32 v4;
	v11 =	vsub.f32 v12, v3;
	[tilespmem:v6+s16+$0x0] =	vst.idx.add.f32.msk $0xffff, v1  }
0x20a: {  	v6 =	vnsel vm0, $0x1FFF, v10;
	v8 =	vtrunc.f32 v8;
	v10 =	vld [tilespmem:s25+$0x30]  }
0x20b: {  	vm0 =	vlt.s32 v4, $0x1FFF;
	v8 =	vcvt.f32.s32 v8;
	v11 =	vmul.f32 v11, v2;
	[tilespmem:v5+s16+$0x0] =	vst.idx.add.f32.msk $0xffff, v1  }
0x20c: {  	v4 =	vnsel vm0, $0x1FFF, v4;
	v5 =	vld [tilespmem:s24+$0x50]  }
0x20d: {  	vm0 =	vlt.s32 v8, $0x1FFF;
	v11 =	vtrunc.f32 v11;
	v9 =	vsub.f32 v9, v3;
	[tilespmem:v7+s16+$0x0] =	vst.idx.add.f32.msk $0xffff, v1  }
0x20e: {  	v7 =	vnsel vm0, $0x1FFF, v8;
	v8 =	vcvt.f32.s32 v11;
	v11 =	vld [tilespmem:s23+$0x70];
	s23 =	smov.u32 s24;
	s24 =	smov.u32 s25;
	s25 =	smov.u32 s26  }
0x20f: {  	s26 =	smov.u32 s28;
	s28 =	smov.u32 s29;
	s29 =	smov.u32 s30;
	v12 =	vld [tilespmem:s31+$0xFFFFFFA0];
	v9 =	vmul.f32 v9, v2;
	v10 =	vsub.f32 v10, v3  }
0x210: {  	s0 =	sadd.s32 $0x100, s0;
	s30 =	smov.u32 s31;
	s31 =	smov.u32 s6;
	[tilespmem:v6+s16+$0x0] =	vst.idx.add.f32.msk $0xffff, v1;
	vm0 =	vlt.s32 v8, $0x1FFF  }
0x211: {  	p2 =	slt.u32 s0, $0xF00;
	[tilespmem:v4+s16+$0x0] =	vst.idx.add.f32.msk $0xffff, v1;
	v4 =	vtrunc.f32 v9;
	v6 =	vmul.f32 v10, v2;
	v5 =	vsub.f32 v5, v3  }
.Ltmp5:
0x212: {  	v8 =	vnsel vm0, $0x1FFF, v8;
	v10 =	vld [tilespmem:s29+$0xFFFFFFC0];
	v4 =	vcvt.f32.s32 v4;
	(pc) =	sbr.rel @p2 .LBB2_13-.Ltmp5, $4  }
0x213: {  	[tilespmem:v7+s16+$0x0] =	vst.idx.add.f32.msk $0xffff, v1;
	v6 =	vtrunc.f32 v6;
	v5 =	vmul.f32 v5, v2;
	v13 =	vsub.f32 v11, v3  }
0x214: {  	v12 =	vsub.f32 v12, v3;
	v9 =	vld [tilespmem:s28+$0xFFFFFFE0];
	vm0 =	vlt.s32 v4, $0x1FFF;
	v6 =	vcvt.f32.s32 v6  }
0x215: {  	v11 =	vld [tilespmem:s6+$0xFFFFFF90];
	v7 =	vnsel vm0, $0x1FFF, v4;
	v5 =	vtrunc.f32 v5;
	v4 =	vmul.f32 v13, v2  }
0x216: {  	s6 =	sadd.s32 $0x100, s6;
	v12 =	vmul.f32 v12, v2;
	vm0 =	vlt.s32 v6, $0x1FFF;
	v5 =	vcvt.f32.s32 v5  }
0x217: {  	_ =	sdelay $0x2  }
0x218: {  	v11 =	vsub.f32 v11, v3;
	_ =	sdelay $0x1  }
0x219: {  	v11 =	vmul.f32 v11, v2;
	_ =	sdelay $0x1  }
0x21a: {  	v11 =	vtrunc.f32 v11  }
0x21b: {  	v11 =	vcvt.f32.s32 v11;
	_ =	sdelay $0x1  }
0x21c: {  	vm1 =	vlt.s32 v11, $0x1FFF  }
0x21d: {  	v11 =	vnsel vm1, $0x1FFF, v11;
	_ =	sdelay $0x4  }
0x21e: {  	[tilespmem:v11+s16+$0x0] =	vst.idx.add.f32.msk $0xffff, v1  }
0x21f: {  	v11 =	vld [tilespmem:s31+$0xFFFFFFA0];
	_ =	sdelay $0x4  }
0x220: {  	v11 =	vsub.f32 v11, v3;
	_ =	sdelay $0x1  }
0x221: {  	v12 =	vtrunc.f32 v12;
	v11 =	vmul.f32 v11, v2  }
0x222: {  	v12 =	vcvt.f32.s32 v12  }
0x223: {  	v11 =	vtrunc.f32 v11  }
0x224: {  	vm4 =	vlt.s32 v12, $0x1FFF;
	v11 =	vcvt.f32.s32 v11  }
0x225: {  	v12 =	vnsel vm4, $0x1FFF, v12  }
0x226: {  	vm5 =	vlt.s32 v11, $0x1FFF  }
0x227: {  	v11 =	vnsel vm5, $0x1FFF, v11;
	_ =	sdelay $0x2  }
0x228: {  	[tilespmem:v12+s16+$0x0] =	vst.idx.add.f32.msk $0xffff, v1  }
0x229: {  	v12 =	vld [tilespmem:s30+$0xFFFFFFB0]  }
0x22a: {  	[tilespmem:v11+s16+$0x0] =	vst.idx.add.f32.msk $0xffff, v1  }
0x22b: {  	v11 =	vld [tilespmem:s31+$0xFFFFFFB0];
	_ =	sdelay $0x2  }
0x22c: {  	v12 =	vsub.f32 v12, v3;
	_ =	sdelay $0x1  }
0x22d: {  	v12 =	vmul.f32 v12, v2;
	v11 =	vsub.f32 v11, v3;
	_ =	sdelay $0x1  }
0x22e: {  	v12 =	vtrunc.f32 v12;
	v11 =	vmul.f32 v11, v2  }
0x22f: {  	v12 =	vcvt.f32.s32 v12  }
0x230: {  	v11 =	vtrunc.f32 v11  }
0x231: {  	vm6 =	vlt.s32 v12, $0x1FFF;
	v11 =	vcvt.f32.s32 v11  }
0x232: {  	v12 =	vnsel vm6, $0x1FFF, v12  }
0x233: {  	vm7 =	vlt.s32 v11, $0x1FFF  }
0x234: {  	v11 =	vnsel vm7, $0x1FFF, v11;
	_ =	sdelay $0x2  }
0x235: {  	[tilespmem:v12+s16+$0x0] =	vst.idx.add.f32.msk $0xffff, v1  }
0x236: {  	v12 =	vld [tilespmem:s30+$0xFFFFFFC0]  }
0x237: {  	[tilespmem:v11+s16+$0x0] =	vst.idx.add.f32.msk $0xffff, v1  }
0x238: {  	v11 =	vld [tilespmem:s31+$0xFFFFFFC0]  }
0x239: {  	v10 =	vsub.f32 v10, v3;
	_ =	sdelay $0x1  }
0x23a: {  	v10 =	vmul.f32 v10, v2;
	v12 =	vsub.f32 v12, v3;
	_ =	sdelay $0x1  }
0x23b: {  	v10 =	vtrunc.f32 v10;
	v12 =	vmul.f32 v12, v2;
	v11 =	vsub.f32 v11, v3  }
0x23c: {  	v10 =	vcvt.f32.s32 v10  }
0x23d: {  	v12 =	vtrunc.f32 v12;
	v11 =	vmul.f32 v11, v2  }
0x23e: {  	vm8 =	vlt.s32 v10, $0x1FFF;
	v12 =	vcvt.f32.s32 v12  }
0x23f: {  	v10 =	vnsel vm8, $0x1FFF, v10;
	v11 =	vtrunc.f32 v11  }
0x240: {  	vm9 =	vlt.s32 v12, $0x1FFF;
	v11 =	vcvt.f32.s32 v11  }
0x241: {  	v12 =	vnsel vm9, $0x1FFF, v12  }
0x242: {  	vm10 =	vlt.s32 v11, $0x1FFF  }
0x243: {  	v11 =	vnsel vm10, $0x1FFF, v11  }
0x244: {  	[tilespmem:v10+s16+$0x0] =	vst.idx.add.f32.msk $0xffff, v1  }
0x245: {  	v10 =	vld [tilespmem:s29+$0xFFFFFFD0]  }
0x246: {  	[tilespmem:v12+s16+$0x0] =	vst.idx.add.f32.msk $0xffff, v1  }
0x247: {  	v12 =	vld [tilespmem:s30+$0xFFFFFFD0]  }
0x248: {  	[tilespmem:v11+s16+$0x0] =	vst.idx.add.f32.msk $0xffff, v1  }
0x249: {  	v11 =	vld [tilespmem:s31+$0xFFFFFFD0]  }
0x24a: {  	v10 =	vsub.f32 v10, v3;
	_ =	sdelay $0x1  }
0x24b: {  	v10 =	vmul.f32 v10, v2;
	v12 =	vsub.f32 v12, v3;
	_ =	sdelay $0x1  }
0x24c: {  	v10 =	vtrunc.f32 v10;
	v12 =	vmul.f32 v12, v2;
	v11 =	vsub.f32 v11, v3  }
0x24d: {  	v10 =	vcvt.f32.s32 v10  }
0x24e: {  	v12 =	vtrunc.f32 v12;
	v11 =	vmul.f32 v11, v2  }
0x24f: {  	vm11 =	vlt.s32 v10, $0x1FFF;
	v12 =	vcvt.f32.s32 v12  }
0x250: {  	v10 =	vnsel vm11, $0x1FFF, v10;
	v11 =	vtrunc.f32 v11  }
0x251: {  	vm12 =	vlt.s32 v12, $0x1FFF;
	v11 =	vcvt.f32.s32 v11  }
0x252: {  	v12 =	vnsel vm12, $0x1FFF, v12  }
0x253: {  	vm13 =	vlt.s32 v11, $0x1FFF  }
0x254: {  	v11 =	vnsel vm13, $0x1FFF, v11  }
0x255: {  	[tilespmem:v10+s16+$0x0] =	vst.idx.add.f32.msk $0xffff, v1  }
0x256: {  	v10 =	vld [tilespmem:s29+$0xFFFFFFE0]  }
0x257: {  	[tilespmem:v12+s16+$0x0] =	vst.idx.add.f32.msk $0xffff, v1  }
0x258: {  	v12 =	vld [tilespmem:s30+$0xFFFFFFE0]  }
0x259: {  	v9 =	vsub.f32 v9, v3;
	[tilespmem:v11+s16+$0x0] =	vst.idx.add.f32.msk $0xffff, v1  }
0x25a: {  	v11 =	vld [tilespmem:s31+$0xFFFFFFE0]  }
0x25b: {  	v9 =	vmul.f32 v9, v2;
	v10 =	vsub.f32 v10, v3;
	_ =	sdelay $0x1  }
0x25c: {  	v9 =	vtrunc.f32 v9;
	v10 =	vmul.f32 v10, v2;
	v12 =	vsub.f32 v12, v3  }
0x25d: {  	v9 =	vcvt.f32.s32 v9  }
0x25e: {  	v10 =	vtrunc.f32 v10;
	v12 =	vmul.f32 v12, v2;
	v11 =	vsub.f32 v11, v3  }
0x25f: {  	vm14 =	vlt.s32 v9, $0x1FFF;
	v10 =	vcvt.f32.s32 v10  }
0x260: {  	v9 =	vnsel vm14, $0x1FFF, v9;
	v12 =	vtrunc.f32 v12;
	v11 =	vmul.f32 v11, v2  }
0x261: {  	vm15 =	vlt.s32 v10, $0x1FFF;
	v12 =	vcvt.f32.s32 v12  }
0x262: {  	v10 =	vnsel vm15, $0x1FFF, v10;
	v11 =	vtrunc.f32 v11  }
0x263: {  	vm4 =	vlt.s32 v12, $0x1FFF;
	v11 =	vcvt.f32.s32 v11  }
0x264: {  	v12 =	vnsel vm4, $0x1FFF, v12  }
0x265: {  	[tilespmem:v9+s16+$0x0] =	vst.idx.add.f32.msk $0xffff, v1;
	vm5 =	vlt.s32 v11, $0x1FFF  }
0x266: {  	v9 =	vld [tilespmem:s28+$0xFFFFFFF0];
	v11 =	vnsel vm5, $0x1FFF, v11  }
0x267: {  	[tilespmem:v10+s16+$0x0] =	vst.idx.add.f32.msk $0xffff, v1  }
0x268: {  	v10 =	vld [tilespmem:s29+$0xFFFFFFF0]  }
0x269: {  	[tilespmem:v12+s16+$0x0] =	vst.idx.add.f32.msk $0xffff, v1  }
0x26a: {  	v12 =	vld [tilespmem:s30+$0xFFFFFFF0]  }
0x26b: {  	v9 =	vsub.f32 v9, v3;
	[tilespmem:v11+s16+$0x0] =	vst.idx.add.f32.msk $0xffff, v1  }
0x26c: {  	v11 =	vld [tilespmem:s31+$0xFFFFFFF0]  }
0x26d: {  	v9 =	vmul.f32 v9, v2;
	v10 =	vsub.f32 v10, v3;
	_ =	sdelay $0x1  }
0x26e: {  	v9 =	vtrunc.f32 v9;
	v10 =	vmul.f32 v10, v2;
	v12 =	vsub.f32 v12, v3  }
0x26f: {  	v9 =	vcvt.f32.s32 v9  }
0x270: {  	v10 =	vtrunc.f32 v10;
	v12 =	vmul.f32 v12, v2;
	v11 =	vsub.f32 v11, v3  }
0x271: {  	vm6 =	vlt.s32 v9, $0x1FFF;
	v10 =	vcvt.f32.s32 v10  }
0x272: {  	[tilespmem:v8+s16+$0x0] =	vst.idx.add.f32.msk $0xffff, v1;
	v8 =	vnsel vm6, $0x1FFF, v9;
	v9 =	vtrunc.f32 v12;
	v11 =	vmul.f32 v11, v2  }
0x273: {  	vm7 =	vlt.s32 v10, $0x1FFF;
	v12 =	vld [tilespmem:s26+$0x0];
	v9 =	vcvt.f32.s32 v9  }
0x274: {  	v10 =	vnsel vm7, $0x1FFF, v10;
	v11 =	vtrunc.f32 v11  }
0x275: {  	vm8 =	vlt.s32 v9, $0x1FFF;
	v11 =	vcvt.f32.s32 v11  }
0x276: {  	v9 =	vnsel vm8, $0x1FFF, v9  }
0x277: {  	[tilespmem:v8+s16+$0x0] =	vst.idx.add.f32.msk $0xffff, v1;
	vm9 =	vlt.s32 v11, $0x1FFF  }
0x278: {  	v8 =	vsub.f32 v12, v3;
	v12 =	vld [tilespmem:s28+$0x0];
	v11 =	vnsel vm9, $0x1FFF, v11  }
0x279: {  	[tilespmem:v10+s16+$0x0] =	vst.idx.add.f32.msk $0xffff, v1  }
0x27a: {  	v10 =	vld [tilespmem:s29+$0x0];
	v8 =	vmul.f32 v8, v2  }
0x27b: {  	[tilespmem:v9+s16+$0x0] =	vst.idx.add.f32.msk $0xffff, v1  }
0x27c: {  	v8 =	vtrunc.f32 v8;
	v9 =	vld [tilespmem:s30+$0x0]  }
0x27d: {  	v8 =	vcvt.f32.s32 v8;
	v12 =	vsub.f32 v12, v3;
	[tilespmem:v11+s16+$0x0] =	vst.idx.add.f32.msk $0xffff, v1  }
0x27e: {  	v11 =	vld [tilespmem:s31+$0x0]  }
0x27f: {  	v10 =	vsub.f32 v10, v3;
	vm10 =	vlt.s32 v8, $0x1FFF;
	v12 =	vmul.f32 v12, v2  }
0x280: {  	v8 =	vnsel vm10, $0x1FFF, v8  }
0x281: {  	v10 =	vmul.f32 v10, v2;
	v12 =	vtrunc.f32 v12;
	v9 =	vsub.f32 v9, v3  }
0x282: {  	v12 =	vcvt.f32.s32 v12  }
0x283: {  	v10 =	vtrunc.f32 v10;
	v9 =	vmul.f32 v9, v2;
	v11 =	vsub.f32 v11, v3  }
0x284: {  	v10 =	vcvt.f32.s32 v10;
	vm11 =	vlt.s32 v12, $0x1FFF  }
0x285: {  	[tilespmem:v8+s16+$0x0] =	vst.idx.add.f32.msk $0xffff, v1;
	v8 =	vnsel vm11, $0x1FFF, v12;
	v9 =	vtrunc.f32 v9;
	v11 =	vmul.f32 v11, v2  }
0x286: {  	vm12 =	vlt.s32 v10, $0x1FFF;
	v12 =	vld [tilespmem:s26+$0x10];
	v9 =	vcvt.f32.s32 v9  }
0x287: {  	v10 =	vnsel vm12, $0x1FFF, v10;
	v11 =	vtrunc.f32 v11  }
0x288: {  	vm13 =	vlt.s32 v9, $0x1FFF;
	v11 =	vcvt.f32.s32 v11  }
0x289: {  	v9 =	vnsel vm13, $0x1FFF, v9  }
0x28a: {  	[tilespmem:v8+s16+$0x0] =	vst.idx.add.f32.msk $0xffff, v1;
	vm14 =	vlt.s32 v11, $0x1FFF  }
0x28b: {  	v8 =	vsub.f32 v12, v3;
	v12 =	vld [tilespmem:s28+$0x10];
	v11 =	vnsel vm14, $0x1FFF, v11  }
0x28c: {  	[tilespmem:v10+s16+$0x0] =	vst.idx.add.f32.msk $0xffff, v1  }
0x28d: {  	v10 =	vld [tilespmem:s29+$0x10];
	v8 =	vmul.f32 v8, v2  }
0x28e: {  	[tilespmem:v9+s16+$0x0] =	vst.idx.add.f32.msk $0xffff, v1  }
0x28f: {  	v8 =	vtrunc.f32 v8;
	v9 =	vld [tilespmem:s30+$0x10]  }
0x290: {  	v8 =	vcvt.f32.s32 v8;
	v12 =	vsub.f32 v12, v3;
	[tilespmem:v11+s16+$0x0] =	vst.idx.add.f32.msk $0xffff, v1  }
0x291: {  	v11 =	vld [tilespmem:s31+$0x10]  }
0x292: {  	v10 =	vsub.f32 v10, v3;
	vm15 =	vlt.s32 v8, $0x1FFF;
	v12 =	vmul.f32 v12, v2  }
0x293: {  	v8 =	vnsel vm15, $0x1FFF, v8  }
0x294: {  	v10 =	vmul.f32 v10, v2;
	v12 =	vtrunc.f32 v12;
	v9 =	vsub.f32 v9, v3  }
0x295: {  	v12 =	vcvt.f32.s32 v12  }
0x296: {  	[tilespmem:v7+s16+$0x0] =	vst.idx.add.f32.msk $0xffff, v1;
	v7 =	vtrunc.f32 v10;
	v9 =	vmul.f32 v9, v2;
	v10 =	vsub.f32 v11, v3  }
0x297: {  	v7 =	vcvt.f32.s32 v7;
	vm4 =	vlt.s32 v12, $0x1FFF;
	v11 =	vld [tilespmem:s25+$0x20]  }
0x298: {  	[tilespmem:v8+s16+$0x0] =	vst.idx.add.f32.msk $0xffff, v1;
	v8 =	vnsel vm4, $0x1FFF, v12;
	v9 =	vtrunc.f32 v9;
	v10 =	vmul.f32 v10, v2  }
0x299: {  	vm5 =	vlt.s32 v7, $0x1FFF;
	v12 =	vld [tilespmem:s26+$0x20];
	v9 =	vcvt.f32.s32 v9  }
0x29a: {  	v7 =	vnsel vm5, $0x1FFF, v7;
	v10 =	vtrunc.f32 v10  }
0x29b: {  	vm6 =	vlt.s32 v9, $0x1FFF;
	v10 =	vcvt.f32.s32 v10  }
0x29c: {  	v9 =	vnsel vm6, $0x1FFF, v9;
	v11 =	vsub.f32 v11, v3  }
0x29d: {  	[tilespmem:v8+s16+$0x0] =	vst.idx.add.f32.msk $0xffff, v1;
	vm7 =	vlt.s32 v10, $0x1FFF  }
0x29e: {  	v8 =	vmul.f32 v11, v2;
	v11 =	vsub.f32 v12, v3;
	v12 =	vld [tilespmem:s28+$0x20];
	v10 =	vnsel vm7, $0x1FFF, v10  }
0x29f: {  	[tilespmem:v7+s16+$0x0] =	vst.idx.add.f32.msk $0xffff, v1  }
0x2a0: {  	v7 =	vtrunc.f32 v8;
	v8 =	vmul.f32 v11, v2;
	v11 =	vld [tilespmem:s29+$0x20]  }
0x2a1: {  	[tilespmem:v9+s16+$0x0] =	vst.idx.add.f32.msk $0xffff, v1;
	v7 =	vcvt.f32.s32 v7  }
0x2a2: {  	v9 =	vld [tilespmem:s30+$0x20];
	v8 =	vtrunc.f32 v8  }
0x2a3: {  	vm8 =	vlt.s32 v7, $0x1FFF;
	v8 =	vcvt.f32.s32 v8;
	v12 =	vsub.f32 v12, v3;
	[tilespmem:v10+s16+$0x0] =	vst.idx.add.f32.msk $0xffff, v1  }
0x2a4: {  	v7 =	vnsel vm8, $0x1FFF, v7;
	v10 =	vld [tilespmem:s31+$0x20]  }
0x2a5: {  	vm9 =	vlt.s32 v8, $0x1FFF;
	v12 =	vmul.f32 v12, v2;
	v11 =	vsub.f32 v11, v3  }
0x2a6: {  	v8 =	vnsel vm9, $0x1FFF, v8  }
0x2a7: {  	v9 =	vsub.f32 v9, v3;
	v12 =	vtrunc.f32 v12;
	v11 =	vmul.f32 v11, v2  }
0x2a8: {  	v12 =	vcvt.f32.s32 v12  }
0x2a9: {  	v9 =	vmul.f32 v9, v2;
	[tilespmem:v7+s16+$0x0] =	vst.idx.add.f32.msk $0xffff, v1;
	v7 =	vtrunc.f32 v11;
	v10 =	vsub.f32 v10, v3  }
0x2aa: {  	v6 =	vnsel vm0, $0x1FFF, v6;
	v11 =	vld [tilespmem:s25+$0x30];
	vm10 =	vlt.s32 v12, $0x1FFF;
	v7 =	vcvt.f32.s32 v7  }
0x2ab: {  	v9 =	vtrunc.f32 v9;
	[tilespmem:v8+s16+$0x0] =	vst.idx.add.f32.msk $0xffff, v1;
	v8 =	vnsel vm10, $0x1FFF, v12;
	v10 =	vmul.f32 v10, v2  }
0x2ac: {  	v9 =	vcvt.f32.s32 v9;
	v12 =	vld [tilespmem:s26+$0x30];
	vm11 =	vlt.s32 v7, $0x1FFF  }
0x2ad: {  	v7 =	vnsel vm11, $0x1FFF, v7;
	v10 =	vtrunc.f32 v10  }
0x2ae: {  	vm12 =	vlt.s32 v9, $0x1FFF;
	v10 =	vcvt.f32.s32 v10  }
0x2af: {  	[tilespmem:v6+s16+$0x0] =	vst.idx.add.f32.msk $0xffff, v1;
	v9 =	vnsel vm12, $0x1FFF, v9;
	v6 =	vsub.f32 v11, v3  }
0x2b0: {  	[tilespmem:v8+s16+$0x0] =	vst.idx.add.f32.msk $0xffff, v1;
	vm13 =	vlt.s32 v10, $0x1FFF  }
0x2b1: {  	v6 =	vmul.f32 v6, v2;
	v8 =	vsub.f32 v12, v3;
	v11 =	vld [tilespmem:s28+$0x30];
	v10 =	vnsel vm13, $0x1FFF, v10  }
0x2b2: {  	[tilespmem:v7+s16+$0x0] =	vst.idx.add.f32.msk $0xffff, v1  }
0x2b3: {  	v6 =	vtrunc.f32 v6;
	v7 =	vmul.f32 v8, v2;
	v8 =	vld [tilespmem:s29+$0x30]  }
0x2b4: {  	[tilespmem:v9+s16+$0x0] =	vst.idx.add.f32.msk $0xffff, v1;
	v6 =	vcvt.f32.s32 v6  }
0x2b5: {  	v9 =	vld [tilespmem:s30+$0x30];
	v7 =	vtrunc.f32 v7  }
0x2b6: {  	vm14 =	vlt.s32 v6, $0x1FFF;
	v7 =	vcvt.f32.s32 v7;
	v11 =	vsub.f32 v11, v3;
	[tilespmem:v10+s16+$0x0] =	vst.idx.add.f32.msk $0xffff, v1  }
0x2b7: {  	v6 =	vnsel vm14, $0x1FFF, v6;
	v10 =	vld [tilespmem:s31+$0x30]  }
0x2b8: {  	v12 =	vld [tilespmem:s24+$0x40];
	vm15 =	vlt.s32 v7, $0x1FFF;
	v11 =	vmul.f32 v11, v2;
	v8 =	vsub.f32 v8, v3  }
0x2b9: {  	v7 =	vnsel vm15, $0x1FFF, v7  }
0x2ba: {  	v9 =	vsub.f32 v9, v3;
	v11 =	vtrunc.f32 v11;
	v8 =	vmul.f32 v8, v2  }
0x2bb: {  	v11 =	vcvt.f32.s32 v11  }
0x2bc: {  	[tilespmem:v6+s16+$0x0] =	vst.idx.add.f32.msk $0xffff, v1;
	v6 =	vtrunc.f32 v8;
	v8 =	vmul.f32 v9, v2;
	v9 =	vsub.f32 v10, v3  }
0x2bd: {  	v10 =	vsub.f32 v12, v3;
	v12 =	vld [tilespmem:s25+$0x40];
	vm4 =	vlt.s32 v11, $0x1FFF;
	v6 =	vcvt.f32.s32 v6  }
0x2be: {  	[tilespmem:v7+s16+$0x0] =	vst.idx.add.f32.msk $0xffff, v1;
	v7 =	vnsel vm4, $0x1FFF, v11;
	v8 =	vtrunc.f32 v8;
	v9 =	vmul.f32 v9, v2  }
0x2bf: {  	v11 =	vld [tilespmem:s26+$0x40];
	vm5 =	vlt.s32 v6, $0x1FFF;
	v8 =	vcvt.f32.s32 v8  }
0x2c0: {  	v10 =	vmul.f32 v10, v2;
	v6 =	vnsel vm5, $0x1FFF, v6;
	v9 =	vtrunc.f32 v9  }
0x2c1: {  	vm6 =	vlt.s32 v8, $0x1FFF;
	v9 =	vcvt.f32.s32 v9  }
0x2c2: {  	v10 =	vtrunc.f32 v10;
	v12 =	vsub.f32 v12, v3;
	v8 =	vnsel vm6, $0x1FFF, v8  }
0x2c3: {  	v10 =	vcvt.f32.s32 v10;
	[tilespmem:v7+s16+$0x0] =	vst.idx.add.f32.msk $0xffff, v1;
	vm7 =	vlt.s32 v9, $0x1FFF  }
0x2c4: {  	v7 =	vmul.f32 v12, v2;
	v11 =	vsub.f32 v11, v3;
	v12 =	vld [tilespmem:s28+$0x40];
	v9 =	vnsel vm7, $0x1FFF, v9  }
0x2c5: {  	[tilespmem:v6+s16+$0x0] =	vst.idx.add.f32.msk $0xffff, v1  }
0x2c6: {  	vm8 =	vlt.s32 v10, $0x1FFF;
	v6 =	vtrunc.f32 v7;
	v7 =	vmul.f32 v11, v2;
	v11 =	vld [tilespmem:s29+$0x40]  }
0x2c7: {  	v10 =	vnsel vm8, $0x1FFF, v10;
	v6 =	vcvt.f32.s32 v6;
	[tilespmem:v8+s16+$0x0] =	vst.idx.add.f32.msk $0xffff, v1  }
0x2c8: {  	v7 =	vtrunc.f32 v7;
	v8 =	vld [tilespmem:s30+$0x40]  }
0x2c9: {  	vm9 =	vlt.s32 v6, $0x1FFF;
	v7 =	vcvt.f32.s32 v7;
	v12 =	vsub.f32 v12, v3;
	[tilespmem:v9+s16+$0x0] =	vst.idx.add.f32.msk $0xffff, v1  }
0x2ca: {  	v6 =	vnsel vm9, $0x1FFF, v6;
	v9 =	vld [tilespmem:s31+$0x40]  }
0x2cb: {  	vm10 =	vlt.s32 v7, $0x1FFF;
	v12 =	vmul.f32 v12, v2;
	v11 =	vsub.f32 v11, v3  }
0x2cc: {  	[tilespmem:v10+s16+$0x0] =	vst.idx.add.f32.msk $0xffff, v1;
	v7 =	vnsel vm10, $0x1FFF, v7  }
0x2cd: {  	v10 =	vld [tilespmem:s24+$0x50];
	v12 =	vtrunc.f32 v12;
	v11 =	vmul.f32 v11, v2;
	v8 =	vsub.f32 v8, v3  }
0x2ce: {  	v12 =	vcvt.f32.s32 v12  }
0x2cf: {  	[tilespmem:v6+s16+$0x0] =	vst.idx.add.f32.msk $0xffff, v1;
	v6 =	vtrunc.f32 v11;
	v8 =	vmul.f32 v8, v2;
	v9 =	vsub.f32 v9, v3  }
0x2d0: {  	v11 =	vld [tilespmem:s25+$0x50];
	vm11 =	vlt.s32 v12, $0x1FFF;
	v6 =	vcvt.f32.s32 v6  }
0x2d1: {  	[tilespmem:v7+s16+$0x0] =	vst.idx.add.f32.msk $0xffff, v1;
	v7 =	vnsel vm11, $0x1FFF, v12;
	v8 =	vtrunc.f32 v8;
	v9 =	vmul.f32 v9, v2  }
0x2d2: {  	v10 =	vsub.f32 v10, v3;
	v12 =	vld [tilespmem:s26+$0x50];
	vm12 =	vlt.s32 v6, $0x1FFF;
	v8 =	vcvt.f32.s32 v8  }
0x2d3: {  	v6 =	vnsel vm12, $0x1FFF, v6;
	v9 =	vtrunc.f32 v9  }
0x2d4: {  	v10 =	vmul.f32 v10, v2;
	vm13 =	vlt.s32 v8, $0x1FFF;
	v9 =	vcvt.f32.s32 v9  }
0x2d5: {  	v11 =	vsub.f32 v11, v3;
	v8 =	vnsel vm13, $0x1FFF, v8  }
0x2d6: {  	v10 =	vtrunc.f32 v10;
	[tilespmem:v7+s16+$0x0] =	vst.idx.add.f32.msk $0xffff, v1;
	vm14 =	vlt.s32 v9, $0x1FFF  }
0x2d7: {  	v7 =	vmul.f32 v11, v2;
	v11 =	vsub.f32 v12, v3;
	v12 =	vld [tilespmem:s28+$0x50];
	v9 =	vnsel vm14, $0x1FFF, v9  }
0x2d8: {  	v10 =	vcvt.f32.s32 v10;
	[tilespmem:v6+s16+$0x0] =	vst.idx.add.f32.msk $0xffff, v1  }
0x2d9: {  	vm15 =	vlt.s32 v5, $0x1FFF;
	v6 =	vtrunc.f32 v7;
	v7 =	vmul.f32 v11, v2;
	v11 =	vld [tilespmem:s29+$0x50]  }
0x2da: {  	v5 =	vnsel vm15, $0x1FFF, v5;
	vm4 =	vlt.s32 v10, $0x1FFF;
	v6 =	vcvt.f32.s32 v6;
	[tilespmem:v8+s16+$0x0] =	vst.idx.add.f32.msk $0xffff, v1  }
0x2db: {  	v8 =	vnsel vm4, $0x1FFF, v10;
	v7 =	vtrunc.f32 v7;
	v10 =	vld [tilespmem:s30+$0x50]  }
0x2dc: {  	vm5 =	vlt.s32 v6, $0x1FFF;
	v7 =	vcvt.f32.s32 v7;
	v12 =	vsub.f32 v12, v3;
	[tilespmem:v9+s16+$0x0] =	vst.idx.add.f32.msk $0xffff, v1  }
0x2dd: {  	v6 =	vnsel vm5, $0x1FFF, v6;
	v9 =	vld [tilespmem:s31+$0x50]  }
0x2de: {  	vm6 =	vlt.s32 v7, $0x1FFF;
	v12 =	vmul.f32 v12, v2;
	v11 =	vsub.f32 v11, v3  }
0x2df: {  	[tilespmem:v5+s16+$0x0] =	vst.idx.add.f32.msk $0xffff, v1;
	v5 =	vnsel vm6, $0x1FFF, v7  }
0x2e0: {  	v7 =	vld [tilespmem:s23+$0x60];
	v12 =	vtrunc.f32 v12;
	v11 =	vmul.f32 v11, v2;
	v10 =	vsub.f32 v10, v3  }
0x2e1: {  	[tilespmem:v8+s16+$0x0] =	vst.idx.add.f32.msk $0xffff, v1;
	v8 =	vcvt.f32.s32 v12  }
0x2e2: {  	v12 =	vld [tilespmem:s24+$0x60];
	v11 =	vtrunc.f32 v11;
	v10 =	vmul.f32 v10, v2;
	v9 =	vsub.f32 v9, v3  }
0x2e3: {  	[tilespmem:v6+s16+$0x0] =	vst.idx.add.f32.msk $0xffff, v1;
	vm7 =	vlt.s32 v8, $0x1FFF;
	v6 =	vcvt.f32.s32 v11  }
0x2e4: {  	v11 =	vld [tilespmem:s25+$0x60];
	v8 =	vnsel vm7, $0x1FFF, v8;
	v10 =	vtrunc.f32 v10;
	v9 =	vmul.f32 v9, v2  }
0x2e5: {  	[tilespmem:v5+s16+$0x0] =	vst.idx.add.f32.msk $0xffff, v1;
	vm8 =	vlt.s32 v6, $0x1FFF;
	v5 =	vcvt.f32.s32 v10  }
0x2e6: {  	v7 =	vsub.f32 v7, v3;
	v10 =	vld [tilespmem:s26+$0x60];
	v6 =	vnsel vm8, $0x1FFF, v6;
	v9 =	vtrunc.f32 v9  }
0x2e7: {  	v12 =	vsub.f32 v12, v3;
	vm9 =	vlt.s32 v5, $0x1FFF;
	v9 =	vcvt.f32.s32 v9  }
0x2e8: {  	v7 =	vmul.f32 v7, v2;
	v5 =	vnsel vm9, $0x1FFF, v5  }
0x2e9: {  	v12 =	vmul.f32 v12, v2;
	[tilespmem:v8+s16+$0x0] =	vst.idx.add.f32.msk $0xffff, v1;
	vm10 =	vlt.s32 v9, $0x1FFF  }
0x2ea: {  	v7 =	vtrunc.f32 v7;
	v8 =	vsub.f32 v11, v3;
	v11 =	vld [tilespmem:s28+$0x60];
	v9 =	vnsel vm10, $0x1FFF, v9  }
0x2eb: {  	v7 =	vcvt.f32.s32 v7;
	v12 =	vtrunc.f32 v12;
	v10 =	vsub.f32 v10, v3;
	[tilespmem:v6+s16+$0x0] =	vst.idx.add.f32.msk $0xffff, v1  }
0x2ec: {  	v6 =	vcvt.f32.s32 v12;
	v8 =	vmul.f32 v8, v2;
	v12 =	vld [tilespmem:s29+$0x60]  }
0x2ed: {  	vm11 =	vlt.s32 v7, $0x1FFF;
	v10 =	vmul.f32 v10, v2;
	[tilespmem:v5+s16+$0x0] =	vst.idx.add.f32.msk $0xffff, v1  }
0x2ee: {  	v5 =	vnsel vm11, $0x1FFF, v7;
	vm12 =	vlt.s32 v6, $0x1FFF;
	v7 =	vtrunc.f32 v8;
	v8 =	vld [tilespmem:s30+$0x60]  }
0x2ef: {  	v7 =	vcvt.f32.s32 v7;
	v10 =	vtrunc.f32 v10;
	v11 =	vsub.f32 v11, v3;
	[tilespmem:v9+s16+$0x0] =	vst.idx.add.f32.msk $0xffff, v1  }
0x2f0: {  	v6 =	vnsel vm12, $0x1FFF, v6;
	v9 =	vcvt.f32.s32 v10;
	v10 =	vld [tilespmem:s31+$0x60]  }
0x2f1: {  	vm13 =	vlt.s32 v7, $0x1FFF;
	v11 =	vmul.f32 v11, v2;
	v12 =	vsub.f32 v12, v3  }
0x2f2: {  	v7 =	vnsel vm13, $0x1FFF, v7;
	vm14 =	vlt.s32 v9, $0x1FFF  }
0x2f3: {  	v11 =	vtrunc.f32 v11;
	v12 =	vmul.f32 v12, v2;
	v8 =	vsub.f32 v8, v3  }
0x2f4: {  	[tilespmem:v5+s16+$0x0] =	vst.idx.add.f32.msk $0xffff, v1;
	v5 =	vnsel vm14, $0x1FFF, v9;
	v9 =	vcvt.f32.s32 v11  }
0x2f5: {  	[tilespmem:v6+s16+$0x0] =	vst.idx.add.f32.msk $0xffff, v1;
	v12 =	vtrunc.f32 v12;
	v8 =	vmul.f32 v8, v2;
	v10 =	vsub.f32 v10, v3  }
0x2f6: {  	v11 =	vld [tilespmem:s23+$0x70];
	vm15 =	vlt.s32 v9, $0x1FFF;
	v6 =	vcvt.f32.s32 v12  }
0x2f7: {  	v12 =	vld [tilespmem:s24+$0x70];
	v9 =	vnsel vm15, $0x1FFF, v9;
	v8 =	vtrunc.f32 v8;
	v10 =	vmul.f32 v10, v2  }
0x2f8: {  	[tilespmem:v7+s16+$0x0] =	vst.idx.add.f32.msk $0xffff, v1;
	vm4 =	vlt.s32 v6, $0x1FFF;
	v7 =	vcvt.f32.s32 v8  }
0x2f9: {  	v8 =	vld [tilespmem:s25+$0x70];
	v6 =	vnsel vm4, $0x1FFF, v6;
	v10 =	vtrunc.f32 v10  }
0x2fa: {  	[tilespmem:v5+s16+$0x0] =	vst.idx.add.f32.msk $0xffff, v1;
	vm5 =	vlt.s32 v7, $0x1FFF;
	v5 =	vcvt.f32.s32 v10  }
0x2fb: {  	v11 =	vsub.f32 v11, v3;
	v10 =	vld [tilespmem:s26+$0x70];
	v7 =	vnsel vm5, $0x1FFF, v7  }
0x2fc: {  	v12 =	vsub.f32 v12, v3;
	[tilespmem:v9+s16+$0x0] =	vst.idx.add.f32.msk $0xffff, v1;
	vm6 =	vlt.s32 v5, $0x1FFF  }
0x2fd: {  	v11 =	vmul.f32 v11, v2;
	v9 =	vld [tilespmem:s28+$0x70];
	v5 =	vnsel vm6, $0x1FFF, v5  }
0x2fe: {  	v4 =	vtrunc.f32 v4;
	v12 =	vmul.f32 v12, v2;
	v8 =	vsub.f32 v8, v3;
	[tilespmem:v6+s16+$0x0] =	vst.idx.add.f32.msk $0xffff, v1  }
0x2ff: {  	v4 =	vcvt.f32.s32 v4;
	v11 =	vtrunc.f32 v11;
	v6 =	vld [tilespmem:s29+$0x70]  }
0x300: {  	v12 =	vtrunc.f32 v12;
	v8 =	vmul.f32 v8, v2;
	[tilespmem:v7+s16+$0x0] =	vst.idx.add.f32.msk $0xffff, v1  }
0x301: {  	v7 =	vcvt.f32.s32 v11;
	v11 =	vcvt.f32.s32 v12;
	v12 =	vld [tilespmem:s30+$0x70]  }
0x302: {  	vm7 =	vlt.s32 v4, $0x1FFF;
	v10 =	vsub.f32 v10, v3;
	[tilespmem:v5+s16+$0x0] =	vst.idx.add.f32.msk $0xffff, v1  }
0x303: {  	v4 =	vnsel vm7, $0x1FFF, v4;
	v8 =	vtrunc.f32 v8;
	vm8 =	vlt.s32 v7, $0x1FFF;
	v5 =	vld [tilespmem:s31+$0x70]  }
0x304: {  	vm9 =	vlt.s32 v11, $0x1FFF;
	v10 =	vmul.f32 v10, v2;
	v9 =	vsub.f32 v9, v3  }
0x305: {  	v8 =	vcvt.f32.s32 v8;
	v7 =	vnsel vm8, $0x1FFF, v7;
	v11 =	vnsel vm9, $0x1FFF, v11  }
0x306: {  	v10 =	vtrunc.f32 v10;
	v9 =	vmul.f32 v9, v2;
	v6 =	vsub.f32 v6, v3  }
0x307: {  	vm10 =	vlt.s32 v8, $0x1FFF;
	v10 =	vcvt.f32.s32 v10;
	v12 =	vsub.f32 v12, v3  }
0x308: {  	v9 =	vtrunc.f32 v9;
	v6 =	vmul.f32 v6, v2;
	v3 =	vsub.f32 v5, v3  }
0x309: {  	v5 =	vnsel vm10, $0x1FFF, v8;
	v8 =	vcvt.f32.s32 v9;
	v9 =	vmul.f32 v12, v2  }
0x30a: {  	vm11 =	vlt.s32 v10, $0x1FFF;
	v6 =	vtrunc.f32 v6;
	v2 =	vmul.f32 v3, v2  }
0x30b: {  	v6 =	vcvt.f32.s32 v6;
	v3 =	vnsel vm11, $0x1FFF, v10;
	v9 =	vtrunc.f32 v9  }
0x30c: {  	vm12 =	vlt.s32 v8, $0x1FFF;
	v9 =	vcvt.f32.s32 v9;
	v2 =	vtrunc.f32 v2  }
0x30d: {  	[tilespmem:v4+s16+$0x0] =	vst.idx.add.f32.msk $0xffff, v1;
	vm13 =	vlt.s32 v6, $0x1FFF;
	v4 =	vnsel vm12, $0x1FFF, v8;
	v2 =	vcvt.f32.s32 v2  }
0x30e: {  	[tilespmem:v7+s16+$0x0] =	vst.idx.add.f32.msk $0xffff, v1;
	v6 =	vnsel vm13, $0x1FFF, v6;
	vm14 =	vlt.s32 v9, $0x1FFF  }
0x30f: {  	[tilespmem:v11+s16+$0x0] =	vst.idx.add.f32.msk $0xffff, v1;
	v7 =	vnsel vm14, $0x1FFF, v9;
	vm15 =	vlt.s32 v2, $0x1FFF  }
0x310: {  	[tilespmem:v5+s16+$0x0] =	vst.idx.add.f32.msk $0xffff, v1;
	v2 =	vnsel vm15, $0x1FFF, v2  }
0x311: {  	[tilespmem:v3+s16+$0x0] =	vst.idx.add.f32.msk $0xffff, v1  }
0x312: {  	[tilespmem:v4+s16+$0x0] =	vst.idx.add.f32.msk $0xffff, v1  }
0x313: {  	[tilespmem:v6+s16+$0x0] =	vst.idx.add.f32.msk $0xffff, v1  }
0x314: {  	[tilespmem:v7+s16+$0x0] =	vst.idx.add.f32.msk $0xffff, v1  }
0x315: {  	[tilespmem:v2+s16+$0x0] =	vst.idx.add.f32.msk $0xffff, v1  }
0x316: {  	v2 =	vld [tilespmem:s1+$0x30]  }
0x317: {  	v4 =	vld [tilespmem:s1+$0xFFFFFFD0]  }
0x318: {  	v6 =	vld [tilespmem:s1+$0xFFFFFFE0]  }
0x319: {  	v11 =	vld [tilespmem:s1+$0xFFFFFFF0]  }
0x31a: {  	v9 =	vld [tilespmem:s1+$0x0]  }
0x31b: {  	v13 =	vimm.f32 $-Inf;
	v3 =	vimm.f32 $-Inf;
	v7 =	vld [tilespmem:s1+$0x10]  }
0x31c: {  	v10 =	vimm.f32 $-Inf;
	v8 =	vimm.f32 $-Inf;
	v12 =	vld [tilespmem:s1+$0x20];
	v2 =	vmax.f32 v3, v2  }
0x31d: {  	s0 =	simm.s32 $0x0;
	v14 =	vld [tilespmem:s1+$0xFFFFFFC0];
	s1 =	simm.s32 $0x54C0;
	v5 =	vmax.f32 v3, v4;
	v6 =	vmax.f32 v3, v6;
	v4 =	vimm.f32 $-Inf  }
.LBB2_15:
0x31e: {  	v15 =	vld [tilespmem:s1+$0x30];
	s0 =	sadd.s32 $0x80, s0;
	v3 =	vmax.f32 v3, v11  }
0x31f: {  	v16 =	vld [tilespmem:s1+$0xFFFFFFD0];
	p2 =	slt.u32 s0, $0x1F80;
	v4 =	vmax.f32 v4, v9  }
0x320: {  	v17 =	vld [tilespmem:s1+$0xFFFFFFE0];
	v10 =	vmax.f32 v10, v7  }
.Ltmp6:
0x321: {  	v11 =	vld [tilespmem:s1+$0xFFFFFFF0];
	v8 =	vmax.f32 v8, v12;
	(pc) =	sbr.rel @p2 .LBB2_15-.Ltmp6, $4  }
0x322: {  	v9 =	vld [tilespmem:s1+$0x0];
	v13 =	vmax.f32 v13, v14  }
0x323: {  	v7 =	vld [tilespmem:s1+$0x10];
	v2 =	vmax.f32 v2, v15  }
0x324: {  	v5 =	vmax.f32 v5, v16;
	v12 =	vld [tilespmem:s1+$0x20]  }
0x325: {  	v14 =	vld [tilespmem:s1+$0xFFFFFFC0];
	v6 =	vmax.f32 v6, v17;
	s1 =	sadd.s32 $0x80, s1  }
0x326: {  	_ =	sdelay $0x3  }
0x327: {  	v13 =	vmax.f32 v13, v14  }
0x328: {  	v5 =	vmax.f32 v13, v5  }
0x329: {  	v3 =	vmax.f32 v3, v11;
	v5 =	vmax.f32 v5, v6  }
0x32a: {  	v4 =	vmax.f32 v4, v9;
	v3 =	vmax.f32 v5, v3  }
0x32b: {  	v5 =	vmax.f32 v10, v7;
	v3 =	vmax.f32 v3, v4  }
0x32c: {  	v4 =	vmax.f32 v8, v12;
	v3 =	vmax.f32 v3, v5  }
0x32d: {  	v3 =	vmax.f32 v3, v4  }
0x32e: {  	v2 =	vmax.f32 v3, v2  }
0x32f: {  	(v2sf) =	vpush v2, $0x0  }
0x330: {  	(v2sf) =	vpush v2, $0x1  }
0x331: {  	(v2sf) =	vpush v2, $0x2  }
0x332: {  	(v2sf) =	vpush v2, $0x3  }
0x333: {  	(v2sf) =	vpush v2, $0x4  }
0x334: {  	(v2sf) =	vpush v2, $0x5  }
0x335: {  	(v2sf) =	vpush v2, $0x6  }
0x336: {  	(v2sf) =	vpush v2, $0x7  }
0x337: {  	(v2sf) =	vpush v2, $0x8  }
0x338: {  	(v2sf) =	vpush v2, $0x9  }
0x339: {  	(v2sf) =	vpush v2, $0xA  }
0x33a: {  	(v2sf) =	vpush v2, $0xB  }
0x33b: {  	(v2sf) =	vpush v2, $0xC  }
0x33c: {  	(v2sf) =	vpush v2, $0xD  }
0x33d: {  	(v2sf) =	vpush v2, $0xE  }
0x33e: {  	s0 =	spop (v2sf);
	(v2sf) =	vpush v2, $0xF  }
0x33f: {  	s1 =	spop (v2sf)  }
0x340: {  	s2 =	spop (v2sf);
	s0 =	smax.f32 s0, s1  }
0x341: {  	s13 =	spop (v2sf);
	s0 =	smax.f32 s0, s2  }
0x342: {  	s14 =	spop (v2sf);
	s0 =	smax.f32 s0, s13  }
0x343: {  	s18 =	spop (v2sf);
	s0 =	smax.f32 s0, s14  }
0x344: {  	s22 =	spop (v2sf);
	s0 =	smax.f32 s0, s18  }
0x345: {  	s23 =	spop (v2sf);
	s0 =	smax.f32 s0, s22  }
0x346: {  	s24 =	spop (v2sf);
	s0 =	smax.f32 s0, s23  }
0x347: {  	s25 =	spop (v2sf);
	s0 =	smax.f32 s0, s24  }
0x348: {  	s26 =	spop (v2sf);
	s0 =	smax.f32 s0, s25  }
0x349: {  	s28 =	spop (v2sf);
	s0 =	smax.f32 s0, s26  }
0x34a: {  	s29 =	spop (v2sf);
	s1 =	smax.f32 s0, s28;
	s0 =	simm.s32 $0x5440  }
0x34b: {  	s6 =	spop (v2sf);
	s1 =	smax.f32 s1, s29;
	v3 =	vld [tilespmem:s0+$0x30]  }
0x34c: {  	s30 =	spop (v2sf);
	s1 =	smax.f32 s1, s6  }
0x34d: {  	v4 =	vld [tilespmem:s0+$0xFFFFFFD0];
	s1 =	smax.f32 s1, s30;
	s31 =	spop (v2sf)  }
0x34e: {  	v5 =	vld [tilespmem:s0+$0xFFFFFFE0];
	s1 =	smax.f32 s1, s31  }
0x34f: {  	v6 =	vld [tilespmem:s0+$0xFFFFFFF0];
	v2 =	vmov s1  }
0x350: {  	v7 =	vld [tilespmem:s0+$0x0];
	v3 =	vsub.f32 v3, v2  }
0x351: {  	v8 =	vld [tilespmem:s0+$0x10]  }
0x352: {  	v9 =	vld [tilespmem:s0+$0x20];
	v4 =	vsub.f32 v4, v2;
	v3 =	vmul.f32 $1.442695020e+00, v3  }
0x353: {  	v10 =	vld [tilespmem:s0+$0xFFFFFFC0];
	s1 =	simm.s32 $0x54C0;
	v5 =	vsub.f32 v5, v2  }
0x354: {  	v11 =	vld [tilespmem:s1+$0xFFFFFFE0];
	(erf) = vpow2.f32 v3;
	v3 =	vmul.f32 $1.442695020e+00, v4;
	v4 =	vsub.f32 v6, v2  }
0x355: {  	v5 =	vmul.f32 $1.442695020e+00, v5;
	v6 =	vsub.f32 v7, v2;
	v7 =	vld [tilespmem:s1+$0x30]  }
0x356: {  	v8 =	vsub.f32 v8, v2;
	v4 =	vmul.f32 $1.442695020e+00, v4;
	(erf) = vpow2.f32 v3;
	v3 =	vld [tilespmem:s1+$0xFFFFFFD0]  }
0x357: {  	v9 =	vsub.f32 v9, v2;
	v6 =	vmul.f32 $1.442695020e+00, v6;
	(erf) = vpow2.f32 v5  }
0x358: {  	v8 =	vmul.f32 $1.442695020e+00, v8;
	v5 =	vsub.f32 v10, v2;
	(erf) = vpow2.f32 v4;
	v4 =	vld [tilespmem:s1+$0xFFFFFFF0]  }
0x359: {  	v9 =	vmul.f32 $1.442695020e+00, v9;
	(erf) = vpow2.f32 v6  }
0x35a: {  	v6 =	vld [tilespmem:s1+$0x0];
	v10 =	vmul.f32 $1.442695020e+00, v5;
	v7 =	vsub.f32 v7, v2;
	(erf) = vpow2.f32 v8  }
0x35b: {  	v8 =	vld [tilespmem:s1+$0x10];
	(erf) = vpow2.f32 v9;
	v3 =	vsub.f32 v3, v2;
	v9 =	vsub.f32 v11, v2  }
0x35c: {  	v5 =	vimm.f32 $0.0e+00;
	v7 =	vmul.f32 $1.442695020e+00, v7;
	(erf) = vpow2.f32 v10  }
0x35d: {  	v14 =	vld [tilespmem:s1+$0x20];
	v11 =	vmul.f32 $1.442695020e+00, v3;
	v4 =	vsub.f32 v4, v2;
	v16 =	vmul.f32 $1.442695020e+00, v9  }
0x35e: {  	v15 =	vld [tilespmem:s1+$0xFFFFFFC0];
	v10 =	vpop (erf);
	(erf) = vpow2.f32 v7;
	v7 =	vimm.f32 $0.0e+00;
	v9 =	vimm.f32 $0.0e+00  }
0x35f: {  	v3 =	vadd.f32 v10, v5;
	v19 =	vsub.f32 v6, v2;
	[tilespmem:s0+$0x30] =	vst v10;
	v6 =	vimm.f32 $0.0e+00;
	v13 =	vpop (erf)  }
0x360: {  	v10 =	vimm.f32 $0.0e+00;
	v17 =	vmul.f32 $1.442695020e+00, v4;
	v18 =	vsub.f32 v8, v2;
	[tilespmem:s0+$0xFFFFFFD0] =	vst v13;
	v12 =	vpop (erf)  }
0x361: {  	s2 =	simm.s32 $0x80;
	s6 =	simm.s32 $0x5540;
	(erf) = vpow2.f32 v11;
	v11 =	vimm.f32 $0.0e+00;
	v8 =	vimm.f32 $0.0e+00;
	[tilespmem:s0+$0xFFFFFFE0] =	vst v12;
	v4 =	vpop (erf)  }
.LBB2_17:
0x362: {  	v20 =	vld [tilespmem:s6+$0x30];
	s2 =	sadd.s32 $0x80, s2;
	v19 =	vmul.f32 $1.442695020e+00, v19;
	v14 =	vsub.f32 v14, v2;
	(erf) = vpow2.f32 v16;
	[tilespmem:s0+$0xFFFFFFF0] =	vst v4;
	v16 =	vpop (erf)  }
0x363: {  	v21 =	vld [tilespmem:s6+$0xFFFFFFD0];
	p2 =	slt.u32 s2, $0x1F80;
	v15 =	vsub.f32 v15, v2;
	v18 =	vmul.f32 $1.442695020e+00, v18;
	(erf) = vpow2.f32 v17;
	[tilespmem:s0+$0x0] =	vst v16;
	v17 =	vpop (erf)  }
0x364: {  	v5 =	vadd.f32 v13, v5;
	v22 =	vld [tilespmem:s6+$0xFFFFFFE0];
	v14 =	vmul.f32 $1.442695020e+00, v14;
	(erf) = vpow2.f32 v19;
	[tilespmem:s0+$0x10] =	vst v17;
	v13 =	vpop (erf)  }
0x365: {  	v6 =	vadd.f32 v12, v6;
	v19 =	vld [tilespmem:s6+$0xFFFFFFF0];
	v15 =	vmul.f32 $1.442695020e+00, v15;
	(erf) = vpow2.f32 v18;
	[tilespmem:s0+$0x20] =	vst v13;
	v12 =	vpop (erf)  }
0x366: {  	v7 =	vadd.f32 v4, v7;
	v18 =	vld [tilespmem:s6+$0x0];
	(erf) = vpow2.f32 v14;
	[tilespmem:s0+$0xFFFFFFC0] =	vst v12;
	v11 =	vadd.f32 v12, v11;
	s0 =	smov.u32 s1;
	s1 =	smov.u32 s6  }
0x367: {  	v10 =	vadd.f32 v16, v10;
	v4 =	vld [tilespmem:s6+$0x10];
	v12 =	vsub.f32 v20, v2;
	(erf) = vpow2.f32 v15  }
.Ltmp7:
0x368: {  	v9 =	vadd.f32 v17, v9;
	v16 =	vsub.f32 v21, v2;
	v14 =	vld [tilespmem:s6+$0x20];
	(pc) =	sbr.rel @p2 .LBB2_17-.Ltmp7, $4  }
0x369: {  	v8 =	vadd.f32 v13, v8;
	v15 =	vld [tilespmem:s6+$0xFFFFFFC0];
	v17 =	vsub.f32 v22, v2;
	v23 =	vmul.f32 $1.442695020e+00, v12;
	v20 =	vpop (erf)  }
0x36a: {  	v21 =	vmul.f32 $1.442695020e+00, v16;
	v22 =	vsub.f32 v19, v2;
	[tilespmem:s0+$0x30] =	vst v20;
	v3 =	vadd.f32 v20, v3;
	v13 =	vpop (erf)  }
0x36b: {  	v16 =	vmul.f32 $1.442695020e+00, v17;
	v19 =	vsub.f32 v18, v2;
	(erf) = vpow2.f32 v23;
	[tilespmem:s0+$0xFFFFFFD0] =	vst v13;
	v12 =	vpop (erf)  }
0x36c: {  	s6 =	sadd.s32 $0x80, s6;
	v17 =	vmul.f32 $1.442695020e+00, v22;
	v18 =	vsub.f32 v4, v2;
	(erf) = vpow2.f32 v21;
	[tilespmem:s0+$0xFFFFFFE0] =	vst v12;
	v4 =	vpop (erf)  }
0x36d: {  	v19 =	vmul.f32 $1.442695020e+00, v19;
	v14 =	vsub.f32 v14, v2  }
0x36e: {  	(erf) = vpow2.f32 v16;
	v2 =	vsub.f32 v15, v2;
	v15 =	vmul.f32 $1.442695020e+00, v18  }
0x36f: {  	(erf) = vpow2.f32 v17;
	v14 =	vmul.f32 $1.442695020e+00, v14  }
0x370: {  	(erf) = vpow2.f32 v19;
	v2 =	vmul.f32 $1.442695020e+00, v2  }
0x371: {  	v59 =	vpop (erf);
	(erf) = vpow2.f32 v15  }
0x372: {  	v15 =	vpop (erf);
	(erf) = vpow2.f32 v14  }
0x373: {  	v14 =	vpop (erf);
	(erf) = vpow2.f32 v2  }
0x374: {  	v2 =	vpop (erf)  }
0x375: {  	v60 =	vpop (erf)  }
0x376: {  	v61 =	vpop (erf)  }
0x377: {  	v62 =	vpop (erf)  }
0x378: {  	v20 =	vpop (erf)  }
0x379: {  	v21 =	vpop (erf)  }
0x37a: {  	v22 =	vpop (erf)  }
0x37b: {  	v5 =	vadd.f32 v13, v5;
	v11 =	vadd.f32 v2, v11;
	v13 =	vpop (erf)  }
0x37c: {  	v6 =	vadd.f32 v12, v6;
	v23 =	vpop (erf)  }
0x37d: {  	v5 =	vadd.f32 v61, v5;
	v11 =	vadd.f32 v23, v11  }
0x37e: {  	v7 =	vadd.f32 v4, v7  }
0x37f: {  	v6 =	vadd.f32 v62, v6;
	v5 =	vadd.f32 v5, v11;
	_ =	sdelay $0x1  }
0x380: {  	v5 =	vadd.f32 v6, v5;
	v6 =	vadd.f32 v20, v7  }
0x381: {  	v7 =	vadd.f32 v59, v10  }
0x382: {  	v5 =	vadd.f32 v6, v5  }
0x383: {  	v6 =	vadd.f32 v15, v9;
	v7 =	vadd.f32 v21, v7  }
0x384: {  	v8 =	vadd.f32 v14, v8  }
0x385: {  	v6 =	vadd.f32 v22, v6;
	v5 =	vadd.f32 v7, v5;
	_ =	sdelay $0x1  }
0x386: {  	v7 =	vadd.f32 v13, v8;
	v5 =	vadd.f32 v6, v5;
	_ =	sdelay $0x1  }
0x387: {  	v3 =	vadd.f32 v60, v3;
	v5 =	vadd.f32 v7, v5;
	_ =	sdelay $0x1  }
0x388: {  	v3 =	vadd.f32 v3, v5;
	_ =	sdelay $0x1  }
0x389: {  	(v2sf) =	vpush v3, $0x0  }
0x38a: {  	(v2sf) =	vpush v3, $0x1;
	_ =	sdelay $0x1  }
0x38b: {  	(v2sf) =	vpush v3, $0x2;
	_ =	sdelay $0x1  }
0x38c: {  	(v2sf) =	vpush v3, $0x3;
	_ =	sdelay $0x1  }
0x38d: {  	(v2sf) =	vpush v3, $0x4;
	_ =	sdelay $0x1  }
0x38e: {  	(v2sf) =	vpush v3, $0x5;
	_ =	sdelay $0x1  }
0x38f: {  	(v2sf) =	vpush v3, $0x6;
	_ =	sdelay $0x1  }
0x390: {  	(v2sf) =	vpush v3, $0x7;
	_ =	sdelay $0x1  }
0x391: {  	s2 =	spop (v2sf);
	(v2sf) =	vpush v3, $0x8  }
0x392: {  	s6 =	spop (v2sf)  }
0x393: {  	(v2sf) =	vpush v3, $0x9;
	s2 =	sadd.f32 s6, s2  }
0x394: {  	s25 =	spop (v2sf)  }
0x395: {  	(v2sf) =	vpush v3, $0xA;
	s2 =	sadd.f32 s2, s25  }
0x396: {  	s26 =	spop (v2sf)  }
0x397: {  	(v2sf) =	vpush v3, $0xB;
	s2 =	sadd.f32 s2, s26  }
0x398: {  	s7 =	spop (v2sf)  }
0x399: {  	(v2sf) =	vpush v3, $0xC;
	s2 =	sadd.f32 s2, s7  }
0x39a: {  	s8 =	spop (v2sf)  }
0x39b: {  	(v2sf) =	vpush v3, $0xD;
	s2 =	sadd.f32 s2, s8  }
0x39c: {  	s11 =	spop (v2sf)  }
0x39d: {  	(v2sf) =	vpush v3, $0xE;
	s2 =	sadd.f32 s2, s11  }
0x39e: {  	s12 =	spop (v2sf)  }
0x39f: {  	(v2sf) =	vpush v3, $0xF;
	s2 =	sadd.f32 s2, s12  }
0x3a0: {  	s13 =	spop (v2sf)  }
0x3a1: {  	s2 =	sadd.f32 s2, s13  }
0x3a2: {  	s14 =	spop (v2sf)  }
0x3a3: {  	s2 =	sadd.f32 s2, s14  }
0x3a4: {  	s18 =	spop (v2sf)  }
0x3a5: {  	s2 =	sadd.f32 s2, s18  }
0x3a6: {  	s22 =	spop (v2sf)  }
0x3a7: {  	s2 =	sadd.f32 s2, s22  }
0x3a8: {  	s23 =	spop (v2sf)  }
0x3a9: {  	s2 =	sadd.f32 s2, s23  }
0x3aa: {  	[tilespmem:s0+$0xFFFFFFF0] =	vst v4;
	s24 =	spop (v2sf)  }
0x3ab: {  	[tilespmem:s0+$0x0] =	vst v59;
	s2 =	sadd.f32 s2, s24  }
0x3ac: {  	[tilespmem:s0+$0x10] =	vst v15;
	s25 =	spop (v2sf)  }
0x3ad: {  	[tilespmem:s0+$0x20] =	vst v14;
	s2 =	sadd.f32 s2, s25  }
0x3ae: {  	[tilespmem:s0+$0xFFFFFFC0] =	vst v2;
	s26 =	spop (v2sf)  }
0x3af: {  	[tilespmem:s1+$0x30] =	vst v60;
	s0 =	sadd.f32 s2, s26  }
0x3b0: {  	[tilespmem:s1+$0xFFFFFFD0] =	vst v61  }
0x3b1: {  	[tilespmem:s1+$0xFFFFFFE0] =	vst v62;
	v2 =	vmov s0  }
0x3b2: {  	[tilespmem:s1+$0xFFFFFFF0] =	vst v20;
	(erf) = vrcp.f32 v2  }
0x3b3: {  	[tilespmem:s1+$0x0] =	vst v21  }
0x3b4: {  	[tilespmem:s1+$0x10] =	vst v22  }
0x3b5: {  	[tilespmem:s1+$0x20] =	vst v13  }
0x3b6: {  	[tilespmem:s1+$0xFFFFFFC0] =	vst v23;
	s11 =	simm.s32 $0x5440  }
0x3b7: {  	v3 =	vld [tilespmem:s11+$0xFFFFFFC0];
	_ =	sdelay $0x1  }
0x3b8: {  	v4 =	vld [tilespmem:s17+$0xFFFFFFC0];
	_ =	sdelay $0x1  }
0x3b9: {  	v2 =	vpop (erf)  }
0x3ba: {  	v3 =	vmul.f32 v3, v2;
	_ =	sdelay $0x1  }
0x3bb: {  	v4 =	vmul.f32 v3, v4;
	_ =	sdelay $0x1  }
0x3bc: {  	v4 =	vmul.f32 $1.111111160e+00, v4  }
0x3bd: {  	vm0 =	vlt.f32 v3, $9.999999930e-09  }
0x3be: {  	v3 =	vsel vm0, $0x0, v4  }
0x3bf: {  	[tilespmem:s21+$0xFFFFFFC0] =	vst v3  }
0x3c0: {  	v3 =	vld [tilespmem:s11+$0xFFFFFFD0];
	_ =	sdelay $0x1  }
0x3c1: {  	s25 =	simm.s32 $0x54C0;
	v4 =	vld [tilespmem:s17+$0xFFFFFFD0]  }
0x3c2: {  	v5 =	vld [tilespmem:s25+$0xFFFFFFC0]  }
0x3c3: {  	s24 =	sadd.s32 $0x100, s17  }
0x3c4: {  	v6 =	vld [tilespmem:s24+$0xFFFFFFC0];
	v3 =	vmul.f32 v3, v2;
	_ =	sdelay $0x1  }
0x3c5: {  	v4 =	vmul.f32 v3, v4  }
0x3c6: {  	v5 =	vmul.f32 v5, v2  }
0x3c7: {  	v4 =	vmul.f32 $1.111111160e+00, v4  }
0x3c8: {  	v6 =	vmul.f32 v5, v6;
	vm0 =	vlt.f32 v3, $9.999999930e-09  }
0x3c9: {  	v3 =	vsel vm0, $0x0, v4  }
0x3ca: {  	v4 =	vmul.f32 $1.111111160e+00, v6;
	[tilespmem:s21+$0xFFFFFFD0] =	vst v3  }
0x3cb: {  	vm0 =	vlt.f32 v5, $9.999999930e-09;
	v3 =	vld [tilespmem:s11+$0xFFFFFFE0]  }
0x3cc: {  	s1 =	sadd.s32 $0x100, s21;
	v4 =	vsel vm0, $0x0, v4  }
0x3cd: {  	[tilespmem:s1+$0xFFFFFFC0] =	vst v4;
	v4 =	vld [tilespmem:s17+$0xFFFFFFE0]  }
0x3ce: {  	v5 =	vld [tilespmem:s25+$0xFFFFFFD0];
	_ =	sdelay $0x1  }
0x3cf: {  	s28 =	simm.s32 $0x5540;
	v6 =	vld [tilespmem:s24+$0xFFFFFFD0];
	v3 =	vmul.f32 v3, v2  }
0x3d0: {  	v7 =	vld [tilespmem:s28+$0xFFFFFFC0]  }
0x3d1: {  	s26 =	sadd.s32 $0x100, s24;
	v4 =	vmul.f32 v3, v4  }
0x3d2: {  	v8 =	vld [tilespmem:s26+$0xFFFFFFC0];
	v5 =	vmul.f32 v5, v2  }
0x3d3: {  	v4 =	vmul.f32 $1.111111160e+00, v4  }
0x3d4: {  	vm0 =	vlt.f32 v3, $9.999999930e-09;
	v6 =	vmul.f32 v5, v6  }
0x3d5: {  	v3 =	vmul.f32 v7, v2;
	v4 =	vsel vm0, $0x0, v4  }
0x3d6: {  	v6 =	vmul.f32 $1.111111160e+00, v6;
	[tilespmem:s21+$0xFFFFFFE0] =	vst v4  }
0x3d7: {  	vm0 =	vlt.f32 v5, $9.999999930e-09;
	v4 =	vmul.f32 v3, v8;
	v5 =	vld [tilespmem:s11+$0xFFFFFFF0]  }
0x3d8: {  	v6 =	vsel vm0, $0x0, v6  }
0x3d9: {  	v4 =	vmul.f32 $1.111111160e+00, v4;
	[tilespmem:s1+$0xFFFFFFD0] =	vst v6;
	v6 =	vld [tilespmem:s17+$0xFFFFFFF0]  }
0x3da: {  	vm0 =	vlt.f32 v3, $9.999999930e-09;
	v3 =	vld [tilespmem:s25+$0xFFFFFFE0]  }
0x3db: {  	s23 =	sadd.s32 $0x100, s1;
	v4 =	vsel vm0, $0x0, v4  }
0x3dc: {  	[tilespmem:s23+$0xFFFFFFC0] =	vst v4;
	v4 =	vld [tilespmem:s24+$0xFFFFFFE0];
	v5 =	vmul.f32 v5, v2  }
0x3dd: {  	v7 =	vld [tilespmem:s28+$0xFFFFFFD0]  }
0x3de: {  	v6 =	vmul.f32 v5, v6  }
0x3df: {  	s30 =	simm.s32 $0x55C0;
	v8 =	vld [tilespmem:s26+$0xFFFFFFD0];
	v3 =	vmul.f32 v3, v2  }
0x3e0: {  	v9 =	vld [tilespmem:s30+$0xFFFFFFC0];
	v6 =	vmul.f32 $1.111111160e+00, v6  }
0x3e1: {  	s31 =	sadd.s32 $0x100, s26;
	vm0 =	vlt.f32 v5, $9.999999930e-09;
	v4 =	vmul.f32 v3, v4  }
0x3e2: {  	v5 =	vld [tilespmem:s31+$0xFFFFFFC0];
	v7 =	vmul.f32 v7, v2;
	v6 =	vsel vm0, $0x0, v6  }
0x3e3: {  	v4 =	vmul.f32 $1.111111160e+00, v4;
	[tilespmem:s21+$0xFFFFFFF0] =	vst v6  }
0x3e4: {  	vm0 =	vlt.f32 v3, $9.999999930e-09;
	v6 =	vmul.f32 v7, v8;
	v3 =	vld [tilespmem:s11+$0x0]  }
0x3e5: {  	v8 =	vmul.f32 v9, v2;
	v4 =	vsel vm0, $0x0, v4  }
0x3e6: {  	v6 =	vmul.f32 $1.111111160e+00, v6;
	[tilespmem:s1+$0xFFFFFFE0] =	vst v4;
	v4 =	vld [tilespmem:s17+$0x0]  }
0x3e7: {  	vm0 =	vlt.f32 v7, $9.999999930e-09;
	v5 =	vmul.f32 v8, v5;
	v7 =	vld [tilespmem:s25+$0xFFFFFFF0]  }
0x3e8: {  	v6 =	vsel vm0, $0x0, v6  }
0x3e9: {  	v5 =	vmul.f32 $1.111111160e+00, v5;
	[tilespmem:s23+$0xFFFFFFD0] =	vst v6;
	v6 =	vld [tilespmem:s24+$0xFFFFFFF0];
	v3 =	vmul.f32 v3, v2  }
0x3ea: {  	vm0 =	vlt.f32 v8, $9.999999930e-09;
	v8 =	vld [tilespmem:s28+$0xFFFFFFE0]  }
0x3eb: {  	s29 =	sadd.s32 $0x100, s23;
	v5 =	vsel vm0, $0x0, v5;
	v4 =	vmul.f32 v3, v4  }
0x3ec: {  	[tilespmem:s29+$0xFFFFFFC0] =	vst v5;
	v5 =	vld [tilespmem:s26+$0xFFFFFFE0];
	v7 =	vmul.f32 v7, v2  }
0x3ed: {  	v9 =	vld [tilespmem:s30+$0xFFFFFFD0];
	v4 =	vmul.f32 $1.111111160e+00, v4  }
0x3ee: {  	vm0 =	vlt.f32 v3, $9.999999930e-09;
	v6 =	vmul.f32 v7, v6  }
0x3ef: {  	s14 =	simm.s32 $0x5640;
	v3 =	vld [tilespmem:s31+$0xFFFFFFD0];
	v8 =	vmul.f32 v8, v2;
	v4 =	vsel vm0, $0x0, v4  }
0x3f0: {  	v10 =	vld [tilespmem:s14+$0xFFFFFFC0];
	v6 =	vmul.f32 $1.111111160e+00, v6;
	[tilespmem:s21+$0x0] =	vst v4  }
0x3f1: {  	s13 =	sadd.s32 $0x100, s31;
	vm0 =	vlt.f32 v7, $9.999999930e-09;
	v4 =	vmul.f32 v8, v5;
	v5 =	vld [tilespmem:s11+$0x10]  }
0x3f2: {  	v7 =	vld [tilespmem:s13+$0xFFFFFFC0];
	v9 =	vmul.f32 v9, v2;
	v6 =	vsel vm0, $0x0, v6  }
0x3f3: {  	v4 =	vmul.f32 $1.111111160e+00, v4;
	[tilespmem:s1+$0xFFFFFFF0] =	vst v6;
	v6 =	vld [tilespmem:s17+$0x10]  }
0x3f4: {  	vm0 =	vlt.f32 v8, $9.999999930e-09;
	v3 =	vmul.f32 v9, v3;
	v8 =	vld [tilespmem:s25+$0x0]  }
0x3f5: {  	v10 =	vmul.f32 v10, v2;
	v4 =	vsel vm0, $0x0, v4  }
0x3f6: {  	v3 =	vmul.f32 $1.111111160e+00, v3;
	[tilespmem:s23+$0xFFFFFFE0] =	vst v4;
	v4 =	vld [tilespmem:s24+$0x0];
	v5 =	vmul.f32 v5, v2  }
0x3f7: {  	s7 =	simm.s32 $0x56C0;
	v7 =	vmul.f32 v10, v7;
	vm0 =	vlt.f32 v9, $9.999999930e-09;
	v9 =	vld [tilespmem:s28+$0xFFFFFFF0]  }
0x3f8: {  	v12 =	vld [tilespmem:s7+$0xFFFFFFC0];
	v3 =	vsel vm0, $0x0, v3;
	v6 =	vmul.f32 v5, v6  }
0x3f9: {  	v7 =	vmul.f32 $1.111111160e+00, v7;
	[tilespmem:s29+$0xFFFFFFD0] =	vst v3;
	v3 =	vld [tilespmem:s26+$0xFFFFFFF0];
	v8 =	vmul.f32 v8, v2  }
0x3fa: {  	s6 =	sadd.s32 $0x100, s13;
	vm0 =	vlt.f32 v10, $9.999999930e-09;
	v10 =	vld [tilespmem:s30+$0xFFFFFFE0];
	v6 =	vmul.f32 $1.111111160e+00, v6  }
0x3fb: {  	s0 =	sadd.s32 $0x100, s29;
	v11 =	vld [tilespmem:s6+$0xFFFFFFC0];
	v7 =	vsel vm0, $0x0, v7;
	vm0 =	vlt.f32 v5, $9.999999930e-09;
	v4 =	vmul.f32 v8, v4  }
0x3fc: {  	v5 =	vld [tilespmem:s31+$0xFFFFFFE0];
	[tilespmem:s0+$0xFFFFFFC0] =	vst v7;
	v7 =	vmul.f32 v9, v2;
	v6 =	vsel vm0, $0x0, v6  }
0x3fd: {  	v9 =	vld [tilespmem:s14+$0xFFFFFFD0];
	v4 =	vmul.f32 $1.111111160e+00, v4;
	[tilespmem:s21+$0x10] =	vst v6  }
0x3fe: {  	vm0 =	vlt.f32 v8, $9.999999930e-09;
	v3 =	vmul.f32 v7, v3;
	v6 =	vld [tilespmem:s11+$0x20]  }
0x3ff: {  	v8 =	vld [tilespmem:s13+$0xFFFFFFD0];
	v10 =	vmul.f32 v10, v2;
	v4 =	vsel vm0, $0x0, v4  }
0x400: {  	v12 =	vmul.f32 v12, v2;
	v3 =	vmul.f32 $1.111111160e+00, v3;
	[tilespmem:s1+$0x0] =	vst v4;
	v4 =	vld [tilespmem:s17+$0x20]  }
0x401: {  	s8 =	sadd.s32 $0x100, s6;
	vm0 =	vlt.f32 v7, $9.999999930e-09;
	v5 =	vmul.f32 v10, v5;
	v7 =	vld [tilespmem:s25+$0x10]  }
0x402: {  	v13 =	vld [tilespmem:s8+$0xFFFFFFC0];
	v11 =	vmul.f32 v12, v11;
	v9 =	vmul.f32 v9, v2;
	v3 =	vsel vm0, $0x0, v3  }
0x403: {  	v5 =	vmul.f32 $1.111111160e+00, v5;
	[tilespmem:s23+$0xFFFFFFF0] =	vst v3;
	v3 =	vld [tilespmem:s24+$0x10];
	v6 =	vmul.f32 v6, v2  }
0x404: {  	s12 =	simm.s32 $0x5740;
	v11 =	vmul.f32 $1.111111160e+00, v11;
	vm0 =	vlt.f32 v10, $9.999999930e-09;
	v8 =	vmul.f32 v9, v8;
	v10 =	vld [tilespmem:s28+$0x0]  }
0x405: {  	vm1 =	vlt.f32 v12, $9.999999930e-09;
	v12 =	vld [tilespmem:s12+$0xFFFFFFC0];
	v5 =	vsel vm0, $0x0, v5;
	v4 =	vmul.f32 v6, v4  }
0x406: {  	s22 =	sadd.s32 $0x100, s0;
	v11 =	vsel vm1, $0x0, v11;
	v14 =	vmul.f32 $1.111111160e+00, v8;
	[tilespmem:s29+$0xFFFFFFE0] =	vst v5;
	v5 =	vld [tilespmem:s26+$0x0];
	v7 =	vmul.f32 v7, v2  }
0x407: {  	[tilespmem:s22+$0xFFFFFFC0] =	vst v11;
	vm0 =	vlt.f32 v9, $9.999999930e-09;
	v9 =	vld [tilespmem:s30+$0xFFFFFFF0];
	v4 =	vmul.f32 $1.111111160e+00, v4  }
0x408: {  	v8 =	vld [tilespmem:s7+$0xFFFFFFD0];
	v11 =	vsel vm0, $0x0, v14;
	vm0 =	vlt.f32 v6, $9.999999930e-09;
	v3 =	vmul.f32 v7, v3  }
0x409: {  	v6 =	vld [tilespmem:s31+$0xFFFFFFF0];
	[tilespmem:s0+$0xFFFFFFD0] =	vst v11;
	v10 =	vmul.f32 v10, v2;
	v4 =	vsel vm0, $0x0, v4  }
0x40a: {  	v14 =	vld [tilespmem:s14+$0xFFFFFFE0];
	v3 =	vmul.f32 $1.111111160e+00, v3;
	[tilespmem:s21+$0x20] =	vst v4  }
0x40b: {  	v15 =	vmul.f32 v12, v2;
	vm0 =	vlt.f32 v7, $9.999999930e-09;
	v4 =	vmul.f32 v10, v5;
	v7 =	vld [tilespmem:s11+$0x30]  }
0x40c: {  	v16 =	vld [tilespmem:s13+$0xFFFFFFE0];
	v63 =	vmul.f32 v9, v2;
	v3 =	vsel vm0, $0x0, v3  }
0x40d: {  	v9 =	vmul.f32 v15, v13;
	v4 =	vmul.f32 $1.111111160e+00, v4;
	[tilespmem:s1+$0x10] =	vst v3;
	v3 =	vld [tilespmem:s17+$0x30]  }
0x40e: {  	vm0 =	vlt.f32 v10, $9.999999930e-09;
	v6 =	vmul.f32 v63, v6;
	v5 =	vld [tilespmem:s25+$0x20]  }
0x40f: {  	v11 =	vld [tilespmem:s6+$0xFFFFFFD0];
	v12 =	vmul.f32 $1.111111160e+00, v9;
	v10 =	vmul.f32 v14, v2;
	v4 =	vsel vm0, $0x0, v4  }
0x410: {  	s18 =	simm.s32 $0x300;
	v9 =	vmul.f32 $1.111111160e+00, v6;
	v6 =	vld [tilespmem:s24+$0x20];
	[tilespmem:s23+$0x0] =	vst v4;
	v4 =	vmul.f32 v7, v2  }
0x411: {  	s2 =	sadd.s32 $0x100, s8;
	vm1 =	vlt.f32 v15, $9.999999930e-09;
	s11 =	simm.s32 $0x5740;
	s17 =	smov.u32 s22;
	vm0 =	vlt.f32 v63, $9.999999930e-09;
	v13 =	vmul.f32 v10, v16;
	v7 =	vld [tilespmem:s28+$0x10]  }
.LBB2_19:
0x412: {  	v14 =	vld [tilespmem:s2+$0xFFFFFFC0];
	v8 =	vmul.f32 v8, v2;
	v9 =	vsel vm0, $0x0, v9;
	v3 =	vmul.f32 v4, v3  }
0x413: {  	v12 =	vsel vm1, $0x0, v12;
	v13 =	vmul.f32 $1.111111160e+00, v13;
	[tilespmem:s29+$0xFFFFFFF0] =	vst v9;
	v9 =	vld [tilespmem:s26+$0x10];
	v5 =	vmul.f32 v5, v2  }
0x414: {  	s12 =	sadd.s32 $0x80, s12;
	s22 =	sadd.s32 $0x100, s22;
	vm0 =	vlt.f32 v10, $9.999999930e-09;
	v11 =	vmul.f32 v8, v11;
	v10 =	vld [tilespmem:s30+$0x0];
	v3 =	vmul.f32 $1.111111160e+00, v3  }
0x415: {  	v15 =	vld [tilespmem:s12+$0xFFFFFFC0];
	[tilespmem:s22+$0xFFFFFFC0] =	vst v12;
	v12 =	vsel vm0, $0x0, v13;
	v6 =	vmul.f32 v5, v6;
	vm0 =	vlt.f32 v4, $9.999999930e-09  }
0x416: {  	v4 =	vmul.f32 $1.111111160e+00, v11;
	[tilespmem:s0+$0xFFFFFFE0] =	vst v12;
	v11 =	vld [tilespmem:s31+$0x0];
	v7 =	vmul.f32 v7, v2;
	v3 =	vsel vm0, $0x0, v3  }
0x417: {  	vm0 =	vlt.f32 v8, $9.999999930e-09;
	v12 =	vld [tilespmem:s14+$0xFFFFFFF0];
	v6 =	vmul.f32 $1.111111160e+00, v6;
	[tilespmem:s21+$0x30] =	vst v3;
	s21 =	smov.u32 s1;
	s1 =	smov.u32 s23;
	s23 =	smov.u32 s29  }
0x418: {  	s29 =	smov.u32 s0;
	s0 =	smov.u32 s17;
	s17 =	smov.u32 s22;
	v8 =	vld [tilespmem:s11+$0xFFFFFFD0];
	v3 =	vsel vm0, $0x0, v4;
	v4 =	vmul.f32 v7, v9;
	vm0 =	vlt.f32 v5, $9.999999930e-09  }
0x419: {  	s18 =	sadd.s32 $0x80, s18;
	[tilespmem:s0+$0xFFFFFFD0] =	vst v3;
	v5 =	vld [tilespmem:s13+$0xFFFFFFF0];
	v9 =	vmul.f32 v10, v2;
	v3 =	vsel vm0, $0x0, v6  }
0x41a: {  	p2 =	slt.u32 s18, $0x1F80;
	v6 =	vld [tilespmem:s7+$0xFFFFFFE0];
	v4 =	vmul.f32 $1.111111160e+00, v4;
	[tilespmem:s21+$0x20] =	vst v3  }
0x41b: {  	vm0 =	vlt.f32 v7, $9.999999930e-09;
	v13 =	vmul.f32 v15, v2;
	v3 =	vmul.f32 v9, v11;
	v7 =	vld [tilespmem:s25+$0x30];
	s25 =	smov.u32 s28;
	s28 =	smov.u32 s30;
	s30 =	smov.u32 s14  }
0x41c: {  	s14 =	smov.u32 s7;
	s7 =	smov.u32 s11;
	s11 =	smov.u32 s12;
	v15 =	vld [tilespmem:s6+$0xFFFFFFE0];
	v16 =	vmul.f32 v12, v2;
	v4 =	vsel vm0, $0x0, v4  }
.Ltmp8:
0x41d: {  	v10 =	vmul.f32 v13, v14;
	v14 =	vmul.f32 $1.111111160e+00, v3;
	[tilespmem:s1+$0x10] =	vst v4;
	v3 =	vld [tilespmem:s24+$0x30];
	s24 =	smov.u32 s26;
	s26 =	smov.u32 s31;
	(pc) =	sbr.rel @p2 .LBB2_19-.Ltmp8, $4  }
0x41e: {  	vm0 =	vlt.f32 v9, $9.999999930e-09;
	s31 =	smov.u32 s13;
	s13 =	smov.u32 s6;
	s6 =	smov.u32 s8;
	v4 =	vmul.f32 v16, v5;
	v5 =	vld [tilespmem:s25+$0x20]  }
0x41f: {  	s8 =	smov.u32 s2;
	v12 =	vmul.f32 $1.111111160e+00, v10;
	v11 =	vld [tilespmem:s6+$0xFFFFFFD0];
	v10 =	vmul.f32 v6, v2;
	v6 =	vsel vm0, $0x0, v14  }
0x420: {  	v9 =	vmul.f32 $1.111111160e+00, v4;
	[tilespmem:s23+$0x0] =	vst v6;
	v6 =	vld [tilespmem:s24+$0x20];
	v4 =	vmul.f32 v7, v2  }
0x421: {  	vm1 =	vlt.f32 v13, $9.999999930e-09;
	s2 =	sadd.s32 $0x100, s2;
	vm0 =	vlt.f32 v16, $9.999999930e-09;
	v13 =	vmul.f32 v10, v15;
	v7 =	vld [tilespmem:s28+$0x10]  }
0x422: {  	v12 =	vsel vm1, $0x0, v12;
	s12 =	sadd.s32 $0x100, s22  }
0x423: {  	[tilespmem:s12+$0xFFFFFFC0] =	vst v12  }
0x424: {  	v12 =	vld [tilespmem:s11+$0xFFFFFFD0];
	_ =	sdelay $0x1  }
0x425: {  	v14 =	vld [tilespmem:s8+$0xFFFFFFD0];
	_ =	sdelay $0x1  }
0x426: {  	v8 =	vmul.f32 v8, v2  }
0x427: {  	v12 =	vmul.f32 v12, v2  }
0x428: {  	v11 =	vmul.f32 v8, v11  }
0x429: {  	v14 =	vmul.f32 v12, v14  }
0x42a: {  	v11 =	vmul.f32 $1.111111160e+00, v11  }
0x42b: {  	vm10 =	vlt.f32 v8, $9.999999930e-09;
	v38 =	vmul.f32 $1.111111160e+00, v14  }
0x42c: {  	v11 =	vsel vm10, $0x0, v11;
	vm11 =	vlt.f32 v12, $9.999999930e-09  }
0x42d: {  	[tilespmem:s17+$0xFFFFFFD0] =	vst v11;
	v8 =	vsel vm11, $0x0, v38  }
0x42e: {  	v11 =	vld [tilespmem:s7+$0xFFFFFFE0];
	[tilespmem:s12+$0xFFFFFFD0] =	vst v8  }
0x42f: {  	v8 =	vld [tilespmem:s11+$0xFFFFFFE0]  }
0x430: {  	v39 =	vld [tilespmem:s6+$0xFFFFFFE0]  }
0x431: {  	v40 =	vld [tilespmem:s8+$0xFFFFFFE0];
	_ =	sdelay $0x1  }
0x432: {  	v13 =	vmul.f32 $1.111111160e+00, v13;
	v11 =	vmul.f32 v11, v2  }
0x433: {  	vm12 =	vlt.f32 v10, $9.999999930e-09;
	v8 =	vmul.f32 v8, v2  }
0x434: {  	v13 =	vsel vm12, $0x0, v13;
	v12 =	vmul.f32 v11, v39  }
0x435: {  	[tilespmem:s0+$0xFFFFFFE0] =	vst v13;
	v41 =	vmul.f32 v8, v40  }
0x436: {  	v42 =	vld [tilespmem:s14+$0xFFFFFFF0];
	v12 =	vmul.f32 $1.111111160e+00, v12  }
0x437: {  	vm13 =	vlt.f32 v11, $9.999999930e-09;
	v10 =	vmul.f32 $1.111111160e+00, v41  }
0x438: {  	v43 =	vld [tilespmem:s13+$0xFFFFFFF0];
	v12 =	vsel vm13, $0x0, v12;
	vm14 =	vlt.f32 v8, $9.999999930e-09  }
0x439: {  	[tilespmem:s17+$0xFFFFFFE0] =	vst v12;
	v10 =	vsel vm14, $0x0, v10  }
0x43a: {  	v12 =	vld [tilespmem:s7+$0xFFFFFFF0];
	[tilespmem:s12+$0xFFFFFFE0] =	vst v10  }
0x43b: {  	v11 =	vmul.f32 v42, v2;
	v10 =	vld [tilespmem:s11+$0xFFFFFFF0]  }
0x43c: {  	v44 =	vld [tilespmem:s6+$0xFFFFFFF0]  }
0x43d: {  	v8 =	vmul.f32 v11, v43;
	v45 =	vld [tilespmem:s8+$0xFFFFFFF0];
	_ =	sdelay $0x1  }
0x43e: {  	v9 =	vsel vm0, $0x0, v9;
	v8 =	vmul.f32 $1.111111160e+00, v8;
	v12 =	vmul.f32 v12, v2  }
0x43f: {  	[tilespmem:s29+$0xFFFFFFF0] =	vst v9;
	vm15 =	vlt.f32 v11, $9.999999930e-09;
	v10 =	vmul.f32 v10, v2  }
0x440: {  	v47 =	vld [tilespmem:s30+$0x0];
	v8 =	vsel vm15, $0x0, v8;
	v46 =	vmul.f32 v12, v44  }
0x441: {  	v49 =	vld [tilespmem:s31+$0x0];
	[tilespmem:s0+$0xFFFFFFF0] =	vst v8;
	v48 =	vmul.f32 v10, v45  }
0x442: {  	v51 =	vld [tilespmem:s14+$0x0];
	v9 =	vmul.f32 $1.111111160e+00, v46  }
0x443: {  	vm4 =	vlt.f32 v12, $9.999999930e-09;
	v50 =	vmul.f32 $1.111111160e+00, v48  }
0x444: {  	v52 =	vld [tilespmem:s13+$0x0];
	v9 =	vsel vm4, $0x0, v9;
	vm5 =	vlt.f32 v10, $9.999999930e-09  }
0x445: {  	v53 =	vmul.f32 v47, v2;
	[tilespmem:s17+$0xFFFFFFF0] =	vst v9;
	v8 =	vsel vm5, $0x0, v50  }
0x446: {  	v54 =	vld [tilespmem:s7+$0x0];
	[tilespmem:s12+$0xFFFFFFF0] =	vst v8  }
0x447: {  	v13 =	vmul.f32 v53, v49;
	v11 =	vmul.f32 v51, v2;
	v8 =	vld [tilespmem:s11+$0x0]  }
0x448: {  	v55 =	vld [tilespmem:s6+$0x0]  }
0x449: {  	v13 =	vmul.f32 $1.111111160e+00, v13;
	v56 =	vmul.f32 v11, v52;
	v15 =	vld [tilespmem:s8+$0x0]  }
0x44a: {  	vm6 =	vlt.f32 v53, $9.999999930e-09  }
0x44b: {  	v58 =	vsel vm6, $0x0, v13;
	v9 =	vmul.f32 $1.111111160e+00, v56;
	v57 =	vmul.f32 v54, v2  }
0x44c: {  	[tilespmem:s29+$0x0] =	vst v58;
	vm7 =	vlt.f32 v11, $9.999999930e-09;
	v8 =	vmul.f32 v8, v2  }
0x44d: {  	v61 =	vld [tilespmem:s30+$0x10];
	v9 =	vsel vm7, $0x0, v9;
	v60 =	vmul.f32 v57, v55  }
0x44e: {  	v63 =	vld [tilespmem:s31+$0x10];
	[tilespmem:s0+$0x0] =	vst v9;
	v62 =	vmul.f32 v8, v15  }
0x44f: {  	v18 =	vld [tilespmem:s14+$0x10];
	v12 =	vmul.f32 $1.111111160e+00, v60  }
0x450: {  	vm8 =	vlt.f32 v57, $9.999999930e-09;
	v17 =	vmul.f32 $1.111111160e+00, v62  }
0x451: {  	v20 =	vld [tilespmem:s13+$0x10];
	v19 =	vsel vm8, $0x0, v12;
	vm9 =	vlt.f32 v8, $9.999999930e-09  }
0x452: {  	v59 =	vld [tilespmem:s26+$0x10];
	v22 =	vmul.f32 v61, v2;
	[tilespmem:s17+$0x0] =	vst v19;
	v9 =	vsel vm9, $0x0, v17  }
0x453: {  	v23 =	vld [tilespmem:s7+$0x10];
	[tilespmem:s12+$0x0] =	vst v9  }
0x454: {  	v14 =	vmul.f32 v22, v63;
	v25 =	vmul.f32 v18, v2;
	v9 =	vld [tilespmem:s11+$0x10]  }
0x455: {  	v7 =	vmul.f32 v7, v2;
	v24 =	vld [tilespmem:s6+$0x10]  }
0x456: {  	v14 =	vmul.f32 $1.111111160e+00, v14;
	v8 =	vmul.f32 v25, v20;
	v26 =	vld [tilespmem:s8+$0x10]  }
0x457: {  	v21 =	vmul.f32 v7, v59;
	vm11 =	vlt.f32 v22, $9.999999930e-09  }
0x458: {  	v28 =	vsel vm11, $0x0, v14;
	v8 =	vmul.f32 $1.111111160e+00, v8;
	v27 =	vmul.f32 v23, v2  }
0x459: {  	[tilespmem:s29+$0x10] =	vst v28;
	v11 =	vmul.f32 $1.111111160e+00, v21;
	vm12 =	vlt.f32 v25, $9.999999930e-09;
	v9 =	vmul.f32 v9, v2  }
0x45a: {  	vm10 =	vlt.f32 v7, $9.999999930e-09;
	v31 =	vld [tilespmem:s30+$0x20];
	v8 =	vsel vm12, $0x0, v8;
	v30 =	vmul.f32 v27, v24  }
0x45b: {  	v34 =	vld [tilespmem:s31+$0x20];
	v11 =	vsel vm10, $0x0, v11;
	[tilespmem:s0+$0x10] =	vst v8;
	v32 =	vmul.f32 v9, v26  }
0x45c: {  	v5 =	vmul.f32 v5, v2;
	[tilespmem:s23+$0x10] =	vst v11;
	v8 =	vld [tilespmem:s14+$0x20];
	v11 =	vmul.f32 $1.111111160e+00, v30  }
0x45d: {  	v29 =	vld [tilespmem:s28+$0x20];
	vm13 =	vlt.f32 v27, $9.999999930e-09;
	v7 =	vmul.f32 $1.111111160e+00, v32  }
0x45e: {  	v6 =	vmul.f32 v5, v6;
	v36 =	vld [tilespmem:s13+$0x20];
	v11 =	vsel vm13, $0x0, v11;
	vm14 =	vlt.f32 v9, $9.999999930e-09  }
0x45f: {  	v37 =	vmul.f32 v31, v2;
	v33 =	vld [tilespmem:s26+$0x20];
	[tilespmem:s17+$0x10] =	vst v11;
	v7 =	vsel vm14, $0x0, v7  }
0x460: {  	v6 =	vmul.f32 $1.111111160e+00, v6;
	v38 =	vld [tilespmem:s7+$0x20];
	[tilespmem:s12+$0x10] =	vst v7  }
0x461: {  	v41 =	vmul.f32 v37, v34;
	v8 =	vmul.f32 v8, v2;
	v40 =	vld [tilespmem:s11+$0x20]  }
0x462: {  	vm15 =	vlt.f32 v5, $9.999999930e-09;
	v35 =	vmul.f32 v29, v2;
	v42 =	vld [tilespmem:s6+$0x20]  }
0x463: {  	v6 =	vsel vm15, $0x0, v6;
	v5 =	vmul.f32 $1.111111160e+00, v41;
	v44 =	vmul.f32 v8, v36;
	v43 =	vld [tilespmem:s8+$0x20]  }
0x464: {  	[tilespmem:s1+$0x20] =	vst v6;
	vm5 =	vlt.f32 v37, $9.999999930e-09;
	v39 =	vmul.f32 v35, v33  }
0x465: {  	v6 =	vld [tilespmem:s25+$0x30];
	v5 =	vsel vm5, $0x0, v5;
	v9 =	vmul.f32 $1.111111160e+00, v44;
	v45 =	vmul.f32 v38, v2  }
0x466: {  	v46 =	vld [tilespmem:s24+$0x30];
	[tilespmem:s29+$0x20] =	vst v5;
	vm6 =	vlt.f32 v8, $9.999999930e-09;
	v7 =	vmul.f32 $1.111111160e+00, v39;
	v10 =	vmul.f32 v40, v2  }
0x467: {  	v50 =	vld [tilespmem:s30+$0x30];
	vm4 =	vlt.f32 v35, $9.999999930e-09;
	v9 =	vsel vm6, $0x0, v9;
	v13 =	vmul.f32 v45, v42  }
0x468: {  	v51 =	vld [tilespmem:s31+$0x30];
	[tilespmem:s0+$0x20] =	vst v9;
	v7 =	vsel vm4, $0x0, v7;
	v49 =	vmul.f32 v10, v43  }
0x469: {  	v52 =	vld [tilespmem:s14+$0x30];
	[tilespmem:s23+$0x20] =	vst v7;
	v13 =	vmul.f32 $1.111111160e+00, v13  }
0x46a: {  	vm7 =	vlt.f32 v45, $9.999999930e-09;
	v47 =	vld [tilespmem:s28+$0x30];
	v8 =	vmul.f32 $1.111111160e+00, v49  }
0x46b: {  	v53 =	vld [tilespmem:s13+$0x30];
	v13 =	vsel vm7, $0x0, v13;
	vm8 =	vlt.f32 v10, $9.999999930e-09  }
0x46c: {  	v3 =	vmul.f32 v4, v3;
	v56 =	vmul.f32 v50, v2;
	v48 =	vld [tilespmem:s26+$0x30];
	[tilespmem:s17+$0x20] =	vst v13;
	v8 =	vsel vm8, $0x0, v8  }
0x46d: {  	v6 =	vmul.f32 v6, v2;
	v13 =	vld [tilespmem:s7+$0x30];
	[tilespmem:s12+$0x20] =	vst v8  }
0x46e: {  	v3 =	vmul.f32 $1.111111160e+00, v3;
	v9 =	vmul.f32 v56, v51;
	v8 =	vld [tilespmem:s11+$0x30]  }
0x46f: {  	v7 =	vmul.f32 v6, v46;
	v55 =	vld [tilespmem:s6+$0x30];
	v11 =	vmul.f32 v47, v2  }
0x470: {  	vm10 =	vlt.f32 v6, $9.999999930e-09;
	v59 =	vmul.f32 $1.111111160e+00, v9;
	v12 =	vmul.f32 v52, v2;
	v57 =	vld [tilespmem:s8+$0x30]  }
0x471: {  	vm9 =	vlt.f32 v4, $9.999999930e-09;
	v7 =	vmul.f32 $1.111111160e+00, v7;
	v54 =	vmul.f32 v11, v48  }
0x472: {  	vm12 =	vlt.f32 v56, $9.999999930e-09;
	v10 =	vmul.f32 v12, v53;
	v58 =	vmul.f32 v13, v2  }
0x473: {  	v3 =	vsel vm9, $0x0, v3;
	v4 =	vmul.f32 $1.111111160e+00, v54;
	v2 =	vmul.f32 v8, v2  }
0x474: {  	[tilespmem:s21+$0x30] =	vst v3;
	v7 =	vsel vm10, $0x0, v7;
	vm11 =	vlt.f32 v11, $9.999999930e-09;
	v5 =	vmul.f32 v58, v55  }
0x475: {  	[tilespmem:s1+$0x30] =	vst v7;
	v60 =	vmul.f32 $1.111111160e+00, v10;
	v3 =	vsel vm11, $0x0, v4;
	v61 =	vmul.f32 v2, v57  }
0x476: {  	s30 =	sadd.s32 s5, s19;
	vm13 =	vlt.f32 v12, $9.999999930e-09;
	[tilespmem:s23+$0x30] =	vst v3;
	v3 =	vsel vm12, $0x0, v59;
	v62 =	vmul.f32 $1.111111160e+00, v5  }
0x477: {  	s1 =	sshll.u32 s30, $0x4;
	vm14 =	vlt.f32 v58, $9.999999930e-09;
	[tilespmem:s29+$0x30] =	vst v3;
	v3 =	vsel vm13, $0x0, v60;
	v63 =	vmul.f32 $1.111111160e+00, v61  }
0x478: {  	s31 =	sand.u32 $0x70, s1;
	[tilespmem:s0+$0x30] =	vst v3;
	v3 =	vsel vm14, $0x0, v62;
	vm15 =	vlt.f32 v2, $9.999999930e-09  }
0x479: {  	s0 =	sadd.s32 s31, s10;
	[tilespmem:s17+$0x30] =	vst v3;
	v2 =	vsel vm15, $0x0, v63  }
0x47a: {  	s2 =	sadd.s32 $0x100, s20;
	s1 =	simm.s32 $0x80;
	s6 =	sadd.s32 $0x0, s0;
	[tilespmem:s12+$0x30] =	vst v2  }
.LBB2_21:
0x47b: {  	[hbm4b:s6+s3] =	stream.linear.scatter [tilespmem:s20], [sflag:$0x2], $0x80, $0x38;
	[tilespmem:$0xF400] =	vst v63  }
0x47c: {  	s6 =	smov.u32 s1;
	s20 =	smov.u32 s2;
	p2 =	sne.s32 s1, $0x1F80  }
.Ltmp9:
0x47d: {  	s1 =	sadd.s32 $0x80, s1;
	(pc) =	sbr.rel @p2 .LBB2_21-.Ltmp9, $2  }
0x47e: {  	_ =	sdelay $0x2  }
0x47f: {  	s2 =	sadd.s32 $0x100, s2;
	s6 =	sadd.s32 s6, s0  }
0x480: {  	s19 =	sadd.s32 $0x1, s19  }
0x481: {  	p2 =	sne.s32 s19, $0x4  }
.Ltmp10:
0x482: {  	_ = 	snop;
	(pc) =	sbr.rel @p2 .LBB2_4-.Ltmp10, $3  }
0x483: {  	_ =	sdelay $0x1  }
0x484: {  	[hbm4b:s6+s3] =	stream.linear.scatter [tilespmem:s20], [sflag:$0x2], $0x80, $0x38;
	[tilespmem:$0xF400] =	vst v63  }
0x485: {  	p0 =	por !p0, !p0;
	p1 =	por !p1, !p1  }
0x486: {  	s1 =	simm.s32 $0x2  }
0x487: {  	_ =	swait.ge [sflag:s1], $0x2000  }
0x488: {  	[sflag:s1] =	ssyncset.done $0x0  }
0x489: {  	[sflag:s1] =	ssyncadd.s32 $0xFFFFE000  }
0x48a: {  	_ =	swait.ge [sflag:s1], $0x2000  }
0x48b: {  	s2 =	rddreg [dreg:$0x8]  }
0x48c: {  	s0 =	rddreg [dreg:$0x7];
	s2 =	sadd.s32 $0x1, s2  }
0x48d: {  	p0 =	sne.s32 s2, s0  }
.Ltmp11:
0x48e: {  	_ = 	snop;
	(pc) =	sbr.rel @p0 .LBB2_1-.Ltmp11, $3  }
0x48f: {  	_ =	sdelay $0x1  }
0x490: {  	[sflag:s1] =	ssyncset.done $0x0  }
0x491: {  	[sflag:s1] =	ssyncadd.s32 $0xFFFFE000  }
0x492: {  	_ =	sfence.sel $0x180000  }
0x493: {  	[bflag:$0x0] =	sbarrier.arrive $0xFFFF  }
0x494: {  	_ =	strace $0x90000047  }
0x495: {  	s0 =	stileid.u32;
	[bflag:$0x2] =	sbarrier.arrive $0xFFFF  }
0x496: {  	p0 =	sne.s32 s0, $0x0;
	s0 =	rddreg [dreg:$0x3]  }
0x497: {  	s0 =	sadd.s32 @!p0 $0x100000, s0  }
0x498: {  	[sflag:s0] =	ssyncadd.tile.s32 @!p0 $0x1;
	_ =	shalt  }
.Lfunc_end2:
_tile_overlayer_lowered:
.L_overlay_start_2:
0x499: {  	(tag) =	ssettag $0x2  }
0x49a: {  	s0 =	rddreg [dreg:$0x0];
	s2 =	stileid.u32  }
0x49b: {  	s1 =	rddreg [dreg:$0x1];
	p0 =	sne.s32 s2, $0x0  }
0x49c: {  	s3 =	rddreg [dreg:$0x2];
	[bflag:$0x3] =	sbarrier.arrive $0xFFFF;
	s2 =	simm.s32 @!p0 $0x1C03  }
0x49d: {  	[timem:s3], [sflag:s2] =	dma.local @!p0 [hbm:s0], s1  }
0x49e: {  	s0 =	simm.s32 @!p0 $0x3  }
0x49f: {  	_ =	swait.ge @!p0 [sflag:s0], s1  }
0x4a0: {  	s1 =	ssub.s32 @!p0 $0x0, s1;
	[sflag:s0] =	ssyncset.done @!p0 $0x0  }
0x4a1: {  	[sflag:s0] =	ssyncadd.s32 @!p0 s1  }
0x4a2: {  	[bflag:$0x3] =	sbarrier.arrive $0xFFFF  }
0x4a3: {  	_ =	shalt  }

</sc_bundles>
